<compile_context>
chip_gen: v7x
topology: tpu7x:2x2x1
jax: 0.10.2.dev20260603
libtpu: 0.0.44.dev20260713+nightly
codegen_flags: <defaults>
</compile_context>

<pallas_src>
import functools

import jax
import jax.numpy as jnp
import numpy as np
from jax import lax
from jax.experimental import pallas as pl
from jax.experimental.pallas import tpu as pltpu
from jax.experimental.pallas import tpu_sc as plsc

N_VIEWS = 3
SCALES = (56, 28, 14, 7)
CHANS = (64, 128, 256, 512)
COFF = (0, 64, 192, 448)
CTOT = 960
OUTW = 3 + 3 * CTOT

NC = 2
NS = 16
NW = NC * NS
LANES = 16


def _cam(param):
    theta = param[0] * (np.pi / 180.0)
    camy = param[3] * jnp.sin(param[1] * (np.pi / 180.0))
    lens = param[3] * jnp.cos(param[1] * (np.pi / 180.0))
    camx = lens * jnp.cos(theta)
    camz = lens * jnp.sin(theta)
    Z = jnp.stack([camx, camy, camz])
    x = camy * jnp.cos(theta + np.pi)
    z = camy * jnp.sin(theta + np.pi)
    Y = jnp.stack([x, lens, z])
    X = jnp.cross(Y, Z)
    cm = jnp.stack([
        X / jnp.linalg.norm(X),
        Y / jnp.linalg.norm(Y),
        Z / jnp.linalg.norm(Z),
    ])
    return cm, Z


def _fast_sqrt(x):
    i = lax.bitcast_convert_type(x, jnp.int32)
    i = jnp.int32(0x5F3759DF) - (i >> 1)
    y = lax.bitcast_convert_type(i, jnp.float32)
    for _ in range(3):
        y = y * (1.5 - 0.5 * x * y * y)
    return x * y


def _sc_kernel(n_pts, n_chunks):
    q, r = divmod(n_chunks, NW)
    max_chunks = q + (1 if r else 0)
    max_pts = max_chunks * LANES

    mesh = plsc.VectorSubcoreMesh(core_axis_name="c", subcore_axis_name="s",
                                  num_cores=NC, num_subcores=NS)

    @functools.partial(
        pl.kernel,
        out_type=jax.ShapeDtypeStruct((n_pts, OUTW), jnp.float32),
        mesh=mesh,
        compiler_params=pltpu.CompilerParams(
            use_tc_tiling_on_sc=False, needs_layout_passes=False),
        scratch_types=[
            pltpu.VMEM((max_pts,), jnp.float32),
            pltpu.VMEM((max_pts,), jnp.float32),
            pltpu.VMEM((max_pts,), jnp.float32),
            pltpu.VMEM((N_VIEWS, 3, max_pts), jnp.float32),
            pltpu.VMEM((12, LANES), jnp.int32),
            pltpu.VMEM((N_VIEWS, LANES, CHANS[0]), jnp.float32),
            pltpu.VMEM((N_VIEWS, LANES, CHANS[1]), jnp.float32),
            pltpu.VMEM((N_VIEWS, LANES, CHANS[2]), jnp.float32),
            pltpu.VMEM((N_VIEWS, LANES, CHANS[3]), jnp.float32),
            pltpu.VMEM((LANES, OUTW), jnp.float32),
            pltpu.SemaphoreType.DMA,
        ],
    )
    def body(xs_h, ys_h, zs_h, pc_h, t0_h, t1_h, t2_h, t3_h, out_h,
             xs_v, ys_v, zs_v, pc_v, idx_v, g0, g1, g2, g3,
             outb, sem):
        gbufs = (g0, g1, g2, g3)
        tabs = (t0_h, t1_h, t2_h, t3_h)

        wid = lax.axis_index("s") * NC + lax.axis_index("c")
        start_chunk = wid * q + jnp.minimum(wid, r)
        cnt = q + jnp.where(wid < r, 1, 0).astype(jnp.int32)
        p0 = start_chunk * LANES

        pltpu.sync_copy(xs_h.at[pl.ds(p0, max_pts)], xs_v)
        pltpu.sync_copy(ys_h.at[pl.ds(p0, max_pts)], ys_v)
        pltpu.sync_copy(zs_h.at[pl.ds(p0, max_pts)], zs_v)
        for i in range(N_VIEWS):
            for c in range(3):
                pltpu.sync_copy(pc_h.at[i, c, pl.ds(p0, max_pts)],
                                pc_v.at[i, c])

        lane = lax.iota(jnp.int32, LANES)
        zero = jnp.zeros((LANES,), jnp.float32)

        def chunk_body(k, _):
            base = k * LANES
            row0 = p0 + base
            xv = xs_v[pl.ds(base, LANES)]
            yv = ys_v[pl.ds(base, LANES)]
            zv = zs_v[pl.ds(base, LANES)]

            plsc.store_scatter(outb, [lane, jnp.zeros((LANES,), jnp.int32)], xv)
            plsc.store_scatter(outb, [lane, jnp.full((LANES,), 1, jnp.int32)], yv)
            plsc.store_scatter(outb, [lane, jnp.full((LANES,), 2, jnp.int32)], zv)

            for i in range(N_VIEWS):
                Xc = pc_v[i, 0, pl.ds(base, LANES)]
                Yc = pc_v[i, 1, pl.ds(base, LANES)]
                Zc = pc_v[i, 2, pl.ds(base, LANES)]
                nz = -Zc
                h = 248.0 * ((-Yc) / nz) + 112.0
                w = 248.0 * (Xc / nz) + 112.0
                h = jnp.where(h != h, zero, h)
                w = jnp.where(w != w, zero, w)
                h = jnp.minimum(jnp.maximum(h, 0.0), 223.0)
                w = jnp.minimum(jnp.maximum(w, 0.0), 223.0)
                for j in range(4):
                    inv_f = float(SCALES[j]) / 224.0
                    hi = (h * inv_f).astype(jnp.int32)
                    wi = (w * inv_f).astype(jnp.int32)
                    idx_v[i * 4 + j, :] = hi * SCALES[j] + wi

            copies = []
            for i in range(N_VIEWS):
                for j in range(4):
                    copies.append(pltpu.async_copy(
                        tabs[j].at[idx_v.at[i * 4 + j]], gbufs[j].at[i], sem))
            for cp in copies:
                cp.wait()

            def point_body(p, _):
                rows_p = p + jnp.zeros((LANES,), jnp.int32)
                for j in range(4):
                    g = gbufs[j]
                    coff = COFF[j]

                    def cvec_body(c, _):
                        col = c * LANES
                        v0 = g[0, p, pl.ds(col, LANES)]
                        v1 = g[1, p, pl.ds(col, LANES)]
                        v2 = g[2, p, pl.ds(col, LANES)]
                        mx = jnp.maximum(jnp.maximum(v0, v1), v2)
                        mn = ((v0 + v1) + v2) / 3.0
                        d0 = v0 - mn
                        d1 = v1 - mn
                        d2 = v2 - mn
                        var = ((d0 * d0 + d1 * d1) + d2 * d2) / 3.0 + 1e-12
                        sd = _fast_sqrt(var)
                        cols = lane + (3 + coff + col)
                        plsc.store_scatter(outb, [rows_p, cols], mx)
                        plsc.store_scatter(outb, [rows_p, cols + CTOT], mn)
                        plsc.store_scatter(outb, [rows_p, cols + 2 * CTOT], sd)
                        return ()

                    lax.fori_loop(0, CHANS[j] // LANES, cvec_body, ())
                return ()

            lax.fori_loop(0, LANES, point_body, ())

            pltpu.sync_copy(outb, out_h.at[pl.ds(row0, LANES)])
            return ()

        lax.fori_loop(0, cnt, chunk_body, ())

    return body


def kernel(inputs, img_feat0, img_feat1, img_feat2, img_feat3, cameras):
    n_pts = inputs.shape[0]
    n_chunks = n_pts // LANES
    assert n_pts % LANES == 0

    c0m, o0 = _cam(cameras[0])
    point_origin = inputs @ jnp.linalg.inv(c0m).T + o0
    pcs = []
    for i in range(N_VIEWS):
        cm, oi = _cam(cameras[i])
        pcs.append((point_origin - oi) @ cm.T)
    pc = jnp.transpose(jnp.stack(pcs), (0, 2, 1))

    feats = (img_feat0, img_feat1, img_feat2, img_feat3)
    tabs = [
        jnp.transpose(f[0], (1, 2, 0)).reshape(SCALES[j] * SCALES[j], CHANS[j])
        for j, f in enumerate(feats)
    ]

    q, r = divmod(n_chunks, NW)
    max_pts = (q + (1 if r else 0)) * LANES
    pad = NW * max_pts - n_pts
    xs = jnp.concatenate([inputs[:, 0], jnp.zeros((pad,), jnp.float32)])
    ys = jnp.concatenate([inputs[:, 1], jnp.zeros((pad,), jnp.float32)])
    zs = jnp.concatenate([inputs[:, 2], jnp.zeros((pad,), jnp.float32)])
    pc = jnp.concatenate(
        [pc, jnp.full((N_VIEWS, 3, pad), -1.0, jnp.float32)], axis=2)

    fn = _sc_kernel(n_pts, n_chunks)
    return fn(xs, ys, zs, pc, tabs[0], tabs[1], tabs[2], tabs[3])

# --- scband reference (transcript-rebuilt; emitter-appended) ---
"""Pipeline reference for scband-graph-projection-2465311228494 (READ-ONLY COPY).

The authoritative reference and input builder live on the scoring server;
editing this copy changes nothing except your own understanding.
"""

import jax, jax.numpy as jnp
import numpy as np

VIEW_NUMBER = 3
SCALES = [56, 28, 14, 7]


def _unit(v):
    return v / jnp.linalg.norm(v)


def camera_mat(param):
    # Pixel2Mesh++ ShapeNet camera parameterization:
    # param[0]=azimuth(deg), param[1]=elevation(deg), param[3]=distance
    theta = param[0] * (np.pi / 180.0)
    camy = param[3] * jnp.sin(param[1] * (np.pi / 180.0))
    lens = param[3] * jnp.cos(param[1] * (np.pi / 180.0))
    camx = lens * jnp.cos(theta)
    camz = lens * jnp.sin(theta)
    Z = jnp.stack([camx, camy, camz])
    x = camy * jnp.cos(theta + np.pi)
    z = camy * jnp.sin(theta + np.pi)
    Y = jnp.stack([x, lens, z])
    X = jnp.cross(Y, Z)
    cm_mat = jnp.stack([_unit(X), _unit(Y), _unit(Z)])
    return cm_mat, Z


def camera_trans(param, xyz):
    c, o = camera_mat(param)
    return (xyz - o) @ c.T


def camera_trans_inv(param, xyz):
    c, o = camera_mat(param)
    return xyz @ jnp.linalg.inv(c).T + o


def gather_nd(params, indices):
    # params: [B, H, W, C]; indices: [N, 3] int -> [N, C]
    return params[indices[:, 0], indices[:, 1], indices[:, 2]]


def reduce_std(x, axis=0):
    m = jnp.mean(x, axis=axis, keepdims=True)
    return jnp.sqrt(jnp.mean((x - m) ** 2, axis=axis) + 1e-12)


def setup_inputs(seed: int = 0) -> dict:
    key = jax.random.key(seed)
    k1, k2, k3, k4, k5, k6 = jax.random.split(key, 6)
    N = 20000
    inputs = jax.random.normal(k1, (N, 3), dtype=jnp.float32)
    img_feat0 = jax.random.normal(k2, (3, 64, 56, 56), dtype=jnp.float32)
    img_feat1 = jax.random.normal(k3, (3, 128, 28, 28), dtype=jnp.float32)
    img_feat2 = jax.random.normal(k4, (3, 256, 14, 14), dtype=jnp.float32)
    img_feat3 = jax.random.uniform(k5, (3, 512, 7, 7), dtype=jnp.float32)
    cameras = jax.random.uniform(k6, (3, 5), dtype=jnp.float32)
    return {
        'inputs': inputs,
        'img_feat0': img_feat0,
        'img_feat1': img_feat1,
        'img_feat2': img_feat2,
        'img_feat3': img_feat3,
        'cameras': cameras,
    }


def reference(inputs, img_feat0, img_feat1, img_feat2, img_feat3, cameras):
    img_feat = [img_feat0, img_feat1, img_feat2, img_feat3]
    coord = jnp.squeeze(inputs)
    point_origin = camera_trans_inv(cameras[0], inputs)
    out_lists = [[], [], [], []]
    for i in range(VIEW_NUMBER):
        point_current = camera_trans(cameras[i], point_origin)
        X = point_current[:, 0]
        Y = point_current[:, 1]
        Z = point_current[:, 2]
        h = 248.0 * ((-Y) / (-Z)) + 112.0
        w = 248.0 * (X / (-Z)) + 112.0
        h = jnp.nan_to_num(h)
        w = jnp.nan_to_num(w)
        h = jnp.clip(h, 0.0, 223.0)
        w = jnp.clip(w, 0.0, 223.0)
        n = jnp.full(h.shape, float(i), dtype=jnp.float32)
        indices = jnp.stack([n, h, w], axis=1)
        for j in range(4):
            idx = (indices / (224.0 / SCALES[j])).astype(jnp.int32)
            featp = jnp.transpose(img_feat[j], (0, 2, 3, 1))
            out_lists[j].append(gather_nd(featp, idx))
    all_out1 = jnp.stack(out_lists[0], 0)
    all_out2 = jnp.stack(out_lists[1], 0)
    all_out3 = jnp.stack(out_lists[2], 0)
    all_out4 = jnp.stack(out_lists[3], 0)
    image_feature = jnp.concatenate([all_out1, all_out2, all_out3, all_out4], axis=2)
    image_feature_max = jnp.max(image_feature, axis=0)
    image_feature_mean = jnp.mean(image_feature, axis=0)
    image_feature_std = reduce_std(image_feature, axis=0)
    outputs = jnp.concatenate([coord, image_feature_max, image_feature_mean, image_feature_std], axis=1)
    return outputs

if __name__ == "__main__":
    import jax
    _d = setup_inputs()
    print(jax.jit(kernel)(*tuple(_d.values())))

</pallas_src>

<mosaic_0001>
#map = affine_map<(d0, d1) -> (0)>
#map1 = affine_map<(d0, d1) -> (0, 0, 0)>
#map2 = affine_map<(d0, d1) -> (0, 0)>
module attributes {stable_mosaic.version = 14 : i64} {
  func.func @body(%arg0: i32, %arg1: i32, %arg2: memref<20480xf32, #tpu.memory_space<hbm>>, %arg3: memref<20480xf32, #tpu.memory_space<hbm>>, %arg4: memref<20480xf32, #tpu.memory_space<hbm>>, %arg5: memref<3x3x20480xf32, #tpu.memory_space<hbm>>, %arg6: memref<3136x64xf32, #tpu.memory_space<hbm>>, %arg7: memref<784x128xf32, #tpu.memory_space<hbm>>, %arg8: memref<196x256xf32, #tpu.memory_space<hbm>>, %arg9: memref<49x512xf32, #tpu.memory_space<hbm>>, %arg10: memref<20000x2883xf32, #tpu.memory_space<hbm>>, %arg11: memref<640xf32, #tpu.memory_space<vmem>>, %arg12: memref<640xf32, #tpu.memory_space<vmem>>, %arg13: memref<640xf32, #tpu.memory_space<vmem>>, %arg14: memref<3x3x640xf32, #tpu.memory_space<vmem>>, %arg15: memref<12x16xi32, #tpu.memory_space<vmem>>, %arg16: memref<3x16x64xf32, #tpu.memory_space<vmem>>, %arg17: memref<3x16x128xf32, #tpu.memory_space<vmem>>, %arg18: memref<3x16x256xf32, #tpu.memory_space<vmem>>, %arg19: memref<3x16x512xf32, #tpu.memory_space<vmem>>, %arg20: memref<16x2883xf32, #tpu.memory_space<vmem>>, %arg21: memref<!tpu.dma_semaphore, #tpu.memory_space<semaphore_mem>>) attributes {dimension_semantics = [#tpu.dimension_semantics<core_parallel>, #tpu.dimension_semantics<subcore_parallel>], iteration_bounds = array<i64: 2, 16>, scalar_prefetch = 0 : i64, scratch_operands = 11 : i64, tpu.core_type = #tpu.core_type<sc_vector_subcore>, window_params = [{transform_indices = #map}, {transform_indices = #map}, {transform_indices = #map}, {transform_indices = #map1}, {transform_indices = #map2}, {transform_indices = #map2}, {transform_indices = #map2}, {transform_indices = #map2}, {transform_indices = #map2}]} {
    %mul3A = arith.constant 2 : i32
    %mul3A_0 = arith.muli %arg1, %mul3A : i32
    %add3A = arith.addi %mul3A_0, %arg0 : i32
    %mul3A_1 = arith.constant 39 : i32
    %mul3A_2 = arith.muli %add3A, %mul3A_1 : i32
    %min3A = arith.constant 2 : i32
    %min3A_3 = arith.minsi %add3A, %min3A : i32
    %add3A_4 = arith.addi %mul3A_2, %min3A_3 : i32
    %lt3A = arith.constant 2 : i32
    %lt3A_5 = arith.cmpi slt, %add3A, %lt3A : i32
    %jit3A = arith.constant 1 : i32
    %jit3A_6 = arith.constant 0 : i32
    %select_n3A = arith.select %lt3A_5, %jit3A, %jit3A_6 : i32
    %add3A_7 = arith.constant 39 : i32
    %add3A_8 = arith.addi %add3A_7, %select_n3A : i32
    %mul3A_9 = arith.constant 16 : i32
    %mul3A_10 = arith.muli %add3A_4, %mul3A_9 : i32
    "tpu.region"() ({
      %run_scoped3A_55 = tpu.sem_alloc : memref<!tpu.dma_semaphore, #tpu.memory_space<semaphore_mem>>
      %dma_start3A = tpu.memref_slice %arg2[%mul3A_10] : memref<20480xf32, #tpu.memory_space<hbm>> -> memref<640xf32, #tpu.memory_space<hbm>>
      %dma_start3A_56 = tpu.memref_slice %arg2[%mul3A_10] : memref<20480xf32, #tpu.memory_space<hbm>> -> memref<640xf32, #tpu.memory_space<hbm>>
      tpu.enqueue_dma source(%dma_start3A_56 : memref<640xf32, #tpu.memory_space<hbm>>) target(%arg11 : memref<640xf32, #tpu.memory_space<vmem>>) target_semaphore(%run_scoped3A_55 : memref<!tpu.dma_semaphore, #tpu.memory_space<semaphore_mem>>)
      %dma_wait3A = tpu.memref_slice %arg2[%mul3A_10] : memref<20480xf32, #tpu.memory_space<hbm>> -> memref<640xf32, #tpu.memory_space<hbm>>
      %dma_wait3A_57 = tpu.memref_slice %arg2[%mul3A_10] : memref<20480xf32, #tpu.memory_space<hbm>> -> memref<640xf32, #tpu.memory_space<hbm>>
      tpu.wait_dma2 semaphore(%run_scoped3A_55 : memref<!tpu.dma_semaphore, #tpu.memory_space<semaphore_mem>>) src(%dma_wait3A_57 : memref<640xf32, #tpu.memory_space<hbm>>) dst(%arg11 : memref<640xf32, #tpu.memory_space<vmem>>)
      tpu.yield
    }) : () -> ()
    "tpu.region"() ({
      %run_scoped3A_55 = tpu.sem_alloc : memref<!tpu.dma_semaphore, #tpu.memory_space<semaphore_mem>>
      %dma_start3A = tpu.memref_slice %arg3[%mul3A_10] : memref<20480xf32, #tpu.memory_space<hbm>> -> memref<640xf32, #tpu.memory_space<hbm>>
      %dma_start3A_56 = tpu.memref_slice %arg3[%mul3A_10] : memref<20480xf32, #tpu.memory_space<hbm>> -> memref<640xf32, #tpu.memory_space<hbm>>
      tpu.enqueue_dma source(%dma_start3A_56 : memref<640xf32, #tpu.memory_space<hbm>>) target(%arg12 : memref<640xf32, #tpu.memory_space<vmem>>) target_semaphore(%run_scoped3A_55 : memref<!tpu.dma_semaphore, #tpu.memory_space<semaphore_mem>>)
      %dma_wait3A = tpu.memref_slice %arg3[%mul3A_10] : memref<20480xf32, #tpu.memory_space<hbm>> -> memref<640xf32, #tpu.memory_space<hbm>>
      %dma_wait3A_57 = tpu.memref_slice %arg3[%mul3A_10] : memref<20480xf32, #tpu.memory_space<hbm>> -> memref<640xf32, #tpu.memory_space<hbm>>
      tpu.wait_dma2 semaphore(%run_scoped3A_55 : memref<!tpu.dma_semaphore, #tpu.memory_space<semaphore_mem>>) src(%dma_wait3A_57 : memref<640xf32, #tpu.memory_space<hbm>>) dst(%arg12 : memref<640xf32, #tpu.memory_space<vmem>>)
      tpu.yield
    }) : () -> ()
    "tpu.region"() ({
      %run_scoped3A_55 = tpu.sem_alloc : memref<!tpu.dma_semaphore, #tpu.memory_space<semaphore_mem>>
      %dma_start3A = tpu.memref_slice %arg4[%mul3A_10] : memref<20480xf32, #tpu.memory_space<hbm>> -> memref<640xf32, #tpu.memory_space<hbm>>
      %dma_start3A_56 = tpu.memref_slice %arg4[%mul3A_10] : memref<20480xf32, #tpu.memory_space<hbm>> -> memref<640xf32, #tpu.memory_space<hbm>>
      tpu.enqueue_dma source(%dma_start3A_56 : memref<640xf32, #tpu.memory_space<hbm>>) target(%arg13 : memref<640xf32, #tpu.memory_space<vmem>>) target_semaphore(%run_scoped3A_55 : memref<!tpu.dma_semaphore, #tpu.memory_space<semaphore_mem>>)
      %dma_wait3A = tpu.memref_slice %arg4[%mul3A_10] : memref<20480xf32, #tpu.memory_space<hbm>> -> memref<640xf32, #tpu.memory_space<hbm>>
      %dma_wait3A_57 = tpu.memref_slice %arg4[%mul3A_10] : memref<20480xf32, #tpu.memory_space<hbm>> -> memref<640xf32, #tpu.memory_space<hbm>>
      tpu.wait_dma2 semaphore(%run_scoped3A_55 : memref<!tpu.dma_semaphore, #tpu.memory_space<semaphore_mem>>) src(%dma_wait3A_57 : memref<640xf32, #tpu.memory_space<hbm>>) dst(%arg13 : memref<640xf32, #tpu.memory_space<vmem>>)
      tpu.yield
    }) : () -> ()
    %run_scoped3A = arith.constant 0 : i32
    %run_scoped3A_11 = arith.constant 0 : i32
    %run_scoped3A_12 = arith.constant 0 : i32
    %run_scoped3A_13 = arith.constant 0 : i32
    "tpu.region"() ({
      %run_scoped3A_55 = tpu.sem_alloc : memref<!tpu.dma_semaphore, #tpu.memory_space<semaphore_mem>>
      %dma_start3A = arith.constant 0 : i32
      %dma_start3A_56 = tpu.memref_slice %arg14[%run_scoped3A_12, %run_scoped3A_13, %dma_start3A] : memref<3x3x640xf32, #tpu.memory_space<vmem>> -> memref<1x1x640xf32, #tpu.memory_space<vmem>>
      %dma_start3A_57 = tpu.memref_squeeze %dma_start3A_56 : memref<1x1x640xf32, #tpu.memory_space<vmem>> -> memref<640xf32, #tpu.memory_space<vmem>>
      %dma_start3A_58 = tpu.memref_slice %arg5[%run_scoped3A, %run_scoped3A_11, %mul3A_10] : memref<3x3x20480xf32, #tpu.memory_space<hbm>> -> memref<1x1x640xf32, #tpu.memory_space<hbm>>
      %dma_start3A_59 = tpu.memref_squeeze %dma_start3A_58 : memref<1x1x640xf32, #tpu.memory_space<hbm>> -> memref<640xf32, #tpu.memory_space<hbm>>
      %dma_start3A_60 = arith.constant 0 : i32
      %dma_start3A_61 = tpu.memref_slice %arg14[%run_scoped3A_12, %run_scoped3A_13, %dma_start3A_60] : memref<3x3x640xf32, #tpu.memory_space<vmem>> -> memref<1x1x640xf32, #tpu.memory_space<vmem>>
      %dma_start3A_62 = tpu.memref_squeeze %dma_start3A_61 : memref<1x1x640xf32, #tpu.memory_space<vmem>> -> memref<640xf32, #tpu.memory_space<vmem>>
      %dma_start3A_63 = tpu.memref_slice %arg5[%run_scoped3A, %run_scoped3A_11, %mul3A_10] : memref<3x3x20480xf32, #tpu.memory_space<hbm>> -> memref<1x1x640xf32, #tpu.memory_space<hbm>>
      %dma_start3A_64 = tpu.memref_squeeze %dma_start3A_63 : memref<1x1x640xf32, #tpu.memory_space<hbm>> -> memref<640xf32, #tpu.memory_space<hbm>>
      tpu.enqueue_dma source(%dma_start3A_64 : memref<640xf32, #tpu.memory_space<hbm>>) target(%dma_start3A_62 : memref<640xf32, #tpu.memory_space<vmem>>) target_semaphore(%run_scoped3A_55 : memref<!tpu.dma_semaphore, #tpu.memory_space<semaphore_mem>>)
      %dma_wait3A = arith.constant 0 : i32
      %dma_wait3A_65 = tpu.memref_slice %arg14[%run_scoped3A_12, %run_scoped3A_13, %dma_wait3A] : memref<3x3x640xf32, #tpu.memory_space<vmem>> -> memref<1x1x640xf32, #tpu.memory_space<vmem>>
      %dma_wait3A_66 = tpu.memref_squeeze %dma_wait3A_65 : memref<1x1x640xf32, #tpu.memory_space<vmem>> -> memref<640xf32, #tpu.memory_space<vmem>>
      %dma_wait3A_67 = tpu.memref_slice %arg5[%run_scoped3A, %run_scoped3A_11, %mul3A_10] : memref<3x3x20480xf32, #tpu.memory_space<hbm>> -> memref<1x1x640xf32, #tpu.memory_space<hbm>>
      %dma_wait3A_68 = tpu.memref_squeeze %dma_wait3A_67 : memref<1x1x640xf32, #tpu.memory_space<hbm>> -> memref<640xf32, #tpu.memory_space<hbm>>
      %dma_wait3A_69 = arith.constant 0 : i32
      %dma_wait3A_70 = tpu.memref_slice %arg14[%run_scoped3A_12, %run_scoped3A_13, %dma_wait3A_69] : memref<3x3x640xf32, #tpu.memory_space<vmem>> -> memref<1x1x640xf32, #tpu.memory_space<vmem>>
      %dma_wait3A_71 = tpu.memref_squeeze %dma_wait3A_70 : memref<1x1x640xf32, #tpu.memory_space<vmem>> -> memref<640xf32, #tpu.memory_space<vmem>>
      %dma_wait3A_72 = tpu.memref_slice %arg5[%run_scoped3A, %run_scoped3A_11, %mul3A_10] : memref<3x3x20480xf32, #tpu.memory_space<hbm>> -> memref<1x1x640xf32, #tpu.memory_space<hbm>>
      %dma_wait3A_73 = tpu.memref_squeeze %dma_wait3A_72 : memref<1x1x640xf32, #tpu.memory_space<hbm>> -> memref<640xf32, #tpu.memory_space<hbm>>
      tpu.wait_dma2 semaphore(%run_scoped3A_55 : memref<!tpu.dma_semaphore, #tpu.memory_space<semaphore_mem>>) src(%dma_wait3A_73 : memref<640xf32, #tpu.memory_space<hbm>>) dst(%dma_wait3A_71 : memref<640xf32, #tpu.memory_space<vmem>>)
      tpu.yield
    }) : () -> ()
    %run_scoped3A_14 = arith.constant 0 : i32
    %run_scoped3A_15 = arith.constant 1 : i32
    %run_scoped3A_16 = arith.constant 0 : i32
    %run_scoped3A_17 = arith.constant 1 : i32
    "tpu.region"() ({
      %run_scoped3A_55 = tpu.sem_alloc : memref<!tpu.dma_semaphore, #tpu.memory_space<semaphore_mem>>
      %dma_start3A = arith.constant 0 : i32
      %dma_start3A_56 = tpu.memref_slice %arg14[%run_scoped3A_16, %run_scoped3A_17, %dma_start3A] : memref<3x3x640xf32, #tpu.memory_space<vmem>> -> memref<1x1x640xf32, #tpu.memory_space<vmem>>
      %dma_start3A_57 = tpu.memref_squeeze %dma_start3A_56 : memref<1x1x640xf32, #tpu.memory_space<vmem>> -> memref<640xf32, #tpu.memory_space<vmem>>
      %dma_start3A_58 = tpu.memref_slice %arg5[%run_scoped3A_14, %run_scoped3A_15, %mul3A_10] : memref<3x3x20480xf32, #tpu.memory_space<hbm>> -> memref<1x1x640xf32, #tpu.memory_space<hbm>>
      %dma_start3A_59 = tpu.memref_squeeze %dma_start3A_58 : memref<1x1x640xf32, #tpu.memory_space<hbm>> -> memref<640xf32, #tpu.memory_space<hbm>>
      %dma_start3A_60 = arith.constant 0 : i32
      %dma_start3A_61 = tpu.memref_slice %arg14[%run_scoped3A_16, %run_scoped3A_17, %dma_start3A_60] : memref<3x3x640xf32, #tpu.memory_space<vmem>> -> memref<1x1x640xf32, #tpu.memory_space<vmem>>
      %dma_start3A_62 = tpu.memref_squeeze %dma_start3A_61 : memref<1x1x640xf32, #tpu.memory_space<vmem>> -> memref<640xf32, #tpu.memory_space<vmem>>
      %dma_start3A_63 = tpu.memref_slice %arg5[%run_scoped3A_14, %run_scoped3A_15, %mul3A_10] : memref<3x3x20480xf32, #tpu.memory_space<hbm>> -> memref<1x1x640xf32, #tpu.memory_space<hbm>>
      %dma_start3A_64 = tpu.memref_squeeze %dma_start3A_63 : memref<1x1x640xf32, #tpu.memory_space<hbm>> -> memref<640xf32, #tpu.memory_space<hbm>>
      tpu.enqueue_dma source(%dma_start3A_64 : memref<640xf32, #tpu.memory_space<hbm>>) target(%dma_start3A_62 : memref<640xf32, #tpu.memory_space<vmem>>) target_semaphore(%run_scoped3A_55 : memref<!tpu.dma_semaphore, #tpu.memory_space<semaphore_mem>>)
      %dma_wait3A = arith.constant 0 : i32
      %dma_wait3A_65 = tpu.memref_slice %arg14[%run_scoped3A_16, %run_scoped3A_17, %dma_wait3A] : memref<3x3x640xf32, #tpu.memory_space<vmem>> -> memref<1x1x640xf32, #tpu.memory_space<vmem>>
      %dma_wait3A_66 = tpu.memref_squeeze %dma_wait3A_65 : memref<1x1x640xf32, #tpu.memory_space<vmem>> -> memref<640xf32, #tpu.memory_space<vmem>>
      %dma_wait3A_67 = tpu.memref_slice %arg5[%run_scoped3A_14, %run_scoped3A_15, %mul3A_10] : memref<3x3x20480xf32, #tpu.memory_space<hbm>> -> memref<1x1x640xf32, #tpu.memory_space<hbm>>
      %dma_wait3A_68 = tpu.memref_squeeze %dma_wait3A_67 : memref<1x1x640xf32, #tpu.memory_space<hbm>> -> memref<640xf32, #tpu.memory_space<hbm>>
      %dma_wait3A_69 = arith.constant 0 : i32
      %dma_wait3A_70 = tpu.memref_slice %arg14[%run_scoped3A_16, %run_scoped3A_17, %dma_wait3A_69] : memref<3x3x640xf32, #tpu.memory_space<vmem>> -> memref<1x1x640xf32, #tpu.memory_space<vmem>>
      %dma_wait3A_71 = tpu.memref_squeeze %dma_wait3A_70 : memref<1x1x640xf32, #tpu.memory_space<vmem>> -> memref<640xf32, #tpu.memory_space<vmem>>
      %dma_wait3A_72 = tpu.memref_slice %arg5[%run_scoped3A_14, %run_scoped3A_15, %mul3A_10] : memref<3x3x20480xf32, #tpu.memory_space<hbm>> -> memref<1x1x640xf32, #tpu.memory_space<hbm>>
      %dma_wait3A_73 = tpu.memref_squeeze %dma_wait3A_72 : memref<1x1x640xf32, #tpu.memory_space<hbm>> -> memref<640xf32, #tpu.memory_space<hbm>>
      tpu.wait_dma2 semaphore(%run_scoped3A_55 : memref<!tpu.dma_semaphore, #tpu.memory_space<semaphore_mem>>) src(%dma_wait3A_73 : memref<640xf32, #tpu.memory_space<hbm>>) dst(%dma_wait3A_71 : memref<640xf32, #tpu.memory_space<vmem>>)
      tpu.yield
    }) : () -> ()
    %run_scoped3A_18 = arith.constant 0 : i32
    %run_scoped3A_19 = arith.constant 2 : i32
    %run_scoped3A_20 = arith.constant 0 : i32
    %run_scoped3A_21 = arith.constant 2 : i32
    "tpu.region"() ({
      %run_scoped3A_55 = tpu.sem_alloc : memref<!tpu.dma_semaphore, #tpu.memory_space<semaphore_mem>>
      %dma_start3A = arith.constant 0 : i32
      %dma_start3A_56 = tpu.memref_slice %arg14[%run_scoped3A_20, %run_scoped3A_21, %dma_start3A] : memref<3x3x640xf32, #tpu.memory_space<vmem>> -> memref<1x1x640xf32, #tpu.memory_space<vmem>>
      %dma_start3A_57 = tpu.memref_squeeze %dma_start3A_56 : memref<1x1x640xf32, #tpu.memory_space<vmem>> -> memref<640xf32, #tpu.memory_space<vmem>>
      %dma_start3A_58 = tpu.memref_slice %arg5[%run_scoped3A_18, %run_scoped3A_19, %mul3A_10] : memref<3x3x20480xf32, #tpu.memory_space<hbm>> -> memref<1x1x640xf32, #tpu.memory_space<hbm>>
      %dma_start3A_59 = tpu.memref_squeeze %dma_start3A_58 : memref<1x1x640xf32, #tpu.memory_space<hbm>> -> memref<640xf32, #tpu.memory_space<hbm>>
      %dma_start3A_60 = arith.constant 0 : i32
      %dma_start3A_61 = tpu.memref_slice %arg14[%run_scoped3A_20, %run_scoped3A_21, %dma_start3A_60] : memref<3x3x640xf32, #tpu.memory_space<vmem>> -> memref<1x1x640xf32, #tpu.memory_space<vmem>>
      %dma_start3A_62 = tpu.memref_squeeze %dma_start3A_61 : memref<1x1x640xf32, #tpu.memory_space<vmem>> -> memref<640xf32, #tpu.memory_space<vmem>>
      %dma_start3A_63 = tpu.memref_slice %arg5[%run_scoped3A_18, %run_scoped3A_19, %mul3A_10] : memref<3x3x20480xf32, #tpu.memory_space<hbm>> -> memref<1x1x640xf32, #tpu.memory_space<hbm>>
      %dma_start3A_64 = tpu.memref_squeeze %dma_start3A_63 : memref<1x1x640xf32, #tpu.memory_space<hbm>> -> memref<640xf32, #tpu.memory_space<hbm>>
      tpu.enqueue_dma source(%dma_start3A_64 : memref<640xf32, #tpu.memory_space<hbm>>) target(%dma_start3A_62 : memref<640xf32, #tpu.memory_space<vmem>>) target_semaphore(%run_scoped3A_55 : memref<!tpu.dma_semaphore, #tpu.memory_space<semaphore_mem>>)
      %dma_wait3A = arith.constant 0 : i32
      %dma_wait3A_65 = tpu.memref_slice %arg14[%run_scoped3A_20, %run_scoped3A_21, %dma_wait3A] : memref<3x3x640xf32, #tpu.memory_space<vmem>> -> memref<1x1x640xf32, #tpu.memory_space<vmem>>
      %dma_wait3A_66 = tpu.memref_squeeze %dma_wait3A_65 : memref<1x1x640xf32, #tpu.memory_space<vmem>> -> memref<640xf32, #tpu.memory_space<vmem>>
      %dma_wait3A_67 = tpu.memref_slice %arg5[%run_scoped3A_18, %run_scoped3A_19, %mul3A_10] : memref<3x3x20480xf32, #tpu.memory_space<hbm>> -> memref<1x1x640xf32, #tpu.memory_space<hbm>>
      %dma_wait3A_68 = tpu.memref_squeeze %dma_wait3A_67 : memref<1x1x640xf32, #tpu.memory_space<hbm>> -> memref<640xf32, #tpu.memory_space<hbm>>
      %dma_wait3A_69 = arith.constant 0 : i32
      %dma_wait3A_70 = tpu.memref_slice %arg14[%run_scoped3A_20, %run_scoped3A_21, %dma_wait3A_69] : memref<3x3x640xf32, #tpu.memory_space<vmem>> -> memref<1x1x640xf32, #tpu.memory_space<vmem>>
      %dma_wait3A_71 = tpu.memref_squeeze %dma_wait3A_70 : memref<1x1x640xf32, #tpu.memory_space<vmem>> -> memref<640xf32, #tpu.memory_space<vmem>>
      %dma_wait3A_72 = tpu.memref_slice %arg5[%run_scoped3A_18, %run_scoped3A_19, %mul3A_10] : memref<3x3x20480xf32, #tpu.memory_space<hbm>> -> memref<1x1x640xf32, #tpu.memory_space<hbm>>
      %dma_wait3A_73 = tpu.memref_squeeze %dma_wait3A_72 : memref<1x1x640xf32, #tpu.memory_space<hbm>> -> memref<640xf32, #tpu.memory_space<hbm>>
      tpu.wait_dma2 semaphore(%run_scoped3A_55 : memref<!tpu.dma_semaphore, #tpu.memory_space<semaphore_mem>>) src(%dma_wait3A_73 : memref<640xf32, #tpu.memory_space<hbm>>) dst(%dma_wait3A_71 : memref<640xf32, #tpu.memory_space<vmem>>)
      tpu.yield
    }) : () -> ()
    %run_scoped3A_22 = arith.constant 1 : i32
    %run_scoped3A_23 = arith.constant 0 : i32
    %run_scoped3A_24 = arith.constant 1 : i32
    %run_scoped3A_25 = arith.constant 0 : i32
    "tpu.region"() ({
      %run_scoped3A_55 = tpu.sem_alloc : memref<!tpu.dma_semaphore, #tpu.memory_space<semaphore_mem>>
      %dma_start3A = arith.constant 0 : i32
      %dma_start3A_56 = tpu.memref_slice %arg14[%run_scoped3A_24, %run_scoped3A_25, %dma_start3A] : memref<3x3x640xf32, #tpu.memory_space<vmem>> -> memref<1x1x640xf32, #tpu.memory_space<vmem>>
      %dma_start3A_57 = tpu.memref_squeeze %dma_start3A_56 : memref<1x1x640xf32, #tpu.memory_space<vmem>> -> memref<640xf32, #tpu.memory_space<vmem>>
      %dma_start3A_58 = tpu.memref_slice %arg5[%run_scoped3A_22, %run_scoped3A_23, %mul3A_10] : memref<3x3x20480xf32, #tpu.memory_space<hbm>> -> memref<1x1x640xf32, #tpu.memory_space<hbm>>
      %dma_start3A_59 = tpu.memref_squeeze %dma_start3A_58 : memref<1x1x640xf32, #tpu.memory_space<hbm>> -> memref<640xf32, #tpu.memory_space<hbm>>
      %dma_start3A_60 = arith.constant 0 : i32
      %dma_start3A_61 = tpu.memref_slice %arg14[%run_scoped3A_24, %run_scoped3A_25, %dma_start3A_60] : memref<3x3x640xf32, #tpu.memory_space<vmem>> -> memref<1x1x640xf32, #tpu.memory_space<vmem>>
      %dma_start3A_62 = tpu.memref_squeeze %dma_start3A_61 : memref<1x1x640xf32, #tpu.memory_space<vmem>> -> memref<640xf32, #tpu.memory_space<vmem>>
      %dma_start3A_63 = tpu.memref_slice %arg5[%run_scoped3A_22, %run_scoped3A_23, %mul3A_10] : memref<3x3x20480xf32, #tpu.memory_space<hbm>> -> memref<1x1x640xf32, #tpu.memory_space<hbm>>
      %dma_start3A_64 = tpu.memref_squeeze %dma_start3A_63 : memref<1x1x640xf32, #tpu.memory_space<hbm>> -> memref<640xf32, #tpu.memory_space<hbm>>
      tpu.enqueue_dma source(%dma_start3A_64 : memref<640xf32, #tpu.memory_space<hbm>>) target(%dma_start3A_62 : memref<640xf32, #tpu.memory_space<vmem>>) target_semaphore(%run_scoped3A_55 : memref<!tpu.dma_semaphore, #tpu.memory_space<semaphore_mem>>)
      %dma_wait3A = arith.constant 0 : i32
      %dma_wait3A_65 = tpu.memref_slice %arg14[%run_scoped3A_24, %run_scoped3A_25, %dma_wait3A] : memref<3x3x640xf32, #tpu.memory_space<vmem>> -> memref<1x1x640xf32, #tpu.memory_space<vmem>>
      %dma_wait3A_66 = tpu.memref_squeeze %dma_wait3A_65 : memref<1x1x640xf32, #tpu.memory_space<vmem>> -> memref<640xf32, #tpu.memory_space<vmem>>
      %dma_wait3A_67 = tpu.memref_slice %arg5[%run_scoped3A_22, %run_scoped3A_23, %mul3A_10] : memref<3x3x20480xf32, #tpu.memory_space<hbm>> -> memref<1x1x640xf32, #tpu.memory_space<hbm>>
      %dma_wait3A_68 = tpu.memref_squeeze %dma_wait3A_67 : memref<1x1x640xf32, #tpu.memory_space<hbm>> -> memref<640xf32, #tpu.memory_space<hbm>>
      %dma_wait3A_69 = arith.constant 0 : i32
      %dma_wait3A_70 = tpu.memref_slice %arg14[%run_scoped3A_24, %run_scoped3A_25, %dma_wait3A_69] : memref<3x3x640xf32, #tpu.memory_space<vmem>> -> memref<1x1x640xf32, #tpu.memory_space<vmem>>
      %dma_wait3A_71 = tpu.memref_squeeze %dma_wait3A_70 : memref<1x1x640xf32, #tpu.memory_space<vmem>> -> memref<640xf32, #tpu.memory_space<vmem>>
      %dma_wait3A_72 = tpu.memref_slice %arg5[%run_scoped3A_22, %run_scoped3A_23, %mul3A_10] : memref<3x3x20480xf32, #tpu.memory_space<hbm>> -> memref<1x1x640xf32, #tpu.memory_space<hbm>>
      %dma_wait3A_73 = tpu.memref_squeeze %dma_wait3A_72 : memref<1x1x640xf32, #tpu.memory_space<hbm>> -> memref<640xf32, #tpu.memory_space<hbm>>
      tpu.wait_dma2 semaphore(%run_scoped3A_55 : memref<!tpu.dma_semaphore, #tpu.memory_space<semaphore_mem>>) src(%dma_wait3A_73 : memref<640xf32, #tpu.memory_space<hbm>>) dst(%dma_wait3A_71 : memref<640xf32, #tpu.memory_space<vmem>>)
      tpu.yield
    }) : () -> ()
    %run_scoped3A_26 = arith.constant 1 : i32
    %run_scoped3A_27 = arith.constant 1 : i32
    %run_scoped3A_28 = arith.constant 1 : i32
    %run_scoped3A_29 = arith.constant 1 : i32
    "tpu.region"() ({
      %run_scoped3A_55 = tpu.sem_alloc : memref<!tpu.dma_semaphore, #tpu.memory_space<semaphore_mem>>
      %dma_start3A = arith.constant 0 : i32
      %dma_start3A_56 = tpu.memref_slice %arg14[%run_scoped3A_28, %run_scoped3A_29, %dma_start3A] : memref<3x3x640xf32, #tpu.memory_space<vmem>> -> memref<1x1x640xf32, #tpu.memory_space<vmem>>
      %dma_start3A_57 = tpu.memref_squeeze %dma_start3A_56 : memref<1x1x640xf32, #tpu.memory_space<vmem>> -> memref<640xf32, #tpu.memory_space<vmem>>
      %dma_start3A_58 = tpu.memref_slice %arg5[%run_scoped3A_26, %run_scoped3A_27, %mul3A_10] : memref<3x3x20480xf32, #tpu.memory_space<hbm>> -> memref<1x1x640xf32, #tpu.memory_space<hbm>>
      %dma_start3A_59 = tpu.memref_squeeze %dma_start3A_58 : memref<1x1x640xf32, #tpu.memory_space<hbm>> -> memref<640xf32, #tpu.memory_space<hbm>>
      %dma_start3A_60 = arith.constant 0 : i32
      %dma_start3A_61 = tpu.memref_slice %arg14[%run_scoped3A_28, %run_scoped3A_29, %dma_start3A_60] : memref<3x3x640xf32, #tpu.memory_space<vmem>> -> memref<1x1x640xf32, #tpu.memory_space<vmem>>
      %dma_start3A_62 = tpu.memref_squeeze %dma_start3A_61 : memref<1x1x640xf32, #tpu.memory_space<vmem>> -> memref<640xf32, #tpu.memory_space<vmem>>
      %dma_start3A_63 = tpu.memref_slice %arg5[%run_scoped3A_26, %run_scoped3A_27, %mul3A_10] : memref<3x3x20480xf32, #tpu.memory_space<hbm>> -> memref<1x1x640xf32, #tpu.memory_space<hbm>>
      %dma_start3A_64 = tpu.memref_squeeze %dma_start3A_63 : memref<1x1x640xf32, #tpu.memory_space<hbm>> -> memref<640xf32, #tpu.memory_space<hbm>>
      tpu.enqueue_dma source(%dma_start3A_64 : memref<640xf32, #tpu.memory_space<hbm>>) target(%dma_start3A_62 : memref<640xf32, #tpu.memory_space<vmem>>) target_semaphore(%run_scoped3A_55 : memref<!tpu.dma_semaphore, #tpu.memory_space<semaphore_mem>>)
      %dma_wait3A = arith.constant 0 : i32
      %dma_wait3A_65 = tpu.memref_slice %arg14[%run_scoped3A_28, %run_scoped3A_29, %dma_wait3A] : memref<3x3x640xf32, #tpu.memory_space<vmem>> -> memref<1x1x640xf32, #tpu.memory_space<vmem>>
      %dma_wait3A_66 = tpu.memref_squeeze %dma_wait3A_65 : memref<1x1x640xf32, #tpu.memory_space<vmem>> -> memref<640xf32, #tpu.memory_space<vmem>>
      %dma_wait3A_67 = tpu.memref_slice %arg5[%run_scoped3A_26, %run_scoped3A_27, %mul3A_10] : memref<3x3x20480xf32, #tpu.memory_space<hbm>> -> memref<1x1x640xf32, #tpu.memory_space<hbm>>
      %dma_wait3A_68 = tpu.memref_squeeze %dma_wait3A_67 : memref<1x1x640xf32, #tpu.memory_space<hbm>> -> memref<640xf32, #tpu.memory_space<hbm>>
      %dma_wait3A_69 = arith.constant 0 : i32
      %dma_wait3A_70 = tpu.memref_slice %arg14[%run_scoped3A_28, %run_scoped3A_29, %dma_wait3A_69] : memref<3x3x640xf32, #tpu.memory_space<vmem>> -> memref<1x1x640xf32, #tpu.memory_space<vmem>>
      %dma_wait3A_71 = tpu.memref_squeeze %dma_wait3A_70 : memref<1x1x640xf32, #tpu.memory_space<vmem>> -> memref<640xf32, #tpu.memory_space<vmem>>
      %dma_wait3A_72 = tpu.memref_slice %arg5[%run_scoped3A_26, %run_scoped3A_27, %mul3A_10] : memref<3x3x20480xf32, #tpu.memory_space<hbm>> -> memref<1x1x640xf32, #tpu.memory_space<hbm>>
      %dma_wait3A_73 = tpu.memref_squeeze %dma_wait3A_72 : memref<1x1x640xf32, #tpu.memory_space<hbm>> -> memref<640xf32, #tpu.memory_space<hbm>>
      tpu.wait_dma2 semaphore(%run_scoped3A_55 : memref<!tpu.dma_semaphore, #tpu.memory_space<semaphore_mem>>) src(%dma_wait3A_73 : memref<640xf32, #tpu.memory_space<hbm>>) dst(%dma_wait3A_71 : memref<640xf32, #tpu.memory_space<vmem>>)
      tpu.yield
    }) : () -> ()
    %run_scoped3A_30 = arith.constant 1 : i32
    %run_scoped3A_31 = arith.constant 2 : i32
    %run_scoped3A_32 = arith.constant 1 : i32
    %run_scoped3A_33 = arith.constant 2 : i32
    "tpu.region"() ({
      %run_scoped3A_55 = tpu.sem_alloc : memref<!tpu.dma_semaphore, #tpu.memory_space<semaphore_mem>>
      %dma_start3A = arith.constant 0 : i32
      %dma_start3A_56 = tpu.memref_slice %arg14[%run_scoped3A_32, %run_scoped3A_33, %dma_start3A] : memref<3x3x640xf32, #tpu.memory_space<vmem>> -> memref<1x1x640xf32, #tpu.memory_space<vmem>>
      %dma_start3A_57 = tpu.memref_squeeze %dma_start3A_56 : memref<1x1x640xf32, #tpu.memory_space<vmem>> -> memref<640xf32, #tpu.memory_space<vmem>>
      %dma_start3A_58 = tpu.memref_slice %arg5[%run_scoped3A_30, %run_scoped3A_31, %mul3A_10] : memref<3x3x20480xf32, #tpu.memory_space<hbm>> -> memref<1x1x640xf32, #tpu.memory_space<hbm>>
      %dma_start3A_59 = tpu.memref_squeeze %dma_start3A_58 : memref<1x1x640xf32, #tpu.memory_space<hbm>> -> memref<640xf32, #tpu.memory_space<hbm>>
      %dma_start3A_60 = arith.constant 0 : i32
      %dma_start3A_61 = tpu.memref_slice %arg14[%run_scoped3A_32, %run_scoped3A_33, %dma_start3A_60] : memref<3x3x640xf32, #tpu.memory_space<vmem>> -> memref<1x1x640xf32, #tpu.memory_space<vmem>>
      %dma_start3A_62 = tpu.memref_squeeze %dma_start3A_61 : memref<1x1x640xf32, #tpu.memory_space<vmem>> -> memref<640xf32, #tpu.memory_space<vmem>>
      %dma_start3A_63 = tpu.memref_slice %arg5[%run_scoped3A_30, %run_scoped3A_31, %mul3A_10] : memref<3x3x20480xf32, #tpu.memory_space<hbm>> -> memref<1x1x640xf32, #tpu.memory_space<hbm>>
      %dma_start3A_64 = tpu.memref_squeeze %dma_start3A_63 : memref<1x1x640xf32, #tpu.memory_space<hbm>> -> memref<640xf32, #tpu.memory_space<hbm>>
      tpu.enqueue_dma source(%dma_start3A_64 : memref<640xf32, #tpu.memory_space<hbm>>) target(%dma_start3A_62 : memref<640xf32, #tpu.memory_space<vmem>>) target_semaphore(%run_scoped3A_55 : memref<!tpu.dma_semaphore, #tpu.memory_space<semaphore_mem>>)
      %dma_wait3A = arith.constant 0 : i32
      %dma_wait3A_65 = tpu.memref_slice %arg14[%run_scoped3A_32, %run_scoped3A_33, %dma_wait3A] : memref<3x3x640xf32, #tpu.memory_space<vmem>> -> memref<1x1x640xf32, #tpu.memory_space<vmem>>
      %dma_wait3A_66 = tpu.memref_squeeze %dma_wait3A_65 : memref<1x1x640xf32, #tpu.memory_space<vmem>> -> memref<640xf32, #tpu.memory_space<vmem>>
      %dma_wait3A_67 = tpu.memref_slice %arg5[%run_scoped3A_30, %run_scoped3A_31, %mul3A_10] : memref<3x3x20480xf32, #tpu.memory_space<hbm>> -> memref<1x1x640xf32, #tpu.memory_space<hbm>>
      %dma_wait3A_68 = tpu.memref_squeeze %dma_wait3A_67 : memref<1x1x640xf32, #tpu.memory_space<hbm>> -> memref<640xf32, #tpu.memory_space<hbm>>
      %dma_wait3A_69 = arith.constant 0 : i32
      %dma_wait3A_70 = tpu.memref_slice %arg14[%run_scoped3A_32, %run_scoped3A_33, %dma_wait3A_69] : memref<3x3x640xf32, #tpu.memory_space<vmem>> -> memref<1x1x640xf32, #tpu.memory_space<vmem>>
      %dma_wait3A_71 = tpu.memref_squeeze %dma_wait3A_70 : memref<1x1x640xf32, #tpu.memory_space<vmem>> -> memref<640xf32, #tpu.memory_space<vmem>>
      %dma_wait3A_72 = tpu.memref_slice %arg5[%run_scoped3A_30, %run_scoped3A_31, %mul3A_10] : memref<3x3x20480xf32, #tpu.memory_space<hbm>> -> memref<1x1x640xf32, #tpu.memory_space<hbm>>
      %dma_wait3A_73 = tpu.memref_squeeze %dma_wait3A_72 : memref<1x1x640xf32, #tpu.memory_space<hbm>> -> memref<640xf32, #tpu.memory_space<hbm>>
      tpu.wait_dma2 semaphore(%run_scoped3A_55 : memref<!tpu.dma_semaphore, #tpu.memory_space<semaphore_mem>>) src(%dma_wait3A_73 : memref<640xf32, #tpu.memory_space<hbm>>) dst(%dma_wait3A_71 : memref<640xf32, #tpu.memory_space<vmem>>)
      tpu.yield
    }) : () -> ()
    %run_scoped3A_34 = arith.constant 2 : i32
    %run_scoped3A_35 = arith.constant 0 : i32
    %run_scoped3A_36 = arith.constant 2 : i32
    %run_scoped3A_37 = arith.constant 0 : i32
    "tpu.region"() ({
      %run_scoped3A_55 = tpu.sem_alloc : memref<!tpu.dma_semaphore, #tpu.memory_space<semaphore_mem>>
      %dma_start3A = arith.constant 0 : i32
      %dma_start3A_56 = tpu.memref_slice %arg14[%run_scoped3A_36, %run_scoped3A_37, %dma_start3A] : memref<3x3x640xf32, #tpu.memory_space<vmem>> -> memref<1x1x640xf32, #tpu.memory_space<vmem>>
      %dma_start3A_57 = tpu.memref_squeeze %dma_start3A_56 : memref<1x1x640xf32, #tpu.memory_space<vmem>> -> memref<640xf32, #tpu.memory_space<vmem>>
      %dma_start3A_58 = tpu.memref_slice %arg5[%run_scoped3A_34, %run_scoped3A_35, %mul3A_10] : memref<3x3x20480xf32, #tpu.memory_space<hbm>> -> memref<1x1x640xf32, #tpu.memory_space<hbm>>
      %dma_start3A_59 = tpu.memref_squeeze %dma_start3A_58 : memref<1x1x640xf32, #tpu.memory_space<hbm>> -> memref<640xf32, #tpu.memory_space<hbm>>
      %dma_start3A_60 = arith.constant 0 : i32
      %dma_start3A_61 = tpu.memref_slice %arg14[%run_scoped3A_36, %run_scoped3A_37, %dma_start3A_60] : memref<3x3x640xf32, #tpu.memory_space<vmem>> -> memref<1x1x640xf32, #tpu.memory_space<vmem>>
      %dma_start3A_62 = tpu.memref_squeeze %dma_start3A_61 : memref<1x1x640xf32, #tpu.memory_space<vmem>> -> memref<640xf32, #tpu.memory_space<vmem>>
      %dma_start3A_63 = tpu.memref_slice %arg5[%run_scoped3A_34, %run_scoped3A_35, %mul3A_10] : memref<3x3x20480xf32, #tpu.memory_space<hbm>> -> memref<1x1x640xf32, #tpu.memory_space<hbm>>
      %dma_start3A_64 = tpu.memref_squeeze %dma_start3A_63 : memref<1x1x640xf32, #tpu.memory_space<hbm>> -> memref<640xf32, #tpu.memory_space<hbm>>
      tpu.enqueue_dma source(%dma_start3A_64 : memref<640xf32, #tpu.memory_space<hbm>>) target(%dma_start3A_62 : memref<640xf32, #tpu.memory_space<vmem>>) target_semaphore(%run_scoped3A_55 : memref<!tpu.dma_semaphore, #tpu.memory_space<semaphore_mem>>)
      %dma_wait3A = arith.constant 0 : i32
      %dma_wait3A_65 = tpu.memref_slice %arg14[%run_scoped3A_36, %run_scoped3A_37, %dma_wait3A] : memref<3x3x640xf32, #tpu.memory_space<vmem>> -> memref<1x1x640xf32, #tpu.memory_space<vmem>>
      %dma_wait3A_66 = tpu.memref_squeeze %dma_wait3A_65 : memref<1x1x640xf32, #tpu.memory_space<vmem>> -> memref<640xf32, #tpu.memory_space<vmem>>
      %dma_wait3A_67 = tpu.memref_slice %arg5[%run_scoped3A_34, %run_scoped3A_35, %mul3A_10] : memref<3x3x20480xf32, #tpu.memory_space<hbm>> -> memref<1x1x640xf32, #tpu.memory_space<hbm>>
      %dma_wait3A_68 = tpu.memref_squeeze %dma_wait3A_67 : memref<1x1x640xf32, #tpu.memory_space<hbm>> -> memref<640xf32, #tpu.memory_space<hbm>>
      %dma_wait3A_69 = arith.constant 0 : i32
      %dma_wait3A_70 = tpu.memref_slice %arg14[%run_scoped3A_36, %run_scoped3A_37, %dma_wait3A_69] : memref<3x3x640xf32, #tpu.memory_space<vmem>> -> memref<1x1x640xf32, #tpu.memory_space<vmem>>
      %dma_wait3A_71 = tpu.memref_squeeze %dma_wait3A_70 : memref<1x1x640xf32, #tpu.memory_space<vmem>> -> memref<640xf32, #tpu.memory_space<vmem>>
      %dma_wait3A_72 = tpu.memref_slice %arg5[%run_scoped3A_34, %run_scoped3A_35, %mul3A_10] : memref<3x3x20480xf32, #tpu.memory_space<hbm>> -> memref<1x1x640xf32, #tpu.memory_space<hbm>>
      %dma_wait3A_73 = tpu.memref_squeeze %dma_wait3A_72 : memref<1x1x640xf32, #tpu.memory_space<hbm>> -> memref<640xf32, #tpu.memory_space<hbm>>
      tpu.wait_dma2 semaphore(%run_scoped3A_55 : memref<!tpu.dma_semaphore, #tpu.memory_space<semaphore_mem>>) src(%dma_wait3A_73 : memref<640xf32, #tpu.memory_space<hbm>>) dst(%dma_wait3A_71 : memref<640xf32, #tpu.memory_space<vmem>>)
      tpu.yield
    }) : () -> ()
    %run_scoped3A_38 = arith.constant 2 : i32
    %run_scoped3A_39 = arith.constant 1 : i32
    %run_scoped3A_40 = arith.constant 2 : i32
    %run_scoped3A_41 = arith.constant 1 : i32
    "tpu.region"() ({
      %run_scoped3A_55 = tpu.sem_alloc : memref<!tpu.dma_semaphore, #tpu.memory_space<semaphore_mem>>
      %dma_start3A = arith.constant 0 : i32
      %dma_start3A_56 = tpu.memref_slice %arg14[%run_scoped3A_40, %run_scoped3A_41, %dma_start3A] : memref<3x3x640xf32, #tpu.memory_space<vmem>> -> memref<1x1x640xf32, #tpu.memory_space<vmem>>
      %dma_start3A_57 = tpu.memref_squeeze %dma_start3A_56 : memref<1x1x640xf32, #tpu.memory_space<vmem>> -> memref<640xf32, #tpu.memory_space<vmem>>
      %dma_start3A_58 = tpu.memref_slice %arg5[%run_scoped3A_38, %run_scoped3A_39, %mul3A_10] : memref<3x3x20480xf32, #tpu.memory_space<hbm>> -> memref<1x1x640xf32, #tpu.memory_space<hbm>>
      %dma_start3A_59 = tpu.memref_squeeze %dma_start3A_58 : memref<1x1x640xf32, #tpu.memory_space<hbm>> -> memref<640xf32, #tpu.memory_space<hbm>>
      %dma_start3A_60 = arith.constant 0 : i32
      %dma_start3A_61 = tpu.memref_slice %arg14[%run_scoped3A_40, %run_scoped3A_41, %dma_start3A_60] : memref<3x3x640xf32, #tpu.memory_space<vmem>> -> memref<1x1x640xf32, #tpu.memory_space<vmem>>
      %dma_start3A_62 = tpu.memref_squeeze %dma_start3A_61 : memref<1x1x640xf32, #tpu.memory_space<vmem>> -> memref<640xf32, #tpu.memory_space<vmem>>
      %dma_start3A_63 = tpu.memref_slice %arg5[%run_scoped3A_38, %run_scoped3A_39, %mul3A_10] : memref<3x3x20480xf32, #tpu.memory_space<hbm>> -> memref<1x1x640xf32, #tpu.memory_space<hbm>>
      %dma_start3A_64 = tpu.memref_squeeze %dma_start3A_63 : memref<1x1x640xf32, #tpu.memory_space<hbm>> -> memref<640xf32, #tpu.memory_space<hbm>>
      tpu.enqueue_dma source(%dma_start3A_64 : memref<640xf32, #tpu.memory_space<hbm>>) target(%dma_start3A_62 : memref<640xf32, #tpu.memory_space<vmem>>) target_semaphore(%run_scoped3A_55 : memref<!tpu.dma_semaphore, #tpu.memory_space<semaphore_mem>>)
      %dma_wait3A = arith.constant 0 : i32
      %dma_wait3A_65 = tpu.memref_slice %arg14[%run_scoped3A_40, %run_scoped3A_41, %dma_wait3A] : memref<3x3x640xf32, #tpu.memory_space<vmem>> -> memref<1x1x640xf32, #tpu.memory_space<vmem>>
      %dma_wait3A_66 = tpu.memref_squeeze %dma_wait3A_65 : memref<1x1x640xf32, #tpu.memory_space<vmem>> -> memref<640xf32, #tpu.memory_space<vmem>>
      %dma_wait3A_67 = tpu.memref_slice %arg5[%run_scoped3A_38, %run_scoped3A_39, %mul3A_10] : memref<3x3x20480xf32, #tpu.memory_space<hbm>> -> memref<1x1x640xf32, #tpu.memory_space<hbm>>
      %dma_wait3A_68 = tpu.memref_squeeze %dma_wait3A_67 : memref<1x1x640xf32, #tpu.memory_space<hbm>> -> memref<640xf32, #tpu.memory_space<hbm>>
      %dma_wait3A_69 = arith.constant 0 : i32
      %dma_wait3A_70 = tpu.memref_slice %arg14[%run_scoped3A_40, %run_scoped3A_41, %dma_wait3A_69] : memref<3x3x640xf32, #tpu.memory_space<vmem>> -> memref<1x1x640xf32, #tpu.memory_space<vmem>>
      %dma_wait3A_71 = tpu.memref_squeeze %dma_wait3A_70 : memref<1x1x640xf32, #tpu.memory_space<vmem>> -> memref<640xf32, #tpu.memory_space<vmem>>
      %dma_wait3A_72 = tpu.memref_slice %arg5[%run_scoped3A_38, %run_scoped3A_39, %mul3A_10] : memref<3x3x20480xf32, #tpu.memory_space<hbm>> -> memref<1x1x640xf32, #tpu.memory_space<hbm>>
      %dma_wait3A_73 = tpu.memref_squeeze %dma_wait3A_72 : memref<1x1x640xf32, #tpu.memory_space<hbm>> -> memref<640xf32, #tpu.memory_space<hbm>>
      tpu.wait_dma2 semaphore(%run_scoped3A_55 : memref<!tpu.dma_semaphore, #tpu.memory_space<semaphore_mem>>) src(%dma_wait3A_73 : memref<640xf32, #tpu.memory_space<hbm>>) dst(%dma_wait3A_71 : memref<640xf32, #tpu.memory_space<vmem>>)
      tpu.yield
    }) : () -> ()
    %run_scoped3A_42 = arith.constant 2 : i32
    %run_scoped3A_43 = arith.constant 2 : i32
    %run_scoped3A_44 = arith.constant 2 : i32
    %run_scoped3A_45 = arith.constant 2 : i32
    "tpu.region"() ({
      %run_scoped3A_55 = tpu.sem_alloc : memref<!tpu.dma_semaphore, #tpu.memory_space<semaphore_mem>>
      %dma_start3A = arith.constant 0 : i32
      %dma_start3A_56 = tpu.memref_slice %arg14[%run_scoped3A_44, %run_scoped3A_45, %dma_start3A] : memref<3x3x640xf32, #tpu.memory_space<vmem>> -> memref<1x1x640xf32, #tpu.memory_space<vmem>>
      %dma_start3A_57 = tpu.memref_squeeze %dma_start3A_56 : memref<1x1x640xf32, #tpu.memory_space<vmem>> -> memref<640xf32, #tpu.memory_space<vmem>>
      %dma_start3A_58 = tpu.memref_slice %arg5[%run_scoped3A_42, %run_scoped3A_43, %mul3A_10] : memref<3x3x20480xf32, #tpu.memory_space<hbm>> -> memref<1x1x640xf32, #tpu.memory_space<hbm>>
      %dma_start3A_59 = tpu.memref_squeeze %dma_start3A_58 : memref<1x1x640xf32, #tpu.memory_space<hbm>> -> memref<640xf32, #tpu.memory_space<hbm>>
      %dma_start3A_60 = arith.constant 0 : i32
      %dma_start3A_61 = tpu.memref_slice %arg14[%run_scoped3A_44, %run_scoped3A_45, %dma_start3A_60] : memref<3x3x640xf32, #tpu.memory_space<vmem>> -> memref<1x1x640xf32, #tpu.memory_space<vmem>>
      %dma_start3A_62 = tpu.memref_squeeze %dma_start3A_61 : memref<1x1x640xf32, #tpu.memory_space<vmem>> -> memref<640xf32, #tpu.memory_space<vmem>>
      %dma_start3A_63 = tpu.memref_slice %arg5[%run_scoped3A_42, %run_scoped3A_43, %mul3A_10] : memref<3x3x20480xf32, #tpu.memory_space<hbm>> -> memref<1x1x640xf32, #tpu.memory_space<hbm>>
      %dma_start3A_64 = tpu.memref_squeeze %dma_start3A_63 : memref<1x1x640xf32, #tpu.memory_space<hbm>> -> memref<640xf32, #tpu.memory_space<hbm>>
      tpu.enqueue_dma source(%dma_start3A_64 : memref<640xf32, #tpu.memory_space<hbm>>) target(%dma_start3A_62 : memref<640xf32, #tpu.memory_space<vmem>>) target_semaphore(%run_scoped3A_55 : memref<!tpu.dma_semaphore, #tpu.memory_space<semaphore_mem>>)
      %dma_wait3A = arith.constant 0 : i32
      %dma_wait3A_65 = tpu.memref_slice %arg14[%run_scoped3A_44, %run_scoped3A_45, %dma_wait3A] : memref<3x3x640xf32, #tpu.memory_space<vmem>> -> memref<1x1x640xf32, #tpu.memory_space<vmem>>
      %dma_wait3A_66 = tpu.memref_squeeze %dma_wait3A_65 : memref<1x1x640xf32, #tpu.memory_space<vmem>> -> memref<640xf32, #tpu.memory_space<vmem>>
      %dma_wait3A_67 = tpu.memref_slice %arg5[%run_scoped3A_42, %run_scoped3A_43, %mul3A_10] : memref<3x3x20480xf32, #tpu.memory_space<hbm>> -> memref<1x1x640xf32, #tpu.memory_space<hbm>>
      %dma_wait3A_68 = tpu.memref_squeeze %dma_wait3A_67 : memref<1x1x640xf32, #tpu.memory_space<hbm>> -> memref<640xf32, #tpu.memory_space<hbm>>
      %dma_wait3A_69 = arith.constant 0 : i32
      %dma_wait3A_70 = tpu.memref_slice %arg14[%run_scoped3A_44, %run_scoped3A_45, %dma_wait3A_69] : memref<3x3x640xf32, #tpu.memory_space<vmem>> -> memref<1x1x640xf32, #tpu.memory_space<vmem>>
      %dma_wait3A_71 = tpu.memref_squeeze %dma_wait3A_70 : memref<1x1x640xf32, #tpu.memory_space<vmem>> -> memref<640xf32, #tpu.memory_space<vmem>>
      %dma_wait3A_72 = tpu.memref_slice %arg5[%run_scoped3A_42, %run_scoped3A_43, %mul3A_10] : memref<3x3x20480xf32, #tpu.memory_space<hbm>> -> memref<1x1x640xf32, #tpu.memory_space<hbm>>
      %dma_wait3A_73 = tpu.memref_squeeze %dma_wait3A_72 : memref<1x1x640xf32, #tpu.memory_space<hbm>> -> memref<640xf32, #tpu.memory_space<hbm>>
      tpu.wait_dma2 semaphore(%run_scoped3A_55 : memref<!tpu.dma_semaphore, #tpu.memory_space<semaphore_mem>>) src(%dma_wait3A_73 : memref<640xf32, #tpu.memory_space<hbm>>) dst(%dma_wait3A_71 : memref<640xf32, #tpu.memory_space<vmem>>)
      tpu.yield
    }) : () -> ()
    %iota3A = tpu.iota {dimensions = array<i32: 0>} : vector<16xi32>
    %broadcast_in_dim3A = arith.constant 0.000000e+00 : f32
    %broadcast_in_dim3A_46 = vector.broadcast %broadcast_in_dim3A : f32 to vector<16xf32>
    %while3A = arith.constant 0 : i32
    %while3A_47 = arith.subi %add3A_8, %while3A : i32
    %while3A_48 = arith.addi %while3A, %while3A_47 : i32
    %while3A_49 = arith.constant 1 : i32
    %while3A_50 = arith.divsi %while3A_47, %while3A_49 : i32
    %while3A_51 = arith.muli %while3A_50, %while3A_49 : i32
    %while3A_52 = arith.addi %while3A, %while3A_51 : i32
    %while3A_53 = arith.constant 1 : i32
    scf.for %while3A_55 = %while3A to %while3A_52 step %while3A_53  : i32 {
      %mul3A_56 = arith.constant 16 : i32
      %mul3A_57 = arith.muli %while3A_55, %mul3A_56 : i32
      %add3A_58 = arith.addi %mul3A_10, %mul3A_57 : i32
      %get3A = arith.index_cast %mul3A_57 : i32 to index
      %get3A_59 = tpu.vector_load %arg11[%get3A] {strides = array<i32>} : memref<640xf32, #tpu.memory_space<vmem>>, vector<16xf32>,
      %get3A_60 = arith.index_cast %mul3A_57 : i32 to index
      %get3A_61 = tpu.vector_load %arg12[%get3A_60] {strides = array<i32>} : memref<640xf32, #tpu.memory_space<vmem>>, vector<16xf32>,
      %get3A_62 = arith.index_cast %mul3A_57 : i32 to index
      %get3A_63 = tpu.vector_load %arg13[%get3A_62] {strides = array<i32>} : memref<640xf32, #tpu.memory_space<vmem>>, vector<16xf32>,
      %broadcast_in_dim3A_64 = arith.constant 0 : i32
      %broadcast_in_dim3A_65 = vector.broadcast %broadcast_in_dim3A_64 : i32 to vector<16xi32>
      tpu.vector_store_idx %arg20[%iota3A, %broadcast_in_dim3A_65], %get3A_59 : memref<16x2883xf32, #tpu.memory_space<vmem>>[vector<16xi32>, vector<16xi32>], vector<16xf32>,
      %broadcast_in_dim3A_66 = arith.constant 1 : i32
      %broadcast_in_dim3A_67 = vector.broadcast %broadcast_in_dim3A_66 : i32 to vector<16xi32>
      tpu.vector_store_idx %arg20[%iota3A, %broadcast_in_dim3A_67], %get3A_61 : memref<16x2883xf32, #tpu.memory_space<vmem>>[vector<16xi32>, vector<16xi32>], vector<16xf32>,
      %broadcast_in_dim3A_68 = arith.constant 2 : i32
      %broadcast_in_dim3A_69 = vector.broadcast %broadcast_in_dim3A_68 : i32 to vector<16xi32>
      tpu.vector_store_idx %arg20[%iota3A, %broadcast_in_dim3A_69], %get3A_63 : memref<16x2883xf32, #tpu.memory_space<vmem>>[vector<16xi32>, vector<16xi32>], vector<16xf32>,
      %get3A_70 = arith.constant 0 : i32
      %get3A_71 = arith.constant 0 : i32
      %get3A_72 = arith.index_cast %get3A_70 : i32 to index
      %get3A_73 = arith.index_cast %get3A_71 : i32 to index
      %get3A_74 = arith.index_cast %mul3A_57 : i32 to index
      %get3A_75 = tpu.vector_load %arg14[%get3A_72, %get3A_73, %get3A_74] {strides = array<i32>} : memref<3x3x640xf32, #tpu.memory_space<vmem>>, vector<16xf32>,
      %get3A_76 = arith.constant 0 : i32
      %get3A_77 = arith.constant 1 : i32
      %get3A_78 = arith.index_cast %get3A_76 : i32 to index
      %get3A_79 = arith.index_cast %get3A_77 : i32 to index
      %get3A_80 = arith.index_cast %mul3A_57 : i32 to index
      %get3A_81 = tpu.vector_load %arg14[%get3A_78, %get3A_79, %get3A_80] {strides = array<i32>} : memref<3x3x640xf32, #tpu.memory_space<vmem>>, vector<16xf32>,
      %get3A_82 = arith.constant 0 : i32
      %get3A_83 = arith.constant 2 : i32
      %get3A_84 = arith.index_cast %get3A_82 : i32 to index
      %get3A_85 = arith.index_cast %get3A_83 : i32 to index
      %get3A_86 = arith.index_cast %mul3A_57 : i32 to index
      %get3A_87 = tpu.vector_load %arg14[%get3A_84, %get3A_85, %get3A_86] {strides = array<i32>} : memref<3x3x640xf32, #tpu.memory_space<vmem>>, vector<16xf32>,
      %neg3A = arith.constant 0.000000e+00 : f32
      %neg3A_88 = vector.broadcast %neg3A : f32 to vector<16xf32>
      %neg3A_89 = arith.subf %neg3A_88, %get3A_87 : vector<16xf32>
      %neg3A_90 = arith.constant 0.000000e+00 : f32
      %neg3A_91 = vector.broadcast %neg3A_90 : f32 to vector<16xf32>
      %neg3A_92 = arith.subf %neg3A_91, %get3A_81 : vector<16xf32>
      %div3A = arith.divf %neg3A_92, %neg3A_89 : vector<16xf32>
      %mul3A_93 = arith.constant 2.480000e+02 : f32
      %mul3A_94 = vector.broadcast %mul3A_93 : f32 to vector<16xf32>
      %mul3A_95 = arith.mulf %mul3A_94, %div3A : vector<16xf32>
      %add3A_96 = arith.constant 1.120000e+02 : f32
      %add3A_97 = vector.broadcast %add3A_96 : f32 to vector<16xf32>
      %add3A_98 = arith.addf %mul3A_95, %add3A_97 : vector<16xf32>
      %div3A_99 = arith.divf %get3A_75, %neg3A_89 : vector<16xf32>
      %mul3A_100 = arith.constant 2.480000e+02 : f32
      %mul3A_101 = vector.broadcast %mul3A_100 : f32 to vector<16xf32>
      %mul3A_102 = arith.mulf %mul3A_101, %div3A_99 : vector<16xf32>
      %add3A_103 = arith.constant 1.120000e+02 : f32
      %add3A_104 = vector.broadcast %add3A_103 : f32 to vector<16xf32>
      %add3A_105 = arith.addf %mul3A_102, %add3A_104 : vector<16xf32>
      %ne3A = arith.cmpf one, %add3A_98, %add3A_98 : vector<16xf32>
      %select_n3A_106 = arith.select %ne3A, %broadcast_in_dim3A_46, %add3A_98 : vector<16xi1>, vector<16xf32>
      %ne3A_107 = arith.cmpf one, %add3A_105, %add3A_105 : vector<16xf32>
      %select_n3A_108 = arith.select %ne3A_107, %broadcast_in_dim3A_46, %add3A_105 : vector<16xi1>, vector<16xf32>
      %max3A = arith.constant 0.000000e+00 : f32
      %max3A_109 = vector.broadcast %max3A : f32 to vector<16xf32>
      %max3A_110 = arith.maximumf %select_n3A_106, %max3A_109 : vector<16xf32>
      %min3A_111 = arith.constant 2.230000e+02 : f32
      %min3A_112 = vector.broadcast %min3A_111 : f32 to vector<16xf32>
      %min3A_113 = arith.minimumf %max3A_110, %min3A_112 : vector<16xf32>
      %max3A_114 = arith.constant 0.000000e+00 : f32
      %max3A_115 = vector.broadcast %max3A_114 : f32 to vector<16xf32>
      %max3A_116 = arith.maximumf %select_n3A_108, %max3A_115 : vector<16xf32>
      %min3A_117 = arith.constant 2.230000e+02 : f32
      %min3A_118 = vector.broadcast %min3A_117 : f32 to vector<16xf32>
      %min3A_119 = arith.minimumf %max3A_116, %min3A_118 : vector<16xf32>
      %mul3A_120 = arith.constant 2.500000e-01 : f32
      %mul3A_121 = vector.broadcast %mul3A_120 : f32 to vector<16xf32>
      %mul3A_122 = arith.mulf %min3A_113, %mul3A_121 : vector<16xf32>
      %convert_element_type3A = arith.fptosi %mul3A_122 : vector<16xf32> to vector<16xi32>
      %mul3A_123 = arith.constant 2.500000e-01 : f32
      %mul3A_124 = vector.broadcast %mul3A_123 : f32 to vector<16xf32>
      %mul3A_125 = arith.mulf %min3A_119, %mul3A_124 : vector<16xf32>
      %convert_element_type3A_126 = arith.fptosi %mul3A_125 : vector<16xf32> to vector<16xi32>
      %mul3A_127 = arith.constant 56 : i32
      %mul3A_128 = vector.broadcast %mul3A_127 : i32 to vector<16xi32>
      %mul3A_129 = arith.muli %convert_element_type3A, %mul3A_128 : vector<16xi32>
      %add3A_130 = arith.addi %mul3A_129, %convert_element_type3A_126 : vector<16xi32>
      %swap3A = arith.constant 0 : i32
      %swap3A_131 = arith.index_cast %swap3A : i32 to index
      %swap3A_132 = arith.constant 0 : index
      %swap3A_133 = tpu.vector_load %arg15[%swap3A_131, %swap3A_132] {strides = array<i32>} : memref<12x16xi32, #tpu.memory_space<vmem>>, vector<16xi32>,
      tpu.vector_store %arg15[%swap3A_131, %swap3A_132], %add3A_130 {strides = array<i32>} : memref<12x16xi32, #tpu.memory_space<vmem>>, vector<16xi32>,
      %mul3A_134 = arith.constant 1.250000e-01 : f32
      %mul3A_135 = vector.broadcast %mul3A_134 : f32 to vector<16xf32>
      %mul3A_136 = arith.mulf %min3A_113, %mul3A_135 : vector<16xf32>
      %convert_element_type3A_137 = arith.fptosi %mul3A_136 : vector<16xf32> to vector<16xi32>
      %mul3A_138 = arith.constant 1.250000e-01 : f32
      %mul3A_139 = vector.broadcast %mul3A_138 : f32 to vector<16xf32>
      %mul3A_140 = arith.mulf %min3A_119, %mul3A_139 : vector<16xf32>
      %convert_element_type3A_141 = arith.fptosi %mul3A_140 : vector<16xf32> to vector<16xi32>
      %mul3A_142 = arith.constant 28 : i32
      %mul3A_143 = vector.broadcast %mul3A_142 : i32 to vector<16xi32>
      %mul3A_144 = arith.muli %convert_element_type3A_137, %mul3A_143 : vector<16xi32>
      %add3A_145 = arith.addi %mul3A_144, %convert_element_type3A_141 : vector<16xi32>
      %swap3A_146 = arith.constant 1 : i32
      %swap3A_147 = arith.index_cast %swap3A_146 : i32 to index
      %swap3A_148 = arith.constant 0 : index
      %swap3A_149 = tpu.vector_load %arg15[%swap3A_147, %swap3A_148] {strides = array<i32>} : memref<12x16xi32, #tpu.memory_space<vmem>>, vector<16xi32>,
      tpu.vector_store %arg15[%swap3A_147, %swap3A_148], %add3A_145 {strides = array<i32>} : memref<12x16xi32, #tpu.memory_space<vmem>>, vector<16xi32>,
      %mul3A_150 = arith.constant 6.250000e-02 : f32
      %mul3A_151 = vector.broadcast %mul3A_150 : f32 to vector<16xf32>
      %mul3A_152 = arith.mulf %min3A_113, %mul3A_151 : vector<16xf32>
      %convert_element_type3A_153 = arith.fptosi %mul3A_152 : vector<16xf32> to vector<16xi32>
      %mul3A_154 = arith.constant 6.250000e-02 : f32
      %mul3A_155 = vector.broadcast %mul3A_154 : f32 to vector<16xf32>
      %mul3A_156 = arith.mulf %min3A_119, %mul3A_155 : vector<16xf32>
      %convert_element_type3A_157 = arith.fptosi %mul3A_156 : vector<16xf32> to vector<16xi32>
      %mul3A_158 = arith.constant 14 : i32
      %mul3A_159 = vector.broadcast %mul3A_158 : i32 to vector<16xi32>
      %mul3A_160 = arith.muli %convert_element_type3A_153, %mul3A_159 : vector<16xi32>
      %add3A_161 = arith.addi %mul3A_160, %convert_element_type3A_157 : vector<16xi32>
      %swap3A_162 = arith.constant 2 : i32
      %swap3A_163 = arith.index_cast %swap3A_162 : i32 to index
      %swap3A_164 = arith.constant 0 : index
      %swap3A_165 = tpu.vector_load %arg15[%swap3A_163, %swap3A_164] {strides = array<i32>} : memref<12x16xi32, #tpu.memory_space<vmem>>, vector<16xi32>,
      tpu.vector_store %arg15[%swap3A_163, %swap3A_164], %add3A_161 {strides = array<i32>} : memref<12x16xi32, #tpu.memory_space<vmem>>, vector<16xi32>,
      %mul3A_166 = arith.constant 3.125000e-02 : f32
      %mul3A_167 = vector.broadcast %mul3A_166 : f32 to vector<16xf32>
      %mul3A_168 = arith.mulf %min3A_113, %mul3A_167 : vector<16xf32>
      %convert_element_type3A_169 = arith.fptosi %mul3A_168 : vector<16xf32> to vector<16xi32>
      %mul3A_170 = arith.constant 3.125000e-02 : f32
      %mul3A_171 = vector.broadcast %mul3A_170 : f32 to vector<16xf32>
      %mul3A_172 = arith.mulf %min3A_119, %mul3A_171 : vector<16xf32>
      %convert_element_type3A_173 = arith.fptosi %mul3A_172 : vector<16xf32> to vector<16xi32>
      %mul3A_174 = arith.constant 7 : i32
      %mul3A_175 = vector.broadcast %mul3A_174 : i32 to vector<16xi32>
      %mul3A_176 = arith.muli %convert_element_type3A_169, %mul3A_175 : vector<16xi32>
      %add3A_177 = arith.addi %mul3A_176, %convert_element_type3A_173 : vector<16xi32>
      %swap3A_178 = arith.constant 3 : i32
      %swap3A_179 = arith.index_cast %swap3A_178 : i32 to index
      %swap3A_180 = arith.constant 0 : index
      %swap3A_181 = tpu.vector_load %arg15[%swap3A_179, %swap3A_180] {strides = array<i32>} : memref<12x16xi32, #tpu.memory_space<vmem>>, vector<16xi32>,
      tpu.vector_store %arg15[%swap3A_179, %swap3A_180], %add3A_177 {strides = array<i32>} : memref<12x16xi32, #tpu.memory_space<vmem>>, vector<16xi32>,
      %get3A_182 = arith.constant 1 : i32
      %get3A_183 = arith.constant 0 : i32
      %get3A_184 = arith.index_cast %get3A_182 : i32 to index
      %get3A_185 = arith.index_cast %get3A_183 : i32 to index
      %get3A_186 = arith.index_cast %mul3A_57 : i32 to index
      %get3A_187 = tpu.vector_load %arg14[%get3A_184, %get3A_185, %get3A_186] {strides = array<i32>} : memref<3x3x640xf32, #tpu.memory_space<vmem>>, vector<16xf32>,
      %get3A_188 = arith.constant 1 : i32
      %get3A_189 = arith.constant 1 : i32
      %get3A_190 = arith.index_cast %get3A_188 : i32 to index
      %get3A_191 = arith.index_cast %get3A_189 : i32 to index
      %get3A_192 = arith.index_cast %mul3A_57 : i32 to index
      %get3A_193 = tpu.vector_load %arg14[%get3A_190, %get3A_191, %get3A_192] {strides = array<i32>} : memref<3x3x640xf32, #tpu.memory_space<vmem>>, vector<16xf32>,
      %get3A_194 = arith.constant 1 : i32
      %get3A_195 = arith.constant 2 : i32
      %get3A_196 = arith.index_cast %get3A_194 : i32 to index
      %get3A_197 = arith.index_cast %get3A_195 : i32 to index
      %get3A_198 = arith.index_cast %mul3A_57 : i32 to index
      %get3A_199 = tpu.vector_load %arg14[%get3A_196, %get3A_197, %get3A_198] {strides = array<i32>} : memref<3x3x640xf32, #tpu.memory_space<vmem>>, vector<16xf32>,
      %neg3A_200 = arith.constant 0.000000e+00 : f32
      %neg3A_201 = vector.broadcast %neg3A_200 : f32 to vector<16xf32>
      %neg3A_202 = arith.subf %neg3A_201, %get3A_199 : vector<16xf32>
      %neg3A_203 = arith.constant 0.000000e+00 : f32
      %neg3A_204 = vector.broadcast %neg3A_203 : f32 to vector<16xf32>
      %neg3A_205 = arith.subf %neg3A_204, %get3A_193 : vector<16xf32>
      %div3A_206 = arith.divf %neg3A_205, %neg3A_202 : vector<16xf32>
      %mul3A_207 = arith.constant 2.480000e+02 : f32
      %mul3A_208 = vector.broadcast %mul3A_207 : f32 to vector<16xf32>
      %mul3A_209 = arith.mulf %mul3A_208, %div3A_206 : vector<16xf32>
      %add3A_210 = arith.constant 1.120000e+02 : f32
      %add3A_211 = vector.broadcast %add3A_210 : f32 to vector<16xf32>
      %add3A_212 = arith.addf %mul3A_209, %add3A_211 : vector<16xf32>
      %div3A_213 = arith.divf %get3A_187, %neg3A_202 : vector<16xf32>
      %mul3A_214 = arith.constant 2.480000e+02 : f32
      %mul3A_215 = vector.broadcast %mul3A_214 : f32 to vector<16xf32>
      %mul3A_216 = arith.mulf %mul3A_215, %div3A_213 : vector<16xf32>
      %add3A_217 = arith.constant 1.120000e+02 : f32
      %add3A_218 = vector.broadcast %add3A_217 : f32 to vector<16xf32>
      %add3A_219 = arith.addf %mul3A_216, %add3A_218 : vector<16xf32>
      %ne3A_220 = arith.cmpf one, %add3A_212, %add3A_212 : vector<16xf32>
      %select_n3A_221 = arith.select %ne3A_220, %broadcast_in_dim3A_46, %add3A_212 : vector<16xi1>, vector<16xf32>
      %ne3A_222 = arith.cmpf one, %add3A_219, %add3A_219 : vector<16xf32>
      %select_n3A_223 = arith.select %ne3A_222, %broadcast_in_dim3A_46, %add3A_219 : vector<16xi1>, vector<16xf32>
      %max3A_224 = arith.constant 0.000000e+00 : f32
      %max3A_225 = vector.broadcast %max3A_224 : f32 to vector<16xf32>
      %max3A_226 = arith.maximumf %select_n3A_221, %max3A_225 : vector<16xf32>
      %min3A_227 = arith.constant 2.230000e+02 : f32
      %min3A_228 = vector.broadcast %min3A_227 : f32 to vector<16xf32>
      %min3A_229 = arith.minimumf %max3A_226, %min3A_228 : vector<16xf32>
      %max3A_230 = arith.constant 0.000000e+00 : f32
      %max3A_231 = vector.broadcast %max3A_230 : f32 to vector<16xf32>
      %max3A_232 = arith.maximumf %select_n3A_223, %max3A_231 : vector<16xf32>
      %min3A_233 = arith.constant 2.230000e+02 : f32
      %min3A_234 = vector.broadcast %min3A_233 : f32 to vector<16xf32>
      %min3A_235 = arith.minimumf %max3A_232, %min3A_234 : vector<16xf32>
      %mul3A_236 = arith.constant 2.500000e-01 : f32
      %mul3A_237 = vector.broadcast %mul3A_236 : f32 to vector<16xf32>
      %mul3A_238 = arith.mulf %min3A_229, %mul3A_237 : vector<16xf32>
      %convert_element_type3A_239 = arith.fptosi %mul3A_238 : vector<16xf32> to vector<16xi32>
      %mul3A_240 = arith.constant 2.500000e-01 : f32
      %mul3A_241 = vector.broadcast %mul3A_240 : f32 to vector<16xf32>
      %mul3A_242 = arith.mulf %min3A_235, %mul3A_241 : vector<16xf32>
      %convert_element_type3A_243 = arith.fptosi %mul3A_242 : vector<16xf32> to vector<16xi32>
      %mul3A_244 = arith.constant 56 : i32
      %mul3A_245 = vector.broadcast %mul3A_244 : i32 to vector<16xi32>
      %mul3A_246 = arith.muli %convert_element_type3A_239, %mul3A_245 : vector<16xi32>
      %add3A_247 = arith.addi %mul3A_246, %convert_element_type3A_243 : vector<16xi32>
      %swap3A_248 = arith.constant 4 : i32
      %swap3A_249 = arith.index_cast %swap3A_248 : i32 to index
      %swap3A_250 = arith.constant 0 : index
      %swap3A_251 = tpu.vector_load %arg15[%swap3A_249, %swap3A_250] {strides = array<i32>} : memref<12x16xi32, #tpu.memory_space<vmem>>, vector<16xi32>,
      tpu.vector_store %arg15[%swap3A_249, %swap3A_250], %add3A_247 {strides = array<i32>} : memref<12x16xi32, #tpu.memory_space<vmem>>, vector<16xi32>,
      %mul3A_252 = arith.constant 1.250000e-01 : f32
      %mul3A_253 = vector.broadcast %mul3A_252 : f32 to vector<16xf32>
      %mul3A_254 = arith.mulf %min3A_229, %mul3A_253 : vector<16xf32>
      %convert_element_type3A_255 = arith.fptosi %mul3A_254 : vector<16xf32> to vector<16xi32>
      %mul3A_256 = arith.constant 1.250000e-01 : f32
      %mul3A_257 = vector.broadcast %mul3A_256 : f32 to vector<16xf32>
      %mul3A_258 = arith.mulf %min3A_235, %mul3A_257 : vector<16xf32>
      %convert_element_type3A_259 = arith.fptosi %mul3A_258 : vector<16xf32> to vector<16xi32>
      %mul3A_260 = arith.constant 28 : i32
      %mul3A_261 = vector.broadcast %mul3A_260 : i32 to vector<16xi32>
      %mul3A_262 = arith.muli %convert_element_type3A_255, %mul3A_261 : vector<16xi32>
      %add3A_263 = arith.addi %mul3A_262, %convert_element_type3A_259 : vector<16xi32>
      %swap3A_264 = arith.constant 5 : i32
      %swap3A_265 = arith.index_cast %swap3A_264 : i32 to index
      %swap3A_266 = arith.constant 0 : index
      %swap3A_267 = tpu.vector_load %arg15[%swap3A_265, %swap3A_266] {strides = array<i32>} : memref<12x16xi32, #tpu.memory_space<vmem>>, vector<16xi32>,
      tpu.vector_store %arg15[%swap3A_265, %swap3A_266], %add3A_263 {strides = array<i32>} : memref<12x16xi32, #tpu.memory_space<vmem>>, vector<16xi32>,
      %mul3A_268 = arith.constant 6.250000e-02 : f32
      %mul3A_269 = vector.broadcast %mul3A_268 : f32 to vector<16xf32>
      %mul3A_270 = arith.mulf %min3A_229, %mul3A_269 : vector<16xf32>
      %convert_element_type3A_271 = arith.fptosi %mul3A_270 : vector<16xf32> to vector<16xi32>
      %mul3A_272 = arith.constant 6.250000e-02 : f32
      %mul3A_273 = vector.broadcast %mul3A_272 : f32 to vector<16xf32>
      %mul3A_274 = arith.mulf %min3A_235, %mul3A_273 : vector<16xf32>
      %convert_element_type3A_275 = arith.fptosi %mul3A_274 : vector<16xf32> to vector<16xi32>
      %mul3A_276 = arith.constant 14 : i32
      %mul3A_277 = vector.broadcast %mul3A_276 : i32 to vector<16xi32>
      %mul3A_278 = arith.muli %convert_element_type3A_271, %mul3A_277 : vector<16xi32>
      %add3A_279 = arith.addi %mul3A_278, %convert_element_type3A_275 : vector<16xi32>
      %swap3A_280 = arith.constant 6 : i32
      %swap3A_281 = arith.index_cast %swap3A_280 : i32 to index
      %swap3A_282 = arith.constant 0 : index
      %swap3A_283 = tpu.vector_load %arg15[%swap3A_281, %swap3A_282] {strides = array<i32>} : memref<12x16xi32, #tpu.memory_space<vmem>>, vector<16xi32>,
      tpu.vector_store %arg15[%swap3A_281, %swap3A_282], %add3A_279 {strides = array<i32>} : memref<12x16xi32, #tpu.memory_space<vmem>>, vector<16xi32>,
      %mul3A_284 = arith.constant 3.125000e-02 : f32
      %mul3A_285 = vector.broadcast %mul3A_284 : f32 to vector<16xf32>
      %mul3A_286 = arith.mulf %min3A_229, %mul3A_285 : vector<16xf32>
      %convert_element_type3A_287 = arith.fptosi %mul3A_286 : vector<16xf32> to vector<16xi32>
      %mul3A_288 = arith.constant 3.125000e-02 : f32
      %mul3A_289 = vector.broadcast %mul3A_288 : f32 to vector<16xf32>
      %mul3A_290 = arith.mulf %min3A_235, %mul3A_289 : vector<16xf32>
      %convert_element_type3A_291 = arith.fptosi %mul3A_290 : vector<16xf32> to vector<16xi32>
      %mul3A_292 = arith.constant 7 : i32
      %mul3A_293 = vector.broadcast %mul3A_292 : i32 to vector<16xi32>
      %mul3A_294 = arith.muli %convert_element_type3A_287, %mul3A_293 : vector<16xi32>
      %add3A_295 = arith.addi %mul3A_294, %convert_element_type3A_291 : vector<16xi32>
      %swap3A_296 = arith.constant 7 : i32
      %swap3A_297 = arith.index_cast %swap3A_296 : i32 to index
      %swap3A_298 = arith.constant 0 : index
      %swap3A_299 = tpu.vector_load %arg15[%swap3A_297, %swap3A_298] {strides = array<i32>} : memref<12x16xi32, #tpu.memory_space<vmem>>, vector<16xi32>,
      tpu.vector_store %arg15[%swap3A_297, %swap3A_298], %add3A_295 {strides = array<i32>} : memref<12x16xi32, #tpu.memory_space<vmem>>, vector<16xi32>,
      %get3A_300 = arith.constant 2 : i32
      %get3A_301 = arith.constant 0 : i32
      %get3A_302 = arith.index_cast %get3A_300 : i32 to index
      %get3A_303 = arith.index_cast %get3A_301 : i32 to index
      %get3A_304 = arith.index_cast %mul3A_57 : i32 to index
      %get3A_305 = tpu.vector_load %arg14[%get3A_302, %get3A_303, %get3A_304] {strides = array<i32>} : memref<3x3x640xf32, #tpu.memory_space<vmem>>, vector<16xf32>,
      %get3A_306 = arith.constant 2 : i32
      %get3A_307 = arith.constant 1 : i32
      %get3A_308 = arith.index_cast %get3A_306 : i32 to index
      %get3A_309 = arith.index_cast %get3A_307 : i32 to index
      %get3A_310 = arith.index_cast %mul3A_57 : i32 to index
      %get3A_311 = tpu.vector_load %arg14[%get3A_308, %get3A_309, %get3A_310] {strides = array<i32>} : memref<3x3x640xf32, #tpu.memory_space<vmem>>, vector<16xf32>,
      %get3A_312 = arith.constant 2 : i32
      %get3A_313 = arith.constant 2 : i32
      %get3A_314 = arith.index_cast %get3A_312 : i32 to index
      %get3A_315 = arith.index_cast %get3A_313 : i32 to index
      %get3A_316 = arith.index_cast %mul3A_57 : i32 to index
      %get3A_317 = tpu.vector_load %arg14[%get3A_314, %get3A_315, %get3A_316] {strides = array<i32>} : memref<3x3x640xf32, #tpu.memory_space<vmem>>, vector<16xf32>,
      %neg3A_318 = arith.constant 0.000000e+00 : f32
      %neg3A_319 = vector.broadcast %neg3A_318 : f32 to vector<16xf32>
      %neg3A_320 = arith.subf %neg3A_319, %get3A_317 : vector<16xf32>
      %neg3A_321 = arith.constant 0.000000e+00 : f32
      %neg3A_322 = vector.broadcast %neg3A_321 : f32 to vector<16xf32>
      %neg3A_323 = arith.subf %neg3A_322, %get3A_311 : vector<16xf32>
      %div3A_324 = arith.divf %neg3A_323, %neg3A_320 : vector<16xf32>
      %mul3A_325 = arith.constant 2.480000e+02 : f32
      %mul3A_326 = vector.broadcast %mul3A_325 : f32 to vector<16xf32>
      %mul3A_327 = arith.mulf %mul3A_326, %div3A_324 : vector<16xf32>
      %add3A_328 = arith.constant 1.120000e+02 : f32
      %add3A_329 = vector.broadcast %add3A_328 : f32 to vector<16xf32>
      %add3A_330 = arith.addf %mul3A_327, %add3A_329 : vector<16xf32>
      %div3A_331 = arith.divf %get3A_305, %neg3A_320 : vector<16xf32>
      %mul3A_332 = arith.constant 2.480000e+02 : f32
      %mul3A_333 = vector.broadcast %mul3A_332 : f32 to vector<16xf32>
      %mul3A_334 = arith.mulf %mul3A_333, %div3A_331 : vector<16xf32>
      %add3A_335 = arith.constant 1.120000e+02 : f32
      %add3A_336 = vector.broadcast %add3A_335 : f32 to vector<16xf32>
      %add3A_337 = arith.addf %mul3A_334, %add3A_336 : vector<16xf32>
      %ne3A_338 = arith.cmpf one, %add3A_330, %add3A_330 : vector<16xf32>
      %select_n3A_339 = arith.select %ne3A_338, %broadcast_in_dim3A_46, %add3A_330 : vector<16xi1>, vector<16xf32>
      %ne3A_340 = arith.cmpf one, %add3A_337, %add3A_337 : vector<16xf32>
      %select_n3A_341 = arith.select %ne3A_340, %broadcast_in_dim3A_46, %add3A_337 : vector<16xi1>, vector<16xf32>
      %max3A_342 = arith.constant 0.000000e+00 : f32
      %max3A_343 = vector.broadcast %max3A_342 : f32 to vector<16xf32>
      %max3A_344 = arith.maximumf %select_n3A_339, %max3A_343 : vector<16xf32>
      %min3A_345 = arith.constant 2.230000e+02 : f32
      %min3A_346 = vector.broadcast %min3A_345 : f32 to vector<16xf32>
      %min3A_347 = arith.minimumf %max3A_344, %min3A_346 : vector<16xf32>
      %max3A_348 = arith.constant 0.000000e+00 : f32
      %max3A_349 = vector.broadcast %max3A_348 : f32 to vector<16xf32>
      %max3A_350 = arith.maximumf %select_n3A_341, %max3A_349 : vector<16xf32>
      %min3A_351 = arith.constant 2.230000e+02 : f32
      %min3A_352 = vector.broadcast %min3A_351 : f32 to vector<16xf32>
      %min3A_353 = arith.minimumf %max3A_350, %min3A_352 : vector<16xf32>
      %mul3A_354 = arith.constant 2.500000e-01 : f32
      %mul3A_355 = vector.broadcast %mul3A_354 : f32 to vector<16xf32>
      %mul3A_356 = arith.mulf %min3A_347, %mul3A_355 : vector<16xf32>
      %convert_element_type3A_357 = arith.fptosi %mul3A_356 : vector<16xf32> to vector<16xi32>
      %mul3A_358 = arith.constant 2.500000e-01 : f32
      %mul3A_359 = vector.broadcast %mul3A_358 : f32 to vector<16xf32>
      %mul3A_360 = arith.mulf %min3A_353, %mul3A_359 : vector<16xf32>
      %convert_element_type3A_361 = arith.fptosi %mul3A_360 : vector<16xf32> to vector<16xi32>
      %mul3A_362 = arith.constant 56 : i32
      %mul3A_363 = vector.broadcast %mul3A_362 : i32 to vector<16xi32>
      %mul3A_364 = arith.muli %convert_element_type3A_357, %mul3A_363 : vector<16xi32>
      %add3A_365 = arith.addi %mul3A_364, %convert_element_type3A_361 : vector<16xi32>
      %swap3A_366 = arith.constant 8 : i32
      %swap3A_367 = arith.index_cast %swap3A_366 : i32 to index
      %swap3A_368 = arith.constant 0 : index
      %swap3A_369 = tpu.vector_load %arg15[%swap3A_367, %swap3A_368] {strides = array<i32>} : memref<12x16xi32, #tpu.memory_space<vmem>>, vector<16xi32>,
      tpu.vector_store %arg15[%swap3A_367, %swap3A_368], %add3A_365 {strides = array<i32>} : memref<12x16xi32, #tpu.memory_space<vmem>>, vector<16xi32>,
      %mul3A_370 = arith.constant 1.250000e-01 : f32
      %mul3A_371 = vector.broadcast %mul3A_370 : f32 to vector<16xf32>
      %mul3A_372 = arith.mulf %min3A_347, %mul3A_371 : vector<16xf32>
      %convert_element_type3A_373 = arith.fptosi %mul3A_372 : vector<16xf32> to vector<16xi32>
      %mul3A_374 = arith.constant 1.250000e-01 : f32
      %mul3A_375 = vector.broadcast %mul3A_374 : f32 to vector<16xf32>
      %mul3A_376 = arith.mulf %min3A_353, %mul3A_375 : vector<16xf32>
      %convert_element_type3A_377 = arith.fptosi %mul3A_376 : vector<16xf32> to vector<16xi32>
      %mul3A_378 = arith.constant 28 : i32
      %mul3A_379 = vector.broadcast %mul3A_378 : i32 to vector<16xi32>
      %mul3A_380 = arith.muli %convert_element_type3A_373, %mul3A_379 : vector<16xi32>
      %add3A_381 = arith.addi %mul3A_380, %convert_element_type3A_377 : vector<16xi32>
      %swap3A_382 = arith.constant 9 : i32
      %swap3A_383 = arith.index_cast %swap3A_382 : i32 to index
      %swap3A_384 = arith.constant 0 : index
      %swap3A_385 = tpu.vector_load %arg15[%swap3A_383, %swap3A_384] {strides = array<i32>} : memref<12x16xi32, #tpu.memory_space<vmem>>, vector<16xi32>,
      tpu.vector_store %arg15[%swap3A_383, %swap3A_384], %add3A_381 {strides = array<i32>} : memref<12x16xi32, #tpu.memory_space<vmem>>, vector<16xi32>,
      %mul3A_386 = arith.constant 6.250000e-02 : f32
      %mul3A_387 = vector.broadcast %mul3A_386 : f32 to vector<16xf32>
      %mul3A_388 = arith.mulf %min3A_347, %mul3A_387 : vector<16xf32>
      %convert_element_type3A_389 = arith.fptosi %mul3A_388 : vector<16xf32> to vector<16xi32>
      %mul3A_390 = arith.constant 6.250000e-02 : f32
      %mul3A_391 = vector.broadcast %mul3A_390 : f32 to vector<16xf32>
      %mul3A_392 = arith.mulf %min3A_353, %mul3A_391 : vector<16xf32>
      %convert_element_type3A_393 = arith.fptosi %mul3A_392 : vector<16xf32> to vector<16xi32>
      %mul3A_394 = arith.constant 14 : i32
      %mul3A_395 = vector.broadcast %mul3A_394 : i32 to vector<16xi32>
      %mul3A_396 = arith.muli %convert_element_type3A_389, %mul3A_395 : vector<16xi32>
      %add3A_397 = arith.addi %mul3A_396, %convert_element_type3A_393 : vector<16xi32>
      %swap3A_398 = arith.constant 10 : i32
      %swap3A_399 = arith.index_cast %swap3A_398 : i32 to index
      %swap3A_400 = arith.constant 0 : index
      %swap3A_401 = tpu.vector_load %arg15[%swap3A_399, %swap3A_400] {strides = array<i32>} : memref<12x16xi32, #tpu.memory_space<vmem>>, vector<16xi32>,
      tpu.vector_store %arg15[%swap3A_399, %swap3A_400], %add3A_397 {strides = array<i32>} : memref<12x16xi32, #tpu.memory_space<vmem>>, vector<16xi32>,
      %mul3A_402 = arith.constant 3.125000e-02 : f32
      %mul3A_403 = vector.broadcast %mul3A_402 : f32 to vector<16xf32>
      %mul3A_404 = arith.mulf %min3A_347, %mul3A_403 : vector<16xf32>
      %convert_element_type3A_405 = arith.fptosi %mul3A_404 : vector<16xf32> to vector<16xi32>
      %mul3A_406 = arith.constant 3.125000e-02 : f32
      %mul3A_407 = vector.broadcast %mul3A_406 : f32 to vector<16xf32>
      %mul3A_408 = arith.mulf %min3A_353, %mul3A_407 : vector<16xf32>
      %convert_element_type3A_409 = arith.fptosi %mul3A_408 : vector<16xf32> to vector<16xi32>
      %mul3A_410 = arith.constant 7 : i32
      %mul3A_411 = vector.broadcast %mul3A_410 : i32 to vector<16xi32>
      %mul3A_412 = arith.muli %convert_element_type3A_405, %mul3A_411 : vector<16xi32>
      %add3A_413 = arith.addi %mul3A_412, %convert_element_type3A_409 : vector<16xi32>
      %swap3A_414 = arith.constant 11 : i32
      %swap3A_415 = arith.index_cast %swap3A_414 : i32 to index
      %swap3A_416 = arith.constant 0 : index
      %swap3A_417 = tpu.vector_load %arg15[%swap3A_415, %swap3A_416] {strides = array<i32>} : memref<12x16xi32, #tpu.memory_space<vmem>>, vector<16xi32>,
      tpu.vector_store %arg15[%swap3A_415, %swap3A_416], %add3A_413 {strides = array<i32>} : memref<12x16xi32, #tpu.memory_space<vmem>>, vector<16xi32>,
      %dma_start3A = arith.constant 0 : i32
      %dma_start3A_418 = arith.constant 0 : i32
      %dma_start3A_419 = arith.constant 0 : i32
      %dma_start3A_420 = arith.constant 0 : i32
      %dma_start3A_421 = tpu.memref_slice %arg16[%dma_start3A_418, %dma_start3A_419, %dma_start3A_420] : memref<3x16x64xf32, #tpu.memory_space<vmem>> -> memref<1x16x64xf32, #tpu.memory_space<vmem>>
      %dma_start3A_422 = tpu.memref_squeeze %dma_start3A_421 : memref<1x16x64xf32, #tpu.memory_space<vmem>> -> memref<16x64xf32, #tpu.memory_space<vmem>>
      %dma_start3A_423 = arith.constant 0 : i32
      %dma_start3A_424 = tpu.memref_slice %arg15[%dma_start3A, %dma_start3A_423] : memref<12x16xi32, #tpu.memory_space<vmem>> -> memref<1x16xi32, #tpu.memory_space<vmem>>
      %dma_start3A_425 = tpu.memref_squeeze %dma_start3A_424 : memref<1x16xi32, #tpu.memory_space<vmem>> -> memref<16xi32, #tpu.memory_space<vmem>>
      %dma_start3A_426 = arith.constant 0 : i32
      %dma_start3A_427 = arith.constant 0 : i32
      %dma_start3A_428 = tpu.memref_slice %arg6[%dma_start3A_426, %dma_start3A_427] : memref<3136x64xf32, #tpu.memory_space<hbm>> -> memref<3136x64xf32, #tpu.memory_space<hbm>>
      tpu.enqueue_indirect_dma source(%dma_start3A_428 : memref<3136x64xf32, #tpu.memory_space<hbm>>) target(%dma_start3A_422 : memref<16x64xf32, #tpu.memory_space<vmem>>) offsets(%dma_start3A_425 : memref<16xi32, #tpu.memory_space<vmem>>) semaphore(%arg21 : memref<!tpu.dma_semaphore, #tpu.memory_space<semaphore_mem>>)
      %dma_start3A_429 = arith.constant 1 : i32
      %dma_start3A_430 = arith.constant 0 : i32
      %dma_start3A_431 = arith.constant 0 : i32
      %dma_start3A_432 = arith.constant 0 : i32
      %dma_start3A_433 = tpu.memref_slice %arg17[%dma_start3A_430, %dma_start3A_431, %dma_start3A_432] : memref<3x16x128xf32, #tpu.memory_space<vmem>> -> memref<1x16x128xf32, #tpu.memory_space<vmem>>
      %dma_start3A_434 = tpu.memref_squeeze %dma_start3A_433 : memref<1x16x128xf32, #tpu.memory_space<vmem>> -> memref<16x128xf32, #tpu.memory_space<vmem>>
      %dma_start3A_435 = arith.constant 0 : i32
      %dma_start3A_436 = tpu.memref_slice %arg15[%dma_start3A_429, %dma_start3A_435] : memref<12x16xi32, #tpu.memory_space<vmem>> -> memref<1x16xi32, #tpu.memory_space<vmem>>
      %dma_start3A_437 = tpu.memref_squeeze %dma_start3A_436 : memref<1x16xi32, #tpu.memory_space<vmem>> -> memref<16xi32, #tpu.memory_space<vmem>>
      %dma_start3A_438 = arith.constant 0 : i32
      %dma_start3A_439 = arith.constant 0 : i32
      %dma_start3A_440 = tpu.memref_slice %arg7[%dma_start3A_438, %dma_start3A_439] : memref<784x128xf32, #tpu.memory_space<hbm>> -> memref<784x128xf32, #tpu.memory_space<hbm>>
      tpu.enqueue_indirect_dma source(%dma_start3A_440 : memref<784x128xf32, #tpu.memory_space<hbm>>) target(%dma_start3A_434 : memref<16x128xf32, #tpu.memory_space<vmem>>) offsets(%dma_start3A_437 : memref<16xi32, #tpu.memory_space<vmem>>) semaphore(%arg21 : memref<!tpu.dma_semaphore, #tpu.memory_space<semaphore_mem>>)
      %dma_start3A_441 = arith.constant 2 : i32
      %dma_start3A_442 = arith.constant 0 : i32
      %dma_start3A_443 = arith.constant 0 : i32
      %dma_start3A_444 = arith.constant 0 : i32
      %dma_start3A_445 = tpu.memref_slice %arg18[%dma_start3A_442, %dma_start3A_443, %dma_start3A_444] : memref<3x16x256xf32, #tpu.memory_space<vmem>> -> memref<1x16x256xf32, #tpu.memory_space<vmem>>
      %dma_start3A_446 = tpu.memref_squeeze %dma_start3A_445 : memref<1x16x256xf32, #tpu.memory_space<vmem>> -> memref<16x256xf32, #tpu.memory_space<vmem>>
      %dma_start3A_447 = arith.constant 0 : i32
      %dma_start3A_448 = tpu.memref_slice %arg15[%dma_start3A_441, %dma_start3A_447] : memref<12x16xi32, #tpu.memory_space<vmem>> -> memref<1x16xi32, #tpu.memory_space<vmem>>
      %dma_start3A_449 = tpu.memref_squeeze %dma_start3A_448 : memref<1x16xi32, #tpu.memory_space<vmem>> -> memref<16xi32, #tpu.memory_space<vmem>>
      %dma_start3A_450 = arith.constant 0 : i32
      %dma_start3A_451 = arith.constant 0 : i32
      %dma_start3A_452 = tpu.memref_slice %arg8[%dma_start3A_450, %dma_start3A_451] : memref<196x256xf32, #tpu.memory_space<hbm>> -> memref<196x256xf32, #tpu.memory_space<hbm>>
      tpu.enqueue_indirect_dma source(%dma_start3A_452 : memref<196x256xf32, #tpu.memory_space<hbm>>) target(%dma_start3A_446 : memref<16x256xf32, #tpu.memory_space<vmem>>) offsets(%dma_start3A_449 : memref<16xi32, #tpu.memory_space<vmem>>) semaphore(%arg21 : memref<!tpu.dma_semaphore, #tpu.memory_space<semaphore_mem>>)
      %dma_start3A_453 = arith.constant 3 : i32
      %dma_start3A_454 = arith.constant 0 : i32
      %dma_start3A_455 = arith.constant 0 : i32
      %dma_start3A_456 = arith.constant 0 : i32
      %dma_start3A_457 = tpu.memref_slice %arg19[%dma_start3A_454, %dma_start3A_455, %dma_start3A_456] : memref<3x16x512xf32, #tpu.memory_space<vmem>> -> memref<1x16x512xf32, #tpu.memory_space<vmem>>
      %dma_start3A_458 = tpu.memref_squeeze %dma_start3A_457 : memref<1x16x512xf32, #tpu.memory_space<vmem>> -> memref<16x512xf32, #tpu.memory_space<vmem>>
      %dma_start3A_459 = arith.constant 0 : i32
      %dma_start3A_460 = tpu.memref_slice %arg15[%dma_start3A_453, %dma_start3A_459] : memref<12x16xi32, #tpu.memory_space<vmem>> -> memref<1x16xi32, #tpu.memory_space<vmem>>
      %dma_start3A_461 = tpu.memref_squeeze %dma_start3A_460 : memref<1x16xi32, #tpu.memory_space<vmem>> -> memref<16xi32, #tpu.memory_space<vmem>>
      %dma_start3A_462 = arith.constant 0 : i32
      %dma_start3A_463 = arith.constant 0 : i32
      %dma_start3A_464 = tpu.memref_slice %arg9[%dma_start3A_462, %dma_start3A_463] : memref<49x512xf32, #tpu.memory_space<hbm>> -> memref<49x512xf32, #tpu.memory_space<hbm>>
      tpu.enqueue_indirect_dma source(%dma_start3A_464 : memref<49x512xf32, #tpu.memory_space<hbm>>) target(%dma_start3A_458 : memref<16x512xf32, #tpu.memory_space<vmem>>) offsets(%dma_start3A_461 : memref<16xi32, #tpu.memory_space<vmem>>) semaphore(%arg21 : memref<!tpu.dma_semaphore, #tpu.memory_space<semaphore_mem>>)
      %dma_start3A_465 = arith.constant 4 : i32
      %dma_start3A_466 = arith.constant 1 : i32
      %dma_start3A_467 = arith.constant 0 : i32
      %dma_start3A_468 = arith.constant 0 : i32
      %dma_start3A_469 = tpu.memref_slice %arg16[%dma_start3A_466, %dma_start3A_467, %dma_start3A_468] : memref<3x16x64xf32, #tpu.memory_space<vmem>> -> memref<1x16x64xf32, #tpu.memory_space<vmem>>
      %dma_start3A_470 = tpu.memref_squeeze %dma_start3A_469 : memref<1x16x64xf32, #tpu.memory_space<vmem>> -> memref<16x64xf32, #tpu.memory_space<vmem>>
      %dma_start3A_471 = arith.constant 0 : i32
      %dma_start3A_472 = tpu.memref_slice %arg15[%dma_start3A_465, %dma_start3A_471] : memref<12x16xi32, #tpu.memory_space<vmem>> -> memref<1x16xi32, #tpu.memory_space<vmem>>
      %dma_start3A_473 = tpu.memref_squeeze %dma_start3A_472 : memref<1x16xi32, #tpu.memory_space<vmem>> -> memref<16xi32, #tpu.memory_space<vmem>>
      %dma_start3A_474 = arith.constant 0 : i32
      %dma_start3A_475 = arith.constant 0 : i32
      %dma_start3A_476 = tpu.memref_slice %arg6[%dma_start3A_474, %dma_start3A_475] : memref<3136x64xf32, #tpu.memory_space<hbm>> -> memref<3136x64xf32, #tpu.memory_space<hbm>>
      tpu.enqueue_indirect_dma source(%dma_start3A_476 : memref<3136x64xf32, #tpu.memory_space<hbm>>) target(%dma_start3A_470 : memref<16x64xf32, #tpu.memory_space<vmem>>) offsets(%dma_start3A_473 : memref<16xi32, #tpu.memory_space<vmem>>) semaphore(%arg21 : memref<!tpu.dma_semaphore, #tpu.memory_space<semaphore_mem>>)
      %dma_start3A_477 = arith.constant 5 : i32
      %dma_start3A_478 = arith.constant 1 : i32
      %dma_start3A_479 = arith.constant 0 : i32
      %dma_start3A_480 = arith.constant 0 : i32
      %dma_start3A_481 = tpu.memref_slice %arg17[%dma_start3A_478, %dma_start3A_479, %dma_start3A_480] : memref<3x16x128xf32, #tpu.memory_space<vmem>> -> memref<1x16x128xf32, #tpu.memory_space<vmem>>
      %dma_start3A_482 = tpu.memref_squeeze %dma_start3A_481 : memref<1x16x128xf32, #tpu.memory_space<vmem>> -> memref<16x128xf32, #tpu.memory_space<vmem>>
      %dma_start3A_483 = arith.constant 0 : i32
      %dma_start3A_484 = tpu.memref_slice %arg15[%dma_start3A_477, %dma_start3A_483] : memref<12x16xi32, #tpu.memory_space<vmem>> -> memref<1x16xi32, #tpu.memory_space<vmem>>
      %dma_start3A_485 = tpu.memref_squeeze %dma_start3A_484 : memref<1x16xi32, #tpu.memory_space<vmem>> -> memref<16xi32, #tpu.memory_space<vmem>>
      %dma_start3A_486 = arith.constant 0 : i32
      %dma_start3A_487 = arith.constant 0 : i32
      %dma_start3A_488 = tpu.memref_slice %arg7[%dma_start3A_486, %dma_start3A_487] : memref<784x128xf32, #tpu.memory_space<hbm>> -> memref<784x128xf32, #tpu.memory_space<hbm>>
      tpu.enqueue_indirect_dma source(%dma_start3A_488 : memref<784x128xf32, #tpu.memory_space<hbm>>) target(%dma_start3A_482 : memref<16x128xf32, #tpu.memory_space<vmem>>) offsets(%dma_start3A_485 : memref<16xi32, #tpu.memory_space<vmem>>) semaphore(%arg21 : memref<!tpu.dma_semaphore, #tpu.memory_space<semaphore_mem>>)
      %dma_start3A_489 = arith.constant 6 : i32
      %dma_start3A_490 = arith.constant 1 : i32
      %dma_start3A_491 = arith.constant 0 : i32
      %dma_start3A_492 = arith.constant 0 : i32
      %dma_start3A_493 = tpu.memref_slice %arg18[%dma_start3A_490, %dma_start3A_491, %dma_start3A_492] : memref<3x16x256xf32, #tpu.memory_space<vmem>> -> memref<1x16x256xf32, #tpu.memory_space<vmem>>
      %dma_start3A_494 = tpu.memref_squeeze %dma_start3A_493 : memref<1x16x256xf32, #tpu.memory_space<vmem>> -> memref<16x256xf32, #tpu.memory_space<vmem>>
      %dma_start3A_495 = arith.constant 0 : i32
      %dma_start3A_496 = tpu.memref_slice %arg15[%dma_start3A_489, %dma_start3A_495] : memref<12x16xi32, #tpu.memory_space<vmem>> -> memref<1x16xi32, #tpu.memory_space<vmem>>
      %dma_start3A_497 = tpu.memref_squeeze %dma_start3A_496 : memref<1x16xi32, #tpu.memory_space<vmem>> -> memref<16xi32, #tpu.memory_space<vmem>>
      %dma_start3A_498 = arith.constant 0 : i32
      %dma_start3A_499 = arith.constant 0 : i32
      %dma_start3A_500 = tpu.memref_slice %arg8[%dma_start3A_498, %dma_start3A_499] : memref<196x256xf32, #tpu.memory_space<hbm>> -> memref<196x256xf32, #tpu.memory_space<hbm>>
      tpu.enqueue_indirect_dma source(%dma_start3A_500 : memref<196x256xf32, #tpu.memory_space<hbm>>) target(%dma_start3A_494 : memref<16x256xf32, #tpu.memory_space<vmem>>) offsets(%dma_start3A_497 : memref<16xi32, #tpu.memory_space<vmem>>) semaphore(%arg21 : memref<!tpu.dma_semaphore, #tpu.memory_space<semaphore_mem>>)
      %dma_start3A_501 = arith.constant 7 : i32
      %dma_start3A_502 = arith.constant 1 : i32
      %dma_start3A_503 = arith.constant 0 : i32
      %dma_start3A_504 = arith.constant 0 : i32
      %dma_start3A_505 = tpu.memref_slice %arg19[%dma_start3A_502, %dma_start3A_503, %dma_start3A_504] : memref<3x16x512xf32, #tpu.memory_space<vmem>> -> memref<1x16x512xf32, #tpu.memory_space<vmem>>
      %dma_start3A_506 = tpu.memref_squeeze %dma_start3A_505 : memref<1x16x512xf32, #tpu.memory_space<vmem>> -> memref<16x512xf32, #tpu.memory_space<vmem>>
      %dma_start3A_507 = arith.constant 0 : i32
      %dma_start3A_508 = tpu.memref_slice %arg15[%dma_start3A_501, %dma_start3A_507] : memref<12x16xi32, #tpu.memory_space<vmem>> -> memref<1x16xi32, #tpu.memory_space<vmem>>
      %dma_start3A_509 = tpu.memref_squeeze %dma_start3A_508 : memref<1x16xi32, #tpu.memory_space<vmem>> -> memref<16xi32, #tpu.memory_space<vmem>>
      %dma_start3A_510 = arith.constant 0 : i32
      %dma_start3A_511 = arith.constant 0 : i32
      %dma_start3A_512 = tpu.memref_slice %arg9[%dma_start3A_510, %dma_start3A_511] : memref<49x512xf32, #tpu.memory_space<hbm>> -> memref<49x512xf32, #tpu.memory_space<hbm>>
      tpu.enqueue_indirect_dma source(%dma_start3A_512 : memref<49x512xf32, #tpu.memory_space<hbm>>) target(%dma_start3A_506 : memref<16x512xf32, #tpu.memory_space<vmem>>) offsets(%dma_start3A_509 : memref<16xi32, #tpu.memory_space<vmem>>) semaphore(%arg21 : memref<!tpu.dma_semaphore, #tpu.memory_space<semaphore_mem>>)
      %dma_start3A_513 = arith.constant 8 : i32
      %dma_start3A_514 = arith.constant 2 : i32
      %dma_start3A_515 = arith.constant 0 : i32
      %dma_start3A_516 = arith.constant 0 : i32
      %dma_start3A_517 = tpu.memref_slice %arg16[%dma_start3A_514, %dma_start3A_515, %dma_start3A_516] : memref<3x16x64xf32, #tpu.memory_space<vmem>> -> memref<1x16x64xf32, #tpu.memory_space<vmem>>
      %dma_start3A_518 = tpu.memref_squeeze %dma_start3A_517 : memref<1x16x64xf32, #tpu.memory_space<vmem>> -> memref<16x64xf32, #tpu.memory_space<vmem>>
      %dma_start3A_519 = arith.constant 0 : i32
      %dma_start3A_520 = tpu.memref_slice %arg15[%dma_start3A_513, %dma_start3A_519] : memref<12x16xi32, #tpu.memory_space<vmem>> -> memref<1x16xi32, #tpu.memory_space<vmem>>
      %dma_start3A_521 = tpu.memref_squeeze %dma_start3A_520 : memref<1x16xi32, #tpu.memory_space<vmem>> -> memref<16xi32, #tpu.memory_space<vmem>>
      %dma_start3A_522 = arith.constant 0 : i32
      %dma_start3A_523 = arith.constant 0 : i32
      %dma_start3A_524 = tpu.memref_slice %arg6[%dma_start3A_522, %dma_start3A_523] : memref<3136x64xf32, #tpu.memory_space<hbm>> -> memref<3136x64xf32, #tpu.memory_space<hbm>>
      tpu.enqueue_indirect_dma source(%dma_start3A_524 : memref<3136x64xf32, #tpu.memory_space<hbm>>) target(%dma_start3A_518 : memref<16x64xf32, #tpu.memory_space<vmem>>) offsets(%dma_start3A_521 : memref<16xi32, #tpu.memory_space<vmem>>) semaphore(%arg21 : memref<!tpu.dma_semaphore, #tpu.memory_space<semaphore_mem>>)
      %dma_start3A_525 = arith.constant 9 : i32
      %dma_start3A_526 = arith.constant 2 : i32
      %dma_start3A_527 = arith.constant 0 : i32
      %dma_start3A_528 = arith.constant 0 : i32
      %dma_start3A_529 = tpu.memref_slice %arg17[%dma_start3A_526, %dma_start3A_527, %dma_start3A_528] : memref<3x16x128xf32, #tpu.memory_space<vmem>> -> memref<1x16x128xf32, #tpu.memory_space<vmem>>
      %dma_start3A_530 = tpu.memref_squeeze %dma_start3A_529 : memref<1x16x128xf32, #tpu.memory_space<vmem>> -> memref<16x128xf32, #tpu.memory_space<vmem>>
      %dma_start3A_531 = arith.constant 0 : i32
      %dma_start3A_532 = tpu.memref_slice %arg15[%dma_start3A_525, %dma_start3A_531] : memref<12x16xi32, #tpu.memory_space<vmem>> -> memref<1x16xi32, #tpu.memory_space<vmem>>
      %dma_start3A_533 = tpu.memref_squeeze %dma_start3A_532 : memref<1x16xi32, #tpu.memory_space<vmem>> -> memref<16xi32, #tpu.memory_space<vmem>>
      %dma_start3A_534 = arith.constant 0 : i32
      %dma_start3A_535 = arith.constant 0 : i32
      %dma_start3A_536 = tpu.memref_slice %arg7[%dma_start3A_534, %dma_start3A_535] : memref<784x128xf32, #tpu.memory_space<hbm>> -> memref<784x128xf32, #tpu.memory_space<hbm>>
      tpu.enqueue_indirect_dma source(%dma_start3A_536 : memref<784x128xf32, #tpu.memory_space<hbm>>) target(%dma_start3A_530 : memref<16x128xf32, #tpu.memory_space<vmem>>) offsets(%dma_start3A_533 : memref<16xi32, #tpu.memory_space<vmem>>) semaphore(%arg21 : memref<!tpu.dma_semaphore, #tpu.memory_space<semaphore_mem>>)
      %dma_start3A_537 = arith.constant 10 : i32
      %dma_start3A_538 = arith.constant 2 : i32
      %dma_start3A_539 = arith.constant 0 : i32
      %dma_start3A_540 = arith.constant 0 : i32
      %dma_start3A_541 = tpu.memref_slice %arg18[%dma_start3A_538, %dma_start3A_539, %dma_start3A_540] : memref<3x16x256xf32, #tpu.memory_space<vmem>> -> memref<1x16x256xf32, #tpu.memory_space<vmem>>
      %dma_start3A_542 = tpu.memref_squeeze %dma_start3A_541 : memref<1x16x256xf32, #tpu.memory_space<vmem>> -> memref<16x256xf32, #tpu.memory_space<vmem>>
      %dma_start3A_543 = arith.constant 0 : i32
      %dma_start3A_544 = tpu.memref_slice %arg15[%dma_start3A_537, %dma_start3A_543] : memref<12x16xi32, #tpu.memory_space<vmem>> -> memref<1x16xi32, #tpu.memory_space<vmem>>
      %dma_start3A_545 = tpu.memref_squeeze %dma_start3A_544 : memref<1x16xi32, #tpu.memory_space<vmem>> -> memref<16xi32, #tpu.memory_space<vmem>>
      %dma_start3A_546 = arith.constant 0 : i32
      %dma_start3A_547 = arith.constant 0 : i32
      %dma_start3A_548 = tpu.memref_slice %arg8[%dma_start3A_546, %dma_start3A_547] : memref<196x256xf32, #tpu.memory_space<hbm>> -> memref<196x256xf32, #tpu.memory_space<hbm>>
      tpu.enqueue_indirect_dma source(%dma_start3A_548 : memref<196x256xf32, #tpu.memory_space<hbm>>) target(%dma_start3A_542 : memref<16x256xf32, #tpu.memory_space<vmem>>) offsets(%dma_start3A_545 : memref<16xi32, #tpu.memory_space<vmem>>) semaphore(%arg21 : memref<!tpu.dma_semaphore, #tpu.memory_space<semaphore_mem>>)
      %dma_start3A_549 = arith.constant 11 : i32
      %dma_start3A_550 = arith.constant 2 : i32
      %dma_start3A_551 = arith.constant 0 : i32
      %dma_start3A_552 = arith.constant 0 : i32
      %dma_start3A_553 = tpu.memref_slice %arg19[%dma_start3A_550, %dma_start3A_551, %dma_start3A_552] : memref<3x16x512xf32, #tpu.memory_space<vmem>> -> memref<1x16x512xf32, #tpu.memory_space<vmem>>
      %dma_start3A_554 = tpu.memref_squeeze %dma_start3A_553 : memref<1x16x512xf32, #tpu.memory_space<vmem>> -> memref<16x512xf32, #tpu.memory_space<vmem>>
      %dma_start3A_555 = arith.constant 0 : i32
      %dma_start3A_556 = tpu.memref_slice %arg15[%dma_start3A_549, %dma_start3A_555] : memref<12x16xi32, #tpu.memory_space<vmem>> -> memref<1x16xi32, #tpu.memory_space<vmem>>
      %dma_start3A_557 = tpu.memref_squeeze %dma_start3A_556 : memref<1x16xi32, #tpu.memory_space<vmem>> -> memref<16xi32, #tpu.memory_space<vmem>>
      %dma_start3A_558 = arith.constant 0 : i32
      %dma_start3A_559 = arith.constant 0 : i32
      %dma_start3A_560 = tpu.memref_slice %arg9[%dma_start3A_558, %dma_start3A_559] : memref<49x512xf32, #tpu.memory_space<hbm>> -> memref<49x512xf32, #tpu.memory_space<hbm>>
      tpu.enqueue_indirect_dma source(%dma_start3A_560 : memref<49x512xf32, #tpu.memory_space<hbm>>) target(%dma_start3A_554 : memref<16x512xf32, #tpu.memory_space<vmem>>) offsets(%dma_start3A_557 : memref<16xi32, #tpu.memory_space<vmem>>) semaphore(%arg21 : memref<!tpu.dma_semaphore, #tpu.memory_space<semaphore_mem>>)
      %dma_wait3A = arith.constant 0 : i32
      %dma_wait3A_561 = arith.constant 0 : i32
      %dma_wait3A_562 = arith.constant 0 : i32
      %dma_wait3A_563 = arith.constant 0 : i32
      %dma_wait3A_564 = tpu.memref_slice %arg16[%dma_wait3A_561, %dma_wait3A_562, %dma_wait3A_563] : memref<3x16x64xf32, #tpu.memory_space<vmem>> -> memref<1x16x64xf32, #tpu.memory_space<vmem>>
      %dma_wait3A_565 = tpu.memref_squeeze %dma_wait3A_564 : memref<1x16x64xf32, #tpu.memory_space<vmem>> -> memref<16x64xf32, #tpu.memory_space<vmem>>
      %dma_wait3A_566 = arith.constant 0 : i32
      %dma_wait3A_567 = tpu.memref_slice %arg15[%dma_wait3A, %dma_wait3A_566] : memref<12x16xi32, #tpu.memory_space<vmem>> -> memref<1x16xi32, #tpu.memory_space<vmem>>
      %dma_wait3A_568 = tpu.memref_squeeze %dma_wait3A_567 : memref<1x16xi32, #tpu.memory_space<vmem>> -> memref<16xi32, #tpu.memory_space<vmem>>
      %dma_wait3A_569 = arith.constant 0 : i32
      %dma_wait3A_570 = arith.constant 0 : i32
      %dma_wait3A_571 = tpu.memref_slice %arg6[%dma_wait3A_569, %dma_wait3A_570] : memref<3136x64xf32, #tpu.memory_space<hbm>> -> memref<3136x64xf32, #tpu.memory_space<hbm>>
      tpu.wait_indirect_dma semaphore(%arg21 : memref<!tpu.dma_semaphore, #tpu.memory_space<semaphore_mem>>) src(%dma_wait3A_571 : memref<3136x64xf32, #tpu.memory_space<hbm>>) dst(%dma_wait3A_565 : memref<16x64xf32, #tpu.memory_space<vmem>>)
      %dma_wait3A_572 = arith.constant 1 : i32
      %dma_wait3A_573 = arith.constant 0 : i32
      %dma_wait3A_574 = arith.constant 0 : i32
      %dma_wait3A_575 = arith.constant 0 : i32
      %dma_wait3A_576 = tpu.memref_slice %arg17[%dma_wait3A_573, %dma_wait3A_574, %dma_wait3A_575] : memref<3x16x128xf32, #tpu.memory_space<vmem>> -> memref<1x16x128xf32, #tpu.memory_space<vmem>>
      %dma_wait3A_577 = tpu.memref_squeeze %dma_wait3A_576 : memref<1x16x128xf32, #tpu.memory_space<vmem>> -> memref<16x128xf32, #tpu.memory_space<vmem>>
      %dma_wait3A_578 = arith.constant 0 : i32
      %dma_wait3A_579 = tpu.memref_slice %arg15[%dma_wait3A_572, %dma_wait3A_578] : memref<12x16xi32, #tpu.memory_space<vmem>> -> memref<1x16xi32, #tpu.memory_space<vmem>>
      %dma_wait3A_580 = tpu.memref_squeeze %dma_wait3A_579 : memref<1x16xi32, #tpu.memory_space<vmem>> -> memref<16xi32, #tpu.memory_space<vmem>>
      %dma_wait3A_581 = arith.constant 0 : i32
      %dma_wait3A_582 = arith.constant 0 : i32
      %dma_wait3A_583 = tpu.memref_slice %arg7[%dma_wait3A_581, %dma_wait3A_582] : memref<784x128xf32, #tpu.memory_space<hbm>> -> memref<784x128xf32, #tpu.memory_space<hbm>>
      tpu.wait_indirect_dma semaphore(%arg21 : memref<!tpu.dma_semaphore, #tpu.memory_space<semaphore_mem>>) src(%dma_wait3A_583 : memref<784x128xf32, #tpu.memory_space<hbm>>) dst(%dma_wait3A_577 : memref<16x128xf32, #tpu.memory_space<vmem>>)
      %dma_wait3A_584 = arith.constant 2 : i32
      %dma_wait3A_585 = arith.constant 0 : i32
      %dma_wait3A_586 = arith.constant 0 : i32
      %dma_wait3A_587 = arith.constant 0 : i32
      %dma_wait3A_588 = tpu.memref_slice %arg18[%dma_wait3A_585, %dma_wait3A_586, %dma_wait3A_587] : memref<3x16x256xf32, #tpu.memory_space<vmem>> -> memref<1x16x256xf32, #tpu.memory_space<vmem>>
      %dma_wait3A_589 = tpu.memref_squeeze %dma_wait3A_588 : memref<1x16x256xf32, #tpu.memory_space<vmem>> -> memref<16x256xf32, #tpu.memory_space<vmem>>
      %dma_wait3A_590 = arith.constant 0 : i32
      %dma_wait3A_591 = tpu.memref_slice %arg15[%dma_wait3A_584, %dma_wait3A_590] : memref<12x16xi32, #tpu.memory_space<vmem>> -> memref<1x16xi32, #tpu.memory_space<vmem>>
      %dma_wait3A_592 = tpu.memref_squeeze %dma_wait3A_591 : memref<1x16xi32, #tpu.memory_space<vmem>> -> memref<16xi32, #tpu.memory_space<vmem>>
      %dma_wait3A_593 = arith.constant 0 : i32
      %dma_wait3A_594 = arith.constant 0 : i32
      %dma_wait3A_595 = tpu.memref_slice %arg8[%dma_wait3A_593, %dma_wait3A_594] : memref<196x256xf32, #tpu.memory_space<hbm>> -> memref<196x256xf32, #tpu.memory_space<hbm>>
      tpu.wait_indirect_dma semaphore(%arg21 : memref<!tpu.dma_semaphore, #tpu.memory_space<semaphore_mem>>) src(%dma_wait3A_595 : memref<196x256xf32, #tpu.memory_space<hbm>>) dst(%dma_wait3A_589 : memref<16x256xf32, #tpu.memory_space<vmem>>)
      %dma_wait3A_596 = arith.constant 3 : i32
      %dma_wait3A_597 = arith.constant 0 : i32
      %dma_wait3A_598 = arith.constant 0 : i32
      %dma_wait3A_599 = arith.constant 0 : i32
      %dma_wait3A_600 = tpu.memref_slice %arg19[%dma_wait3A_597, %dma_wait3A_598, %dma_wait3A_599] : memref<3x16x512xf32, #tpu.memory_space<vmem>> -> memref<1x16x512xf32, #tpu.memory_space<vmem>>
      %dma_wait3A_601 = tpu.memref_squeeze %dma_wait3A_600 : memref<1x16x512xf32, #tpu.memory_space<vmem>> -> memref<16x512xf32, #tpu.memory_space<vmem>>
      %dma_wait3A_602 = arith.constant 0 : i32
      %dma_wait3A_603 = tpu.memref_slice %arg15[%dma_wait3A_596, %dma_wait3A_602] : memref<12x16xi32, #tpu.memory_space<vmem>> -> memref<1x16xi32, #tpu.memory_space<vmem>>
      %dma_wait3A_604 = tpu.memref_squeeze %dma_wait3A_603 : memref<1x16xi32, #tpu.memory_space<vmem>> -> memref<16xi32, #tpu.memory_space<vmem>>
      %dma_wait3A_605 = arith.constant 0 : i32
      %dma_wait3A_606 = arith.constant 0 : i32
      %dma_wait3A_607 = tpu.memref_slice %arg9[%dma_wait3A_605, %dma_wait3A_606] : memref<49x512xf32, #tpu.memory_space<hbm>> -> memref<49x512xf32, #tpu.memory_space<hbm>>
      tpu.wait_indirect_dma semaphore(%arg21 : memref<!tpu.dma_semaphore, #tpu.memory_space<semaphore_mem>>) src(%dma_wait3A_607 : memref<49x512xf32, #tpu.memory_space<hbm>>) dst(%dma_wait3A_601 : memref<16x512xf32, #tpu.memory_space<vmem>>)
      %dma_wait3A_608 = arith.constant 4 : i32
      %dma_wait3A_609 = arith.constant 1 : i32
      %dma_wait3A_610 = arith.constant 0 : i32
      %dma_wait3A_611 = arith.constant 0 : i32
      %dma_wait3A_612 = tpu.memref_slice %arg16[%dma_wait3A_609, %dma_wait3A_610, %dma_wait3A_611] : memref<3x16x64xf32, #tpu.memory_space<vmem>> -> memref<1x16x64xf32, #tpu.memory_space<vmem>>
      %dma_wait3A_613 = tpu.memref_squeeze %dma_wait3A_612 : memref<1x16x64xf32, #tpu.memory_space<vmem>> -> memref<16x64xf32, #tpu.memory_space<vmem>>
      %dma_wait3A_614 = arith.constant 0 : i32
      %dma_wait3A_615 = tpu.memref_slice %arg15[%dma_wait3A_608, %dma_wait3A_614] : memref<12x16xi32, #tpu.memory_space<vmem>> -> memref<1x16xi32, #tpu.memory_space<vmem>>
      %dma_wait3A_616 = tpu.memref_squeeze %dma_wait3A_615 : memref<1x16xi32, #tpu.memory_space<vmem>> -> memref<16xi32, #tpu.memory_space<vmem>>
      %dma_wait3A_617 = arith.constant 0 : i32
      %dma_wait3A_618 = arith.constant 0 : i32
      %dma_wait3A_619 = tpu.memref_slice %arg6[%dma_wait3A_617, %dma_wait3A_618] : memref<3136x64xf32, #tpu.memory_space<hbm>> -> memref<3136x64xf32, #tpu.memory_space<hbm>>
      tpu.wait_indirect_dma semaphore(%arg21 : memref<!tpu.dma_semaphore, #tpu.memory_space<semaphore_mem>>) src(%dma_wait3A_619 : memref<3136x64xf32, #tpu.memory_space<hbm>>) dst(%dma_wait3A_613 : memref<16x64xf32, #tpu.memory_space<vmem>>)
      %dma_wait3A_620 = arith.constant 5 : i32
      %dma_wait3A_621 = arith.constant 1 : i32
      %dma_wait3A_622 = arith.constant 0 : i32
      %dma_wait3A_623 = arith.constant 0 : i32
      %dma_wait3A_624 = tpu.memref_slice %arg17[%dma_wait3A_621, %dma_wait3A_622, %dma_wait3A_623] : memref<3x16x128xf32, #tpu.memory_space<vmem>> -> memref<1x16x128xf32, #tpu.memory_space<vmem>>
      %dma_wait3A_625 = tpu.memref_squeeze %dma_wait3A_624 : memref<1x16x128xf32, #tpu.memory_space<vmem>> -> memref<16x128xf32, #tpu.memory_space<vmem>>
      %dma_wait3A_626 = arith.constant 0 : i32
      %dma_wait3A_627 = tpu.memref_slice %arg15[%dma_wait3A_620, %dma_wait3A_626] : memref<12x16xi32, #tpu.memory_space<vmem>> -> memref<1x16xi32, #tpu.memory_space<vmem>>
      %dma_wait3A_628 = tpu.memref_squeeze %dma_wait3A_627 : memref<1x16xi32, #tpu.memory_space<vmem>> -> memref<16xi32, #tpu.memory_space<vmem>>
      %dma_wait3A_629 = arith.constant 0 : i32
      %dma_wait3A_630 = arith.constant 0 : i32
      %dma_wait3A_631 = tpu.memref_slice %arg7[%dma_wait3A_629, %dma_wait3A_630] : memref<784x128xf32, #tpu.memory_space<hbm>> -> memref<784x128xf32, #tpu.memory_space<hbm>>
      tpu.wait_indirect_dma semaphore(%arg21 : memref<!tpu.dma_semaphore, #tpu.memory_space<semaphore_mem>>) src(%dma_wait3A_631 : memref<784x128xf32, #tpu.memory_space<hbm>>) dst(%dma_wait3A_625 : memref<16x128xf32, #tpu.memory_space<vmem>>)
      %dma_wait3A_632 = arith.constant 6 : i32
      %dma_wait3A_633 = arith.constant 1 : i32
      %dma_wait3A_634 = arith.constant 0 : i32
      %dma_wait3A_635 = arith.constant 0 : i32
      %dma_wait3A_636 = tpu.memref_slice %arg18[%dma_wait3A_633, %dma_wait3A_634, %dma_wait3A_635] : memref<3x16x256xf32, #tpu.memory_space<vmem>> -> memref<1x16x256xf32, #tpu.memory_space<vmem>>
      %dma_wait3A_637 = tpu.memref_squeeze %dma_wait3A_636 : memref<1x16x256xf32, #tpu.memory_space<vmem>> -> memref<16x256xf32, #tpu.memory_space<vmem>>
      %dma_wait3A_638 = arith.constant 0 : i32
      %dma_wait3A_639 = tpu.memref_slice %arg15[%dma_wait3A_632, %dma_wait3A_638] : memref<12x16xi32, #tpu.memory_space<vmem>> -> memref<1x16xi32, #tpu.memory_space<vmem>>
      %dma_wait3A_640 = tpu.memref_squeeze %dma_wait3A_639 : memref<1x16xi32, #tpu.memory_space<vmem>> -> memref<16xi32, #tpu.memory_space<vmem>>
      %dma_wait3A_641 = arith.constant 0 : i32
      %dma_wait3A_642 = arith.constant 0 : i32
      %dma_wait3A_643 = tpu.memref_slice %arg8[%dma_wait3A_641, %dma_wait3A_642] : memref<196x256xf32, #tpu.memory_space<hbm>> -> memref<196x256xf32, #tpu.memory_space<hbm>>
      tpu.wait_indirect_dma semaphore(%arg21 : memref<!tpu.dma_semaphore, #tpu.memory_space<semaphore_mem>>) src(%dma_wait3A_643 : memref<196x256xf32, #tpu.memory_space<hbm>>) dst(%dma_wait3A_637 : memref<16x256xf32, #tpu.memory_space<vmem>>)
      %dma_wait3A_644 = arith.constant 7 : i32
      %dma_wait3A_645 = arith.constant 1 : i32
      %dma_wait3A_646 = arith.constant 0 : i32
      %dma_wait3A_647 = arith.constant 0 : i32
      %dma_wait3A_648 = tpu.memref_slice %arg19[%dma_wait3A_645, %dma_wait3A_646, %dma_wait3A_647] : memref<3x16x512xf32, #tpu.memory_space<vmem>> -> memref<1x16x512xf32, #tpu.memory_space<vmem>>
      %dma_wait3A_649 = tpu.memref_squeeze %dma_wait3A_648 : memref<1x16x512xf32, #tpu.memory_space<vmem>> -> memref<16x512xf32, #tpu.memory_space<vmem>>
      %dma_wait3A_650 = arith.constant 0 : i32
      %dma_wait3A_651 = tpu.memref_slice %arg15[%dma_wait3A_644, %dma_wait3A_650] : memref<12x16xi32, #tpu.memory_space<vmem>> -> memref<1x16xi32, #tpu.memory_space<vmem>>
      %dma_wait3A_652 = tpu.memref_squeeze %dma_wait3A_651 : memref<1x16xi32, #tpu.memory_space<vmem>> -> memref<16xi32, #tpu.memory_space<vmem>>
      %dma_wait3A_653 = arith.constant 0 : i32
      %dma_wait3A_654 = arith.constant 0 : i32
      %dma_wait3A_655 = tpu.memref_slice %arg9[%dma_wait3A_653, %dma_wait3A_654] : memref<49x512xf32, #tpu.memory_space<hbm>> -> memref<49x512xf32, #tpu.memory_space<hbm>>
      tpu.wait_indirect_dma semaphore(%arg21 : memref<!tpu.dma_semaphore, #tpu.memory_space<semaphore_mem>>) src(%dma_wait3A_655 : memref<49x512xf32, #tpu.memory_space<hbm>>) dst(%dma_wait3A_649 : memref<16x512xf32, #tpu.memory_space<vmem>>)
      %dma_wait3A_656 = arith.constant 8 : i32
      %dma_wait3A_657 = arith.constant 2 : i32
      %dma_wait3A_658 = arith.constant 0 : i32
      %dma_wait3A_659 = arith.constant 0 : i32
      %dma_wait3A_660 = tpu.memref_slice %arg16[%dma_wait3A_657, %dma_wait3A_658, %dma_wait3A_659] : memref<3x16x64xf32, #tpu.memory_space<vmem>> -> memref<1x16x64xf32, #tpu.memory_space<vmem>>
      %dma_wait3A_661 = tpu.memref_squeeze %dma_wait3A_660 : memref<1x16x64xf32, #tpu.memory_space<vmem>> -> memref<16x64xf32, #tpu.memory_space<vmem>>
      %dma_wait3A_662 = arith.constant 0 : i32
      %dma_wait3A_663 = tpu.memref_slice %arg15[%dma_wait3A_656, %dma_wait3A_662] : memref<12x16xi32, #tpu.memory_space<vmem>> -> memref<1x16xi32, #tpu.memory_space<vmem>>
      %dma_wait3A_664 = tpu.memref_squeeze %dma_wait3A_663 : memref<1x16xi32, #tpu.memory_space<vmem>> -> memref<16xi32, #tpu.memory_space<vmem>>
      %dma_wait3A_665 = arith.constant 0 : i32
      %dma_wait3A_666 = arith.constant 0 : i32
      %dma_wait3A_667 = tpu.memref_slice %arg6[%dma_wait3A_665, %dma_wait3A_666] : memref<3136x64xf32, #tpu.memory_space<hbm>> -> memref<3136x64xf32, #tpu.memory_space<hbm>>
      tpu.wait_indirect_dma semaphore(%arg21 : memref<!tpu.dma_semaphore, #tpu.memory_space<semaphore_mem>>) src(%dma_wait3A_667 : memref<3136x64xf32, #tpu.memory_space<hbm>>) dst(%dma_wait3A_661 : memref<16x64xf32, #tpu.memory_space<vmem>>)
      %dma_wait3A_668 = arith.constant 9 : i32
      %dma_wait3A_669 = arith.constant 2 : i32
      %dma_wait3A_670 = arith.constant 0 : i32
      %dma_wait3A_671 = arith.constant 0 : i32
      %dma_wait3A_672 = tpu.memref_slice %arg17[%dma_wait3A_669, %dma_wait3A_670, %dma_wait3A_671] : memref<3x16x128xf32, #tpu.memory_space<vmem>> -> memref<1x16x128xf32, #tpu.memory_space<vmem>>
      %dma_wait3A_673 = tpu.memref_squeeze %dma_wait3A_672 : memref<1x16x128xf32, #tpu.memory_space<vmem>> -> memref<16x128xf32, #tpu.memory_space<vmem>>
      %dma_wait3A_674 = arith.constant 0 : i32
      %dma_wait3A_675 = tpu.memref_slice %arg15[%dma_wait3A_668, %dma_wait3A_674] : memref<12x16xi32, #tpu.memory_space<vmem>> -> memref<1x16xi32, #tpu.memory_space<vmem>>
      %dma_wait3A_676 = tpu.memref_squeeze %dma_wait3A_675 : memref<1x16xi32, #tpu.memory_space<vmem>> -> memref<16xi32, #tpu.memory_space<vmem>>
      %dma_wait3A_677 = arith.constant 0 : i32
      %dma_wait3A_678 = arith.constant 0 : i32
      %dma_wait3A_679 = tpu.memref_slice %arg7[%dma_wait3A_677, %dma_wait3A_678] : memref<784x128xf32, #tpu.memory_space<hbm>> -> memref<784x128xf32, #tpu.memory_space<hbm>>
      tpu.wait_indirect_dma semaphore(%arg21 : memref<!tpu.dma_semaphore, #tpu.memory_space<semaphore_mem>>) src(%dma_wait3A_679 : memref<784x128xf32, #tpu.memory_space<hbm>>) dst(%dma_wait3A_673 : memref<16x128xf32, #tpu.memory_space<vmem>>)
      %dma_wait3A_680 = arith.constant 10 : i32
      %dma_wait3A_681 = arith.constant 2 : i32
      %dma_wait3A_682 = arith.constant 0 : i32
      %dma_wait3A_683 = arith.constant 0 : i32
      %dma_wait3A_684 = tpu.memref_slice %arg18[%dma_wait3A_681, %dma_wait3A_682, %dma_wait3A_683] : memref<3x16x256xf32, #tpu.memory_space<vmem>> -> memref<1x16x256xf32, #tpu.memory_space<vmem>>
      %dma_wait3A_685 = tpu.memref_squeeze %dma_wait3A_684 : memref<1x16x256xf32, #tpu.memory_space<vmem>> -> memref<16x256xf32, #tpu.memory_space<vmem>>
      %dma_wait3A_686 = arith.constant 0 : i32
      %dma_wait3A_687 = tpu.memref_slice %arg15[%dma_wait3A_680, %dma_wait3A_686] : memref<12x16xi32, #tpu.memory_space<vmem>> -> memref<1x16xi32, #tpu.memory_space<vmem>>
      %dma_wait3A_688 = tpu.memref_squeeze %dma_wait3A_687 : memref<1x16xi32, #tpu.memory_space<vmem>> -> memref<16xi32, #tpu.memory_space<vmem>>
      %dma_wait3A_689 = arith.constant 0 : i32
      %dma_wait3A_690 = arith.constant 0 : i32
      %dma_wait3A_691 = tpu.memref_slice %arg8[%dma_wait3A_689, %dma_wait3A_690] : memref<196x256xf32, #tpu.memory_space<hbm>> -> memref<196x256xf32, #tpu.memory_space<hbm>>
      tpu.wait_indirect_dma semaphore(%arg21 : memref<!tpu.dma_semaphore, #tpu.memory_space<semaphore_mem>>) src(%dma_wait3A_691 : memref<196x256xf32, #tpu.memory_space<hbm>>) dst(%dma_wait3A_685 : memref<16x256xf32, #tpu.memory_space<vmem>>)
      %dma_wait3A_692 = arith.constant 11 : i32
      %dma_wait3A_693 = arith.constant 2 : i32
      %dma_wait3A_694 = arith.constant 0 : i32
      %dma_wait3A_695 = arith.constant 0 : i32
      %dma_wait3A_696 = tpu.memref_slice %arg19[%dma_wait3A_693, %dma_wait3A_694, %dma_wait3A_695] : memref<3x16x512xf32, #tpu.memory_space<vmem>> -> memref<1x16x512xf32, #tpu.memory_space<vmem>>
      %dma_wait3A_697 = tpu.memref_squeeze %dma_wait3A_696 : memref<1x16x512xf32, #tpu.memory_space<vmem>> -> memref<16x512xf32, #tpu.memory_space<vmem>>
      %dma_wait3A_698 = arith.constant 0 : i32
      %dma_wait3A_699 = tpu.memref_slice %arg15[%dma_wait3A_692, %dma_wait3A_698] : memref<12x16xi32, #tpu.memory_space<vmem>> -> memref<1x16xi32, #tpu.memory_space<vmem>>
      %dma_wait3A_700 = tpu.memref_squeeze %dma_wait3A_699 : memref<1x16xi32, #tpu.memory_space<vmem>> -> memref<16xi32, #tpu.memory_space<vmem>>
      %dma_wait3A_701 = arith.constant 0 : i32
      %dma_wait3A_702 = arith.constant 0 : i32
      %dma_wait3A_703 = tpu.memref_slice %arg9[%dma_wait3A_701, %dma_wait3A_702] : memref<49x512xf32, #tpu.memory_space<hbm>> -> memref<49x512xf32, #tpu.memory_space<hbm>>
      tpu.wait_indirect_dma semaphore(%arg21 : memref<!tpu.dma_semaphore, #tpu.memory_space<semaphore_mem>>) src(%dma_wait3A_703 : memref<49x512xf32, #tpu.memory_space<hbm>>) dst(%dma_wait3A_697 : memref<16x512xf32, #tpu.memory_space<vmem>>)
      %scan3A = arith.constant 0 : i32
      %scan3A_704 = arith.constant 16 : i32
      %scan3A_705 = arith.addi %scan3A, %scan3A_704 : i32
      %scan3A_706 = arith.constant 1 : i32
      scf.for %scan3A_708 = %scan3A to %scan3A_705 step %scan3A_706  : i32 {
        %broadcast_in_dim3A_709 = arith.constant 0 : i32
        %broadcast_in_dim3A_710 = vector.broadcast %broadcast_in_dim3A_709 : i32 to vector<16xi32>
        %add3A_711 = vector.broadcast %scan3A_708 : i32 to vector<16xi32>
        %add3A_712 = arith.addi %add3A_711, %broadcast_in_dim3A_710 : vector<16xi32>
        %scan3A_713 = arith.constant 0 : i32
        %scan3A_714 = arith.constant 4 : i32
        %scan3A_715 = arith.addi %scan3A_713, %scan3A_714 : i32
        %scan3A_716 = arith.constant 1 : i32
        scf.for %scan3A_733 = %scan3A_713 to %scan3A_715 step %scan3A_716  : i32 {
          %mul3A_734 = arith.constant 16 : i32
          %mul3A_735 = arith.muli %scan3A_733, %mul3A_734 : i32
          %get3A_736 = arith.constant 0 : i32
          %get3A_737 = arith.index_cast %get3A_736 : i32 to index
          %get3A_738 = arith.index_cast %scan3A_708 : i32 to index
          %get3A_739 = arith.index_cast %mul3A_735 : i32 to index
          %get3A_740 = tpu.vector_load %arg16[%get3A_737, %get3A_738, %get3A_739] {strides = array<i32>} : memref<3x16x64xf32, #tpu.memory_space<vmem>>, vector<16xf32>,
          %get3A_741 = arith.constant 1 : i32
          %get3A_742 = arith.index_cast %get3A_741 : i32 to index
          %get3A_743 = arith.index_cast %scan3A_708 : i32 to index
          %get3A_744 = arith.index_cast %mul3A_735 : i32 to index
          %get3A_745 = tpu.vector_load %arg16[%get3A_742, %get3A_743, %get3A_744] {strides = array<i32>} : memref<3x16x64xf32, #tpu.memory_space<vmem>>, vector<16xf32>,
          %get3A_746 = arith.constant 2 : i32
          %get3A_747 = arith.index_cast %get3A_746 : i32 to index
          %get3A_748 = arith.index_cast %scan3A_708 : i32 to index
          %get3A_749 = arith.index_cast %mul3A_735 : i32 to index
          %get3A_750 = tpu.vector_load %arg16[%get3A_747, %get3A_748, %get3A_749] {strides = array<i32>} : memref<3x16x64xf32, #tpu.memory_space<vmem>>, vector<16xf32>,
          %max3A_751 = arith.maximumf %get3A_740, %get3A_745 : vector<16xf32>
          %max3A_752 = arith.maximumf %max3A_751, %get3A_750 : vector<16xf32>
          %add3A_753 = arith.addf %get3A_740, %get3A_745 : vector<16xf32>
          %add3A_754 = arith.addf %add3A_753, %get3A_750 : vector<16xf32>
          %div3A_755 = arith.constant 3.000000e+00 : f32
          %div3A_756 = vector.broadcast %div3A_755 : f32 to vector<16xf32>
          %div3A_757 = arith.divf %add3A_754, %div3A_756 : vector<16xf32>
          %sub3A = arith.subf %get3A_740, %div3A_757 : vector<16xf32>
          %sub3A_758 = arith.subf %get3A_745, %div3A_757 : vector<16xf32>
          %sub3A_759 = arith.subf %get3A_750, %div3A_757 : vector<16xf32>
          %mul3A_760 = arith.mulf %sub3A, %sub3A : vector<16xf32>
          %mul3A_761 = arith.mulf %sub3A_758, %sub3A_758 : vector<16xf32>
          %add3A_762 = arith.addf %mul3A_760, %mul3A_761 : vector<16xf32>
          %mul3A_763 = arith.mulf %sub3A_759, %sub3A_759 : vector<16xf32>
          %add3A_764 = arith.addf %add3A_762, %mul3A_763 : vector<16xf32>
          %div3A_765 = arith.constant 3.000000e+00 : f32
          %div3A_766 = vector.broadcast %div3A_765 : f32 to vector<16xf32>
          %div3A_767 = arith.divf %add3A_764, %div3A_766 : vector<16xf32>
          %add3A_768 = arith.constant 9.99999996E-13 : f32
          %add3A_769 = vector.broadcast %add3A_768 : f32 to vector<16xf32>
          %add3A_770 = arith.addf %div3A_767, %add3A_769 : vector<16xf32>
          %bitcast_convert_type3A = tpu.bitcast %add3A_770 : vector<16xf32> -> vector<16xi32>
          %shift_right_arithmetic3A = arith.constant 1 : i32
          %shift_right_arithmetic3A_771 = vector.broadcast %shift_right_arithmetic3A : i32 to vector<16xi32>
          %shift_right_arithmetic3A_772 = arith.shrsi %bitcast_convert_type3A, %shift_right_arithmetic3A_771 : vector<16xi32>
          %sub3A_773 = arith.constant 1597463007 : i32
          %sub3A_774 = vector.broadcast %sub3A_773 : i32 to vector<16xi32>
          %sub3A_775 = arith.subi %sub3A_774, %shift_right_arithmetic3A_772 : vector<16xi32>
          %bitcast_convert_type3A_776 = tpu.bitcast %sub3A_775 : vector<16xi32> -> vector<16xf32>
          %mul3A_777 = arith.constant 5.000000e-01 : f32
          %mul3A_778 = vector.broadcast %mul3A_777 : f32 to vector<16xf32>
          %mul3A_779 = arith.mulf %mul3A_778, %add3A_770 : vector<16xf32>
          %mul3A_780 = arith.mulf %mul3A_779, %bitcast_convert_type3A_776 : vector<16xf32>
          %mul3A_781 = arith.mulf %mul3A_780, %bitcast_convert_type3A_776 : vector<16xf32>
          %sub3A_782 = arith.constant 1.500000e+00 : f32
          %sub3A_783 = vector.broadcast %sub3A_782 : f32 to vector<16xf32>
          %sub3A_784 = arith.subf %sub3A_783, %mul3A_781 : vector<16xf32>
          %mul3A_785 = arith.mulf %bitcast_convert_type3A_776, %sub3A_784 : vector<16xf32>
          %mul3A_786 = arith.constant 5.000000e-01 : f32
          %mul3A_787 = vector.broadcast %mul3A_786 : f32 to vector<16xf32>
          %mul3A_788 = arith.mulf %mul3A_787, %add3A_770 : vector<16xf32>
          %mul3A_789 = arith.mulf %mul3A_788, %mul3A_785 : vector<16xf32>
          %mul3A_790 = arith.mulf %mul3A_789, %mul3A_785 : vector<16xf32>
          %sub3A_791 = arith.constant 1.500000e+00 : f32
          %sub3A_792 = vector.broadcast %sub3A_791 : f32 to vector<16xf32>
          %sub3A_793 = arith.subf %sub3A_792, %mul3A_790 : vector<16xf32>
          %mul3A_794 = arith.mulf %mul3A_785, %sub3A_793 : vector<16xf32>
          %mul3A_795 = arith.constant 5.000000e-01 : f32
          %mul3A_796 = vector.broadcast %mul3A_795 : f32 to vector<16xf32>
          %mul3A_797 = arith.mulf %mul3A_796, %add3A_770 : vector<16xf32>
          %mul3A_798 = arith.mulf %mul3A_797, %mul3A_794 : vector<16xf32>
          %mul3A_799 = arith.mulf %mul3A_798, %mul3A_794 : vector<16xf32>
          %sub3A_800 = arith.constant 1.500000e+00 : f32
          %sub3A_801 = vector.broadcast %sub3A_800 : f32 to vector<16xf32>
          %sub3A_802 = arith.subf %sub3A_801, %mul3A_799 : vector<16xf32>
          %mul3A_803 = arith.mulf %mul3A_794, %sub3A_802 : vector<16xf32>
          %mul3A_804 = arith.mulf %add3A_770, %mul3A_803 : vector<16xf32>
          %add3A_805 = arith.constant 3 : i32
          %add3A_806 = arith.addi %add3A_805, %mul3A_735 : i32
          %add3A_807 = vector.broadcast %add3A_806 : i32 to vector<16xi32>
          %add3A_808 = arith.addi %iota3A, %add3A_807 : vector<16xi32>
          tpu.vector_store_idx %arg20[%add3A_712, %add3A_808], %max3A_752 : memref<16x2883xf32, #tpu.memory_space<vmem>>[vector<16xi32>, vector<16xi32>], vector<16xf32>,
          %add3A_809 = arith.constant 960 : i32
          %add3A_810 = vector.broadcast %add3A_809 : i32 to vector<16xi32>
          %add3A_811 = arith.addi %add3A_808, %add3A_810 : vector<16xi32>
          tpu.vector_store_idx %arg20[%add3A_712, %add3A_811], %div3A_757 : memref<16x2883xf32, #tpu.memory_space<vmem>>[vector<16xi32>, vector<16xi32>], vector<16xf32>,
          %add3A_812 = arith.constant 1920 : i32
          %add3A_813 = vector.broadcast %add3A_812 : i32 to vector<16xi32>
          %add3A_814 = arith.addi %add3A_808, %add3A_813 : vector<16xi32>
          tpu.vector_store_idx %arg20[%add3A_712, %add3A_814], %mul3A_804 : memref<16x2883xf32, #tpu.memory_space<vmem>>[vector<16xi32>, vector<16xi32>], vector<16xf32>,
        }
        %scan3A_717 = arith.constant 4 : i32
        %scan3A_718 = arith.constant 0 : i32
        %scan3A_719 = arith.constant 8 : i32
        %scan3A_720 = arith.addi %scan3A_718, %scan3A_719 : i32
        %scan3A_721 = arith.constant 1 : i32
        scf.for %scan3A_733 = %scan3A_718 to %scan3A_720 step %scan3A_721  : i32 {
          %mul3A_734 = arith.constant 16 : i32
          %mul3A_735 = arith.muli %scan3A_733, %mul3A_734 : i32
          %get3A_736 = arith.constant 0 : i32
          %get3A_737 = arith.index_cast %get3A_736 : i32 to index
          %get3A_738 = arith.index_cast %scan3A_708 : i32 to index
          %get3A_739 = arith.index_cast %mul3A_735 : i32 to index
          %get3A_740 = tpu.vector_load %arg17[%get3A_737, %get3A_738, %get3A_739] {strides = array<i32>} : memref<3x16x128xf32, #tpu.memory_space<vmem>>, vector<16xf32>,
          %get3A_741 = arith.constant 1 : i32
          %get3A_742 = arith.index_cast %get3A_741 : i32 to index
          %get3A_743 = arith.index_cast %scan3A_708 : i32 to index
          %get3A_744 = arith.index_cast %mul3A_735 : i32 to index
          %get3A_745 = tpu.vector_load %arg17[%get3A_742, %get3A_743, %get3A_744] {strides = array<i32>} : memref<3x16x128xf32, #tpu.memory_space<vmem>>, vector<16xf32>,
          %get3A_746 = arith.constant 2 : i32
          %get3A_747 = arith.index_cast %get3A_746 : i32 to index
          %get3A_748 = arith.index_cast %scan3A_708 : i32 to index
          %get3A_749 = arith.index_cast %mul3A_735 : i32 to index
          %get3A_750 = tpu.vector_load %arg17[%get3A_747, %get3A_748, %get3A_749] {strides = array<i32>} : memref<3x16x128xf32, #tpu.memory_space<vmem>>, vector<16xf32>,
          %max3A_751 = arith.maximumf %get3A_740, %get3A_745 : vector<16xf32>
          %max3A_752 = arith.maximumf %max3A_751, %get3A_750 : vector<16xf32>
          %add3A_753 = arith.addf %get3A_740, %get3A_745 : vector<16xf32>
          %add3A_754 = arith.addf %add3A_753, %get3A_750 : vector<16xf32>
          %div3A_755 = arith.constant 3.000000e+00 : f32
          %div3A_756 = vector.broadcast %div3A_755 : f32 to vector<16xf32>
          %div3A_757 = arith.divf %add3A_754, %div3A_756 : vector<16xf32>
          %sub3A = arith.subf %get3A_740, %div3A_757 : vector<16xf32>
          %sub3A_758 = arith.subf %get3A_745, %div3A_757 : vector<16xf32>
          %sub3A_759 = arith.subf %get3A_750, %div3A_757 : vector<16xf32>
          %mul3A_760 = arith.mulf %sub3A, %sub3A : vector<16xf32>
          %mul3A_761 = arith.mulf %sub3A_758, %sub3A_758 : vector<16xf32>
          %add3A_762 = arith.addf %mul3A_760, %mul3A_761 : vector<16xf32>
          %mul3A_763 = arith.mulf %sub3A_759, %sub3A_759 : vector<16xf32>
          %add3A_764 = arith.addf %add3A_762, %mul3A_763 : vector<16xf32>
          %div3A_765 = arith.constant 3.000000e+00 : f32
          %div3A_766 = vector.broadcast %div3A_765 : f32 to vector<16xf32>
          %div3A_767 = arith.divf %add3A_764, %div3A_766 : vector<16xf32>
          %add3A_768 = arith.constant 9.99999996E-13 : f32
          %add3A_769 = vector.broadcast %add3A_768 : f32 to vector<16xf32>
          %add3A_770 = arith.addf %div3A_767, %add3A_769 : vector<16xf32>
          %bitcast_convert_type3A = tpu.bitcast %add3A_770 : vector<16xf32> -> vector<16xi32>
          %shift_right_arithmetic3A = arith.constant 1 : i32
          %shift_right_arithmetic3A_771 = vector.broadcast %shift_right_arithmetic3A : i32 to vector<16xi32>
          %shift_right_arithmetic3A_772 = arith.shrsi %bitcast_convert_type3A, %shift_right_arithmetic3A_771 : vector<16xi32>
          %sub3A_773 = arith.constant 1597463007 : i32
          %sub3A_774 = vector.broadcast %sub3A_773 : i32 to vector<16xi32>
          %sub3A_775 = arith.subi %sub3A_774, %shift_right_arithmetic3A_772 : vector<16xi32>
          %bitcast_convert_type3A_776 = tpu.bitcast %sub3A_775 : vector<16xi32> -> vector<16xf32>
          %mul3A_777 = arith.constant 5.000000e-01 : f32
          %mul3A_778 = vector.broadcast %mul3A_777 : f32 to vector<16xf32>
          %mul3A_779 = arith.mulf %mul3A_778, %add3A_770 : vector<16xf32>
          %mul3A_780 = arith.mulf %mul3A_779, %bitcast_convert_type3A_776 : vector<16xf32>
          %mul3A_781 = arith.mulf %mul3A_780, %bitcast_convert_type3A_776 : vector<16xf32>
          %sub3A_782 = arith.constant 1.500000e+00 : f32
          %sub3A_783 = vector.broadcast %sub3A_782 : f32 to vector<16xf32>
          %sub3A_784 = arith.subf %sub3A_783, %mul3A_781 : vector<16xf32>
          %mul3A_785 = arith.mulf %bitcast_convert_type3A_776, %sub3A_784 : vector<16xf32>
          %mul3A_786 = arith.constant 5.000000e-01 : f32
          %mul3A_787 = vector.broadcast %mul3A_786 : f32 to vector<16xf32>
          %mul3A_788 = arith.mulf %mul3A_787, %add3A_770 : vector<16xf32>
          %mul3A_789 = arith.mulf %mul3A_788, %mul3A_785 : vector<16xf32>
          %mul3A_790 = arith.mulf %mul3A_789, %mul3A_785 : vector<16xf32>
          %sub3A_791 = arith.constant 1.500000e+00 : f32
          %sub3A_792 = vector.broadcast %sub3A_791 : f32 to vector<16xf32>
          %sub3A_793 = arith.subf %sub3A_792, %mul3A_790 : vector<16xf32>
          %mul3A_794 = arith.mulf %mul3A_785, %sub3A_793 : vector<16xf32>
          %mul3A_795 = arith.constant 5.000000e-01 : f32
          %mul3A_796 = vector.broadcast %mul3A_795 : f32 to vector<16xf32>
          %mul3A_797 = arith.mulf %mul3A_796, %add3A_770 : vector<16xf32>
          %mul3A_798 = arith.mulf %mul3A_797, %mul3A_794 : vector<16xf32>
          %mul3A_799 = arith.mulf %mul3A_798, %mul3A_794 : vector<16xf32>
          %sub3A_800 = arith.constant 1.500000e+00 : f32
          %sub3A_801 = vector.broadcast %sub3A_800 : f32 to vector<16xf32>
          %sub3A_802 = arith.subf %sub3A_801, %mul3A_799 : vector<16xf32>
          %mul3A_803 = arith.mulf %mul3A_794, %sub3A_802 : vector<16xf32>
          %mul3A_804 = arith.mulf %add3A_770, %mul3A_803 : vector<16xf32>
          %add3A_805 = arith.constant 67 : i32
          %add3A_806 = arith.addi %add3A_805, %mul3A_735 : i32
          %add3A_807 = vector.broadcast %add3A_806 : i32 to vector<16xi32>
          %add3A_808 = arith.addi %iota3A, %add3A_807 : vector<16xi32>
          tpu.vector_store_idx %arg20[%add3A_712, %add3A_808], %max3A_752 : memref<16x2883xf32, #tpu.memory_space<vmem>>[vector<16xi32>, vector<16xi32>], vector<16xf32>,
          %add3A_809 = arith.constant 960 : i32
          %add3A_810 = vector.broadcast %add3A_809 : i32 to vector<16xi32>
          %add3A_811 = arith.addi %add3A_808, %add3A_810 : vector<16xi32>
          tpu.vector_store_idx %arg20[%add3A_712, %add3A_811], %div3A_757 : memref<16x2883xf32, #tpu.memory_space<vmem>>[vector<16xi32>, vector<16xi32>], vector<16xf32>,
          %add3A_812 = arith.constant 1920 : i32
          %add3A_813 = vector.broadcast %add3A_812 : i32 to vector<16xi32>
          %add3A_814 = arith.addi %add3A_808, %add3A_813 : vector<16xi32>
          tpu.vector_store_idx %arg20[%add3A_712, %add3A_814], %mul3A_804 : memref<16x2883xf32, #tpu.memory_space<vmem>>[vector<16xi32>, vector<16xi32>], vector<16xf32>,
        }
        %scan3A_722 = arith.constant 8 : i32
        %scan3A_723 = arith.constant 0 : i32
        %scan3A_724 = arith.constant 16 : i32
        %scan3A_725 = arith.addi %scan3A_723, %scan3A_724 : i32
        %scan3A_726 = arith.constant 1 : i32
        scf.for %scan3A_733 = %scan3A_723 to %scan3A_725 step %scan3A_726  : i32 {
          %mul3A_734 = arith.constant 16 : i32
          %mul3A_735 = arith.muli %scan3A_733, %mul3A_734 : i32
          %get3A_736 = arith.constant 0 : i32
          %get3A_737 = arith.index_cast %get3A_736 : i32 to index
          %get3A_738 = arith.index_cast %scan3A_708 : i32 to index
          %get3A_739 = arith.index_cast %mul3A_735 : i32 to index
          %get3A_740 = tpu.vector_load %arg18[%get3A_737, %get3A_738, %get3A_739] {strides = array<i32>} : memref<3x16x256xf32, #tpu.memory_space<vmem>>, vector<16xf32>,
          %get3A_741 = arith.constant 1 : i32
          %get3A_742 = arith.index_cast %get3A_741 : i32 to index
          %get3A_743 = arith.index_cast %scan3A_708 : i32 to index
          %get3A_744 = arith.index_cast %mul3A_735 : i32 to index
          %get3A_745 = tpu.vector_load %arg18[%get3A_742, %get3A_743, %get3A_744] {strides = array<i32>} : memref<3x16x256xf32, #tpu.memory_space<vmem>>, vector<16xf32>,
          %get3A_746 = arith.constant 2 : i32
          %get3A_747 = arith.index_cast %get3A_746 : i32 to index
          %get3A_748 = arith.index_cast %scan3A_708 : i32 to index
          %get3A_749 = arith.index_cast %mul3A_735 : i32 to index
          %get3A_750 = tpu.vector_load %arg18[%get3A_747, %get3A_748, %get3A_749] {strides = array<i32>} : memref<3x16x256xf32, #tpu.memory_space<vmem>>, vector<16xf32>,
          %max3A_751 = arith.maximumf %get3A_740, %get3A_745 : vector<16xf32>
          %max3A_752 = arith.maximumf %max3A_751, %get3A_750 : vector<16xf32>
          %add3A_753 = arith.addf %get3A_740, %get3A_745 : vector<16xf32>
          %add3A_754 = arith.addf %add3A_753, %get3A_750 : vector<16xf32>
          %div3A_755 = arith.constant 3.000000e+00 : f32
          %div3A_756 = vector.broadcast %div3A_755 : f32 to vector<16xf32>
          %div3A_757 = arith.divf %add3A_754, %div3A_756 : vector<16xf32>
          %sub3A = arith.subf %get3A_740, %div3A_757 : vector<16xf32>
          %sub3A_758 = arith.subf %get3A_745, %div3A_757 : vector<16xf32>
          %sub3A_759 = arith.subf %get3A_750, %div3A_757 : vector<16xf32>
          %mul3A_760 = arith.mulf %sub3A, %sub3A : vector<16xf32>
          %mul3A_761 = arith.mulf %sub3A_758, %sub3A_758 : vector<16xf32>
          %add3A_762 = arith.addf %mul3A_760, %mul3A_761 : vector<16xf32>
          %mul3A_763 = arith.mulf %sub3A_759, %sub3A_759 : vector<16xf32>
          %add3A_764 = arith.addf %add3A_762, %mul3A_763 : vector<16xf32>
          %div3A_765 = arith.constant 3.000000e+00 : f32
          %div3A_766 = vector.broadcast %div3A_765 : f32 to vector<16xf32>
          %div3A_767 = arith.divf %add3A_764, %div3A_766 : vector<16xf32>
          %add3A_768 = arith.constant 9.99999996E-13 : f32
          %add3A_769 = vector.broadcast %add3A_768 : f32 to vector<16xf32>
          %add3A_770 = arith.addf %div3A_767, %add3A_769 : vector<16xf32>
          %bitcast_convert_type3A = tpu.bitcast %add3A_770 : vector<16xf32> -> vector<16xi32>
          %shift_right_arithmetic3A = arith.constant 1 : i32
          %shift_right_arithmetic3A_771 = vector.broadcast %shift_right_arithmetic3A : i32 to vector<16xi32>
          %shift_right_arithmetic3A_772 = arith.shrsi %bitcast_convert_type3A, %shift_right_arithmetic3A_771 : vector<16xi32>
          %sub3A_773 = arith.constant 1597463007 : i32
          %sub3A_774 = vector.broadcast %sub3A_773 : i32 to vector<16xi32>
          %sub3A_775 = arith.subi %sub3A_774, %shift_right_arithmetic3A_772 : vector<16xi32>
          %bitcast_convert_type3A_776 = tpu.bitcast %sub3A_775 : vector<16xi32> -> vector<16xf32>
          %mul3A_777 = arith.constant 5.000000e-01 : f32
          %mul3A_778 = vector.broadcast %mul3A_777 : f32 to vector<16xf32>
          %mul3A_779 = arith.mulf %mul3A_778, %add3A_770 : vector<16xf32>
          %mul3A_780 = arith.mulf %mul3A_779, %bitcast_convert_type3A_776 : vector<16xf32>
          %mul3A_781 = arith.mulf %mul3A_780, %bitcast_convert_type3A_776 : vector<16xf32>
          %sub3A_782 = arith.constant 1.500000e+00 : f32
          %sub3A_783 = vector.broadcast %sub3A_782 : f32 to vector<16xf32>
          %sub3A_784 = arith.subf %sub3A_783, %mul3A_781 : vector<16xf32>
          %mul3A_785 = arith.mulf %bitcast_convert_type3A_776, %sub3A_784 : vector<16xf32>
          %mul3A_786 = arith.constant 5.000000e-01 : f32
          %mul3A_787 = vector.broadcast %mul3A_786 : f32 to vector<16xf32>
          %mul3A_788 = arith.mulf %mul3A_787, %add3A_770 : vector<16xf32>
          %mul3A_789 = arith.mulf %mul3A_788, %mul3A_785 : vector<16xf32>
          %mul3A_790 = arith.mulf %mul3A_789, %mul3A_785 : vector<16xf32>
          %sub3A_791 = arith.constant 1.500000e+00 : f32
          %sub3A_792 = vector.broadcast %sub3A_791 : f32 to vector<16xf32>
          %sub3A_793 = arith.subf %sub3A_792, %mul3A_790 : vector<16xf32>
          %mul3A_794 = arith.mulf %mul3A_785, %sub3A_793 : vector<16xf32>
          %mul3A_795 = arith.constant 5.000000e-01 : f32
          %mul3A_796 = vector.broadcast %mul3A_795 : f32 to vector<16xf32>
          %mul3A_797 = arith.mulf %mul3A_796, %add3A_770 : vector<16xf32>
          %mul3A_798 = arith.mulf %mul3A_797, %mul3A_794 : vector<16xf32>
          %mul3A_799 = arith.mulf %mul3A_798, %mul3A_794 : vector<16xf32>
          %sub3A_800 = arith.constant 1.500000e+00 : f32
          %sub3A_801 = vector.broadcast %sub3A_800 : f32 to vector<16xf32>
          %sub3A_802 = arith.subf %sub3A_801, %mul3A_799 : vector<16xf32>
          %mul3A_803 = arith.mulf %mul3A_794, %sub3A_802 : vector<16xf32>
          %mul3A_804 = arith.mulf %add3A_770, %mul3A_803 : vector<16xf32>
          %add3A_805 = arith.constant 195 : i32
          %add3A_806 = arith.addi %add3A_805, %mul3A_735 : i32
          %add3A_807 = vector.broadcast %add3A_806 : i32 to vector<16xi32>
          %add3A_808 = arith.addi %iota3A, %add3A_807 : vector<16xi32>
          tpu.vector_store_idx %arg20[%add3A_712, %add3A_808], %max3A_752 : memref<16x2883xf32, #tpu.memory_space<vmem>>[vector<16xi32>, vector<16xi32>], vector<16xf32>,
          %add3A_809 = arith.constant 960 : i32
          %add3A_810 = vector.broadcast %add3A_809 : i32 to vector<16xi32>
          %add3A_811 = arith.addi %add3A_808, %add3A_810 : vector<16xi32>
          tpu.vector_store_idx %arg20[%add3A_712, %add3A_811], %div3A_757 : memref<16x2883xf32, #tpu.memory_space<vmem>>[vector<16xi32>, vector<16xi32>], vector<16xf32>,
          %add3A_812 = arith.constant 1920 : i32
          %add3A_813 = vector.broadcast %add3A_812 : i32 to vector<16xi32>
          %add3A_814 = arith.addi %add3A_808, %add3A_813 : vector<16xi32>
          tpu.vector_store_idx %arg20[%add3A_712, %add3A_814], %mul3A_804 : memref<16x2883xf32, #tpu.memory_space<vmem>>[vector<16xi32>, vector<16xi32>], vector<16xf32>,
        }
        %scan3A_727 = arith.constant 16 : i32
        %scan3A_728 = arith.constant 0 : i32
        %scan3A_729 = arith.constant 32 : i32
        %scan3A_730 = arith.addi %scan3A_728, %scan3A_729 : i32
        %scan3A_731 = arith.constant 1 : i32
        scf.for %scan3A_733 = %scan3A_728 to %scan3A_730 step %scan3A_731  : i32 {
          %mul3A_734 = arith.constant 16 : i32
          %mul3A_735 = arith.muli %scan3A_733, %mul3A_734 : i32
          %get3A_736 = arith.constant 0 : i32
          %get3A_737 = arith.index_cast %get3A_736 : i32 to index
          %get3A_738 = arith.index_cast %scan3A_708 : i32 to index
          %get3A_739 = arith.index_cast %mul3A_735 : i32 to index
          %get3A_740 = tpu.vector_load %arg19[%get3A_737, %get3A_738, %get3A_739] {strides = array<i32>} : memref<3x16x512xf32, #tpu.memory_space<vmem>>, vector<16xf32>,
          %get3A_741 = arith.constant 1 : i32
          %get3A_742 = arith.index_cast %get3A_741 : i32 to index
          %get3A_743 = arith.index_cast %scan3A_708 : i32 to index
          %get3A_744 = arith.index_cast %mul3A_735 : i32 to index
          %get3A_745 = tpu.vector_load %arg19[%get3A_742, %get3A_743, %get3A_744] {strides = array<i32>} : memref<3x16x512xf32, #tpu.memory_space<vmem>>, vector<16xf32>,
          %get3A_746 = arith.constant 2 : i32
          %get3A_747 = arith.index_cast %get3A_746 : i32 to index
          %get3A_748 = arith.index_cast %scan3A_708 : i32 to index
          %get3A_749 = arith.index_cast %mul3A_735 : i32 to index
          %get3A_750 = tpu.vector_load %arg19[%get3A_747, %get3A_748, %get3A_749] {strides = array<i32>} : memref<3x16x512xf32, #tpu.memory_space<vmem>>, vector<16xf32>,
          %max3A_751 = arith.maximumf %get3A_740, %get3A_745 : vector<16xf32>
          %max3A_752 = arith.maximumf %max3A_751, %get3A_750 : vector<16xf32>
          %add3A_753 = arith.addf %get3A_740, %get3A_745 : vector<16xf32>
          %add3A_754 = arith.addf %add3A_753, %get3A_750 : vector<16xf32>
          %div3A_755 = arith.constant 3.000000e+00 : f32
          %div3A_756 = vector.broadcast %div3A_755 : f32 to vector<16xf32>
          %div3A_757 = arith.divf %add3A_754, %div3A_756 : vector<16xf32>
          %sub3A = arith.subf %get3A_740, %div3A_757 : vector<16xf32>
          %sub3A_758 = arith.subf %get3A_745, %div3A_757 : vector<16xf32>
          %sub3A_759 = arith.subf %get3A_750, %div3A_757 : vector<16xf32>
          %mul3A_760 = arith.mulf %sub3A, %sub3A : vector<16xf32>
          %mul3A_761 = arith.mulf %sub3A_758, %sub3A_758 : vector<16xf32>
          %add3A_762 = arith.addf %mul3A_760, %mul3A_761 : vector<16xf32>
          %mul3A_763 = arith.mulf %sub3A_759, %sub3A_759 : vector<16xf32>
          %add3A_764 = arith.addf %add3A_762, %mul3A_763 : vector<16xf32>
          %div3A_765 = arith.constant 3.000000e+00 : f32
          %div3A_766 = vector.broadcast %div3A_765 : f32 to vector<16xf32>
          %div3A_767 = arith.divf %add3A_764, %div3A_766 : vector<16xf32>
          %add3A_768 = arith.constant 9.99999996E-13 : f32
          %add3A_769 = vector.broadcast %add3A_768 : f32 to vector<16xf32>
          %add3A_770 = arith.addf %div3A_767, %add3A_769 : vector<16xf32>
          %bitcast_convert_type3A = tpu.bitcast %add3A_770 : vector<16xf32> -> vector<16xi32>
          %shift_right_arithmetic3A = arith.constant 1 : i32
          %shift_right_arithmetic3A_771 = vector.broadcast %shift_right_arithmetic3A : i32 to vector<16xi32>
          %shift_right_arithmetic3A_772 = arith.shrsi %bitcast_convert_type3A, %shift_right_arithmetic3A_771 : vector<16xi32>
          %sub3A_773 = arith.constant 1597463007 : i32
          %sub3A_774 = vector.broadcast %sub3A_773 : i32 to vector<16xi32>
          %sub3A_775 = arith.subi %sub3A_774, %shift_right_arithmetic3A_772 : vector<16xi32>
          %bitcast_convert_type3A_776 = tpu.bitcast %sub3A_775 : vector<16xi32> -> vector<16xf32>
          %mul3A_777 = arith.constant 5.000000e-01 : f32
          %mul3A_778 = vector.broadcast %mul3A_777 : f32 to vector<16xf32>
          %mul3A_779 = arith.mulf %mul3A_778, %add3A_770 : vector<16xf32>
          %mul3A_780 = arith.mulf %mul3A_779, %bitcast_convert_type3A_776 : vector<16xf32>
          %mul3A_781 = arith.mulf %mul3A_780, %bitcast_convert_type3A_776 : vector<16xf32>
          %sub3A_782 = arith.constant 1.500000e+00 : f32
          %sub3A_783 = vector.broadcast %sub3A_782 : f32 to vector<16xf32>
          %sub3A_784 = arith.subf %sub3A_783, %mul3A_781 : vector<16xf32>
          %mul3A_785 = arith.mulf %bitcast_convert_type3A_776, %sub3A_784 : vector<16xf32>
          %mul3A_786 = arith.constant 5.000000e-01 : f32
          %mul3A_787 = vector.broadcast %mul3A_786 : f32 to vector<16xf32>
          %mul3A_788 = arith.mulf %mul3A_787, %add3A_770 : vector<16xf32>
          %mul3A_789 = arith.mulf %mul3A_788, %mul3A_785 : vector<16xf32>
          %mul3A_790 = arith.mulf %mul3A_789, %mul3A_785 : vector<16xf32>
          %sub3A_791 = arith.constant 1.500000e+00 : f32
          %sub3A_792 = vector.broadcast %sub3A_791 : f32 to vector<16xf32>
          %sub3A_793 = arith.subf %sub3A_792, %mul3A_790 : vector<16xf32>
          %mul3A_794 = arith.mulf %mul3A_785, %sub3A_793 : vector<16xf32>
          %mul3A_795 = arith.constant 5.000000e-01 : f32
          %mul3A_796 = vector.broadcast %mul3A_795 : f32 to vector<16xf32>
          %mul3A_797 = arith.mulf %mul3A_796, %add3A_770 : vector<16xf32>
          %mul3A_798 = arith.mulf %mul3A_797, %mul3A_794 : vector<16xf32>
          %mul3A_799 = arith.mulf %mul3A_798, %mul3A_794 : vector<16xf32>
          %sub3A_800 = arith.constant 1.500000e+00 : f32
          %sub3A_801 = vector.broadcast %sub3A_800 : f32 to vector<16xf32>
          %sub3A_802 = arith.subf %sub3A_801, %mul3A_799 : vector<16xf32>
          %mul3A_803 = arith.mulf %mul3A_794, %sub3A_802 : vector<16xf32>
          %mul3A_804 = arith.mulf %add3A_770, %mul3A_803 : vector<16xf32>
          %add3A_805 = arith.constant 451 : i32
          %add3A_806 = arith.addi %add3A_805, %mul3A_735 : i32
          %add3A_807 = vector.broadcast %add3A_806 : i32 to vector<16xi32>
          %add3A_808 = arith.addi %iota3A, %add3A_807 : vector<16xi32>
          tpu.vector_store_idx %arg20[%add3A_712, %add3A_808], %max3A_752 : memref<16x2883xf32, #tpu.memory_space<vmem>>[vector<16xi32>, vector<16xi32>], vector<16xf32>,
          %add3A_809 = arith.constant 960 : i32
          %add3A_810 = vector.broadcast %add3A_809 : i32 to vector<16xi32>
          %add3A_811 = arith.addi %add3A_808, %add3A_810 : vector<16xi32>
          tpu.vector_store_idx %arg20[%add3A_712, %add3A_811], %div3A_757 : memref<16x2883xf32, #tpu.memory_space<vmem>>[vector<16xi32>, vector<16xi32>], vector<16xf32>,
          %add3A_812 = arith.constant 1920 : i32
          %add3A_813 = vector.broadcast %add3A_812 : i32 to vector<16xi32>
          %add3A_814 = arith.addi %add3A_808, %add3A_813 : vector<16xi32>
          tpu.vector_store_idx %arg20[%add3A_712, %add3A_814], %mul3A_804 : memref<16x2883xf32, #tpu.memory_space<vmem>>[vector<16xi32>, vector<16xi32>], vector<16xf32>,
        }
        %scan3A_732 = arith.constant 32 : i32
      }
      %scan3A_707 = arith.constant 16 : i32
      "tpu.region"() ({
        %run_scoped3A_708 = tpu.sem_alloc : memref<!tpu.dma_semaphore, #tpu.memory_space<semaphore_mem>>
        %dma_start3A_709 = arith.constant 0 : i32
        %dma_start3A_710 = tpu.memref_slice %arg10[%add3A_58, %dma_start3A_709] : memref<20000x2883xf32, #tpu.memory_space<hbm>> -> memref<16x2883xf32, #tpu.memory_space<hbm>>
        %dma_start3A_711 = arith.constant 0 : i32
        %dma_start3A_712 = tpu.memref_slice %arg10[%add3A_58, %dma_start3A_711] : memref<20000x2883xf32, #tpu.memory_space<hbm>> -> memref<16x2883xf32, #tpu.memory_space<hbm>>
        tpu.enqueue_dma source(%arg20 : memref<16x2883xf32, #tpu.memory_space<vmem>>) target(%dma_start3A_712 : memref<16x2883xf32, #tpu.memory_space<hbm>>) target_semaphore(%run_scoped3A_708 : memref<!tpu.dma_semaphore, #tpu.memory_space<semaphore_mem>>)
        %dma_wait3A_713 = arith.constant 0 : i32
        %dma_wait3A_714 = tpu.memref_slice %arg10[%add3A_58, %dma_wait3A_713] : memref<20000x2883xf32, #tpu.memory_space<hbm>> -> memref<16x2883xf32, #tpu.memory_space<hbm>>
        %dma_wait3A_715 = arith.constant 0 : i32
        %dma_wait3A_716 = tpu.memref_slice %arg10[%add3A_58, %dma_wait3A_715] : memref<20000x2883xf32, #tpu.memory_space<hbm>> -> memref<16x2883xf32, #tpu.memory_space<hbm>>
        tpu.wait_dma2 semaphore(%run_scoped3A_708 : memref<!tpu.dma_semaphore, #tpu.memory_space<semaphore_mem>>) src(%arg20 : memref<16x2883xf32, #tpu.memory_space<vmem>>) dst(%dma_wait3A_716 : memref<16x2883xf32, #tpu.memory_space<hbm>>)
        tpu.yield
      }) : () -> ()
    }
    %while3A_54 = arith.constant 1 : i32
    scf.for %while3A_55 = %while3A_52 to %while3A_48 step %while3A_54  : i32 {
      %mul3A_56 = arith.constant 16 : i32
      %mul3A_57 = arith.muli %while3A_55, %mul3A_56 : i32
      %add3A_58 = arith.addi %mul3A_10, %mul3A_57 : i32
      %get3A = arith.index_cast %mul3A_57 : i32 to index
      %get3A_59 = tpu.vector_load %arg11[%get3A] {strides = array<i32>} : memref<640xf32, #tpu.memory_space<vmem>>, vector<16xf32>,
      %get3A_60 = arith.index_cast %mul3A_57 : i32 to index
      %get3A_61 = tpu.vector_load %arg12[%get3A_60] {strides = array<i32>} : memref<640xf32, #tpu.memory_space<vmem>>, vector<16xf32>,
      %get3A_62 = arith.index_cast %mul3A_57 : i32 to index
      %get3A_63 = tpu.vector_load %arg13[%get3A_62] {strides = array<i32>} : memref<640xf32, #tpu.memory_space<vmem>>, vector<16xf32>,
      %broadcast_in_dim3A_64 = arith.constant 0 : i32
      %broadcast_in_dim3A_65 = vector.broadcast %broadcast_in_dim3A_64 : i32 to vector<16xi32>
      tpu.vector_store_idx %arg20[%iota3A, %broadcast_in_dim3A_65], %get3A_59 : memref<16x2883xf32, #tpu.memory_space<vmem>>[vector<16xi32>, vector<16xi32>], vector<16xf32>,
      %broadcast_in_dim3A_66 = arith.constant 1 : i32
      %broadcast_in_dim3A_67 = vector.broadcast %broadcast_in_dim3A_66 : i32 to vector<16xi32>
      tpu.vector_store_idx %arg20[%iota3A, %broadcast_in_dim3A_67], %get3A_61 : memref<16x2883xf32, #tpu.memory_space<vmem>>[vector<16xi32>, vector<16xi32>], vector<16xf32>,
      %broadcast_in_dim3A_68 = arith.constant 2 : i32
      %broadcast_in_dim3A_69 = vector.broadcast %broadcast_in_dim3A_68 : i32 to vector<16xi32>
      tpu.vector_store_idx %arg20[%iota3A, %broadcast_in_dim3A_69], %get3A_63 : memref<16x2883xf32, #tpu.memory_space<vmem>>[vector<16xi32>, vector<16xi32>], vector<16xf32>,
      %get3A_70 = arith.constant 0 : i32
      %get3A_71 = arith.constant 0 : i32
      %get3A_72 = arith.index_cast %get3A_70 : i32 to index
      %get3A_73 = arith.index_cast %get3A_71 : i32 to index
      %get3A_74 = arith.index_cast %mul3A_57 : i32 to index
      %get3A_75 = tpu.vector_load %arg14[%get3A_72, %get3A_73, %get3A_74] {strides = array<i32>} : memref<3x3x640xf32, #tpu.memory_space<vmem>>, vector<16xf32>,
      %get3A_76 = arith.constant 0 : i32
      %get3A_77 = arith.constant 1 : i32
      %get3A_78 = arith.index_cast %get3A_76 : i32 to index
      %get3A_79 = arith.index_cast %get3A_77 : i32 to index
      %get3A_80 = arith.index_cast %mul3A_57 : i32 to index
      %get3A_81 = tpu.vector_load %arg14[%get3A_78, %get3A_79, %get3A_80] {strides = array<i32>} : memref<3x3x640xf32, #tpu.memory_space<vmem>>, vector<16xf32>,
      %get3A_82 = arith.constant 0 : i32
      %get3A_83 = arith.constant 2 : i32
      %get3A_84 = arith.index_cast %get3A_82 : i32 to index
      %get3A_85 = arith.index_cast %get3A_83 : i32 to index
      %get3A_86 = arith.index_cast %mul3A_57 : i32 to index
      %get3A_87 = tpu.vector_load %arg14[%get3A_84, %get3A_85, %get3A_86] {strides = array<i32>} : memref<3x3x640xf32, #tpu.memory_space<vmem>>, vector<16xf32>,
      %neg3A = arith.constant 0.000000e+00 : f32
      %neg3A_88 = vector.broadcast %neg3A : f32 to vector<16xf32>
      %neg3A_89 = arith.subf %neg3A_88, %get3A_87 : vector<16xf32>
      %neg3A_90 = arith.constant 0.000000e+00 : f32
      %neg3A_91 = vector.broadcast %neg3A_90 : f32 to vector<16xf32>
      %neg3A_92 = arith.subf %neg3A_91, %get3A_81 : vector<16xf32>
      %div3A = arith.divf %neg3A_92, %neg3A_89 : vector<16xf32>
      %mul3A_93 = arith.constant 2.480000e+02 : f32
      %mul3A_94 = vector.broadcast %mul3A_93 : f32 to vector<16xf32>
      %mul3A_95 = arith.mulf %mul3A_94, %div3A : vector<16xf32>
      %add3A_96 = arith.constant 1.120000e+02 : f32
      %add3A_97 = vector.broadcast %add3A_96 : f32 to vector<16xf32>
      %add3A_98 = arith.addf %mul3A_95, %add3A_97 : vector<16xf32>
      %div3A_99 = arith.divf %get3A_75, %neg3A_89 : vector<16xf32>
      %mul3A_100 = arith.constant 2.480000e+02 : f32
      %mul3A_101 = vector.broadcast %mul3A_100 : f32 to vector<16xf32>
      %mul3A_102 = arith.mulf %mul3A_101, %div3A_99 : vector<16xf32>
      %add3A_103 = arith.constant 1.120000e+02 : f32
      %add3A_104 = vector.broadcast %add3A_103 : f32 to vector<16xf32>
      %add3A_105 = arith.addf %mul3A_102, %add3A_104 : vector<16xf32>
      %ne3A = arith.cmpf one, %add3A_98, %add3A_98 : vector<16xf32>
      %select_n3A_106 = arith.select %ne3A, %broadcast_in_dim3A_46, %add3A_98 : vector<16xi1>, vector<16xf32>
      %ne3A_107 = arith.cmpf one, %add3A_105, %add3A_105 : vector<16xf32>
      %select_n3A_108 = arith.select %ne3A_107, %broadcast_in_dim3A_46, %add3A_105 : vector<16xi1>, vector<16xf32>
      %max3A = arith.constant 0.000000e+00 : f32
      %max3A_109 = vector.broadcast %max3A : f32 to vector<16xf32>
      %max3A_110 = arith.maximumf %select_n3A_106, %max3A_109 : vector<16xf32>
      %min3A_111 = arith.constant 2.230000e+02 : f32
      %min3A_112 = vector.broadcast %min3A_111 : f32 to vector<16xf32>
      %min3A_113 = arith.minimumf %max3A_110, %min3A_112 : vector<16xf32>
      %max3A_114 = arith.constant 0.000000e+00 : f32
      %max3A_115 = vector.broadcast %max3A_114 : f32 to vector<16xf32>
      %max3A_116 = arith.maximumf %select_n3A_108, %max3A_115 : vector<16xf32>
      %min3A_117 = arith.constant 2.230000e+02 : f32
      %min3A_118 = vector.broadcast %min3A_117 : f32 to vector<16xf32>
      %min3A_119 = arith.minimumf %max3A_116, %min3A_118 : vector<16xf32>
      %mul3A_120 = arith.constant 2.500000e-01 : f32
      %mul3A_121 = vector.broadcast %mul3A_120 : f32 to vector<16xf32>
      %mul3A_122 = arith.mulf %min3A_113, %mul3A_121 : vector<16xf32>
      %convert_element_type3A = arith.fptosi %mul3A_122 : vector<16xf32> to vector<16xi32>
      %mul3A_123 = arith.constant 2.500000e-01 : f32
      %mul3A_124 = vector.broadcast %mul3A_123 : f32 to vector<16xf32>
      %mul3A_125 = arith.mulf %min3A_119, %mul3A_124 : vector<16xf32>
      %convert_element_type3A_126 = arith.fptosi %mul3A_125 : vector<16xf32> to vector<16xi32>
      %mul3A_127 = arith.constant 56 : i32
      %mul3A_128 = vector.broadcast %mul3A_127 : i32 to vector<16xi32>
      %mul3A_129 = arith.muli %convert_element_type3A, %mul3A_128 : vector<16xi32>
      %add3A_130 = arith.addi %mul3A_129, %convert_element_type3A_126 : vector<16xi32>
      %swap3A = arith.constant 0 : i32
      %swap3A_131 = arith.index_cast %swap3A : i32 to index
      %swap3A_132 = arith.constant 0 : index
      %swap3A_133 = tpu.vector_load %arg15[%swap3A_131, %swap3A_132] {strides = array<i32>} : memref<12x16xi32, #tpu.memory_space<vmem>>, vector<16xi32>,
      tpu.vector_store %arg15[%swap3A_131, %swap3A_132], %add3A_130 {strides = array<i32>} : memref<12x16xi32, #tpu.memory_space<vmem>>, vector<16xi32>,
      %mul3A_134 = arith.constant 1.250000e-01 : f32
      %mul3A_135 = vector.broadcast %mul3A_134 : f32 to vector<16xf32>
      %mul3A_136 = arith.mulf %min3A_113, %mul3A_135 : vector<16xf32>
      %convert_element_type3A_137 = arith.fptosi %mul3A_136 : vector<16xf32> to vector<16xi32>
      %mul3A_138 = arith.constant 1.250000e-01 : f32
      %mul3A_139 = vector.broadcast %mul3A_138 : f32 to vector<16xf32>
      %mul3A_140 = arith.mulf %min3A_119, %mul3A_139 : vector<16xf32>
      %convert_element_type3A_141 = arith.fptosi %mul3A_140 : vector<16xf32> to vector<16xi32>
      %mul3A_142 = arith.constant 28 : i32
      %mul3A_143 = vector.broadcast %mul3A_142 : i32 to vector<16xi32>
      %mul3A_144 = arith.muli %convert_element_type3A_137, %mul3A_143 : vector<16xi32>
      %add3A_145 = arith.addi %mul3A_144, %convert_element_type3A_141 : vector<16xi32>
      %swap3A_146 = arith.constant 1 : i32
      %swap3A_147 = arith.index_cast %swap3A_146 : i32 to index
      %swap3A_148 = arith.constant 0 : index
      %swap3A_149 = tpu.vector_load %arg15[%swap3A_147, %swap3A_148] {strides = array<i32>} : memref<12x16xi32, #tpu.memory_space<vmem>>, vector<16xi32>,
      tpu.vector_store %arg15[%swap3A_147, %swap3A_148], %add3A_145 {strides = array<i32>} : memref<12x16xi32, #tpu.memory_space<vmem>>, vector<16xi32>,
      %mul3A_150 = arith.constant 6.250000e-02 : f32
      %mul3A_151 = vector.broadcast %mul3A_150 : f32 to vector<16xf32>
      %mul3A_152 = arith.mulf %min3A_113, %mul3A_151 : vector<16xf32>
      %convert_element_type3A_153 = arith.fptosi %mul3A_152 : vector<16xf32> to vector<16xi32>
      %mul3A_154 = arith.constant 6.250000e-02 : f32
      %mul3A_155 = vector.broadcast %mul3A_154 : f32 to vector<16xf32>
      %mul3A_156 = arith.mulf %min3A_119, %mul3A_155 : vector<16xf32>
      %convert_element_type3A_157 = arith.fptosi %mul3A_156 : vector<16xf32> to vector<16xi32>
      %mul3A_158 = arith.constant 14 : i32
      %mul3A_159 = vector.broadcast %mul3A_158 : i32 to vector<16xi32>
      %mul3A_160 = arith.muli %convert_element_type3A_153, %mul3A_159 : vector<16xi32>
      %add3A_161 = arith.addi %mul3A_160, %convert_element_type3A_157 : vector<16xi32>
      %swap3A_162 = arith.constant 2 : i32
      %swap3A_163 = arith.index_cast %swap3A_162 : i32 to index
      %swap3A_164 = arith.constant 0 : index
      %swap3A_165 = tpu.vector_load %arg15[%swap3A_163, %swap3A_164] {strides = array<i32>} : memref<12x16xi32, #tpu.memory_space<vmem>>, vector<16xi32>,
      tpu.vector_store %arg15[%swap3A_163, %swap3A_164], %add3A_161 {strides = array<i32>} : memref<12x16xi32, #tpu.memory_space<vmem>>, vector<16xi32>,
      %mul3A_166 = arith.constant 3.125000e-02 : f32
      %mul3A_167 = vector.broadcast %mul3A_166 : f32 to vector<16xf32>
      %mul3A_168 = arith.mulf %min3A_113, %mul3A_167 : vector<16xf32>
      %convert_element_type3A_169 = arith.fptosi %mul3A_168 : vector<16xf32> to vector<16xi32>
      %mul3A_170 = arith.constant 3.125000e-02 : f32
      %mul3A_171 = vector.broadcast %mul3A_170 : f32 to vector<16xf32>
      %mul3A_172 = arith.mulf %min3A_119, %mul3A_171 : vector<16xf32>
      %convert_element_type3A_173 = arith.fptosi %mul3A_172 : vector<16xf32> to vector<16xi32>
      %mul3A_174 = arith.constant 7 : i32
      %mul3A_175 = vector.broadcast %mul3A_174 : i32 to vector<16xi32>
      %mul3A_176 = arith.muli %convert_element_type3A_169, %mul3A_175 : vector<16xi32>
      %add3A_177 = arith.addi %mul3A_176, %convert_element_type3A_173 : vector<16xi32>
      %swap3A_178 = arith.constant 3 : i32
      %swap3A_179 = arith.index_cast %swap3A_178 : i32 to index
      %swap3A_180 = arith.constant 0 : index
      %swap3A_181 = tpu.vector_load %arg15[%swap3A_179, %swap3A_180] {strides = array<i32>} : memref<12x16xi32, #tpu.memory_space<vmem>>, vector<16xi32>,
      tpu.vector_store %arg15[%swap3A_179, %swap3A_180], %add3A_177 {strides = array<i32>} : memref<12x16xi32, #tpu.memory_space<vmem>>, vector<16xi32>,
      %get3A_182 = arith.constant 1 : i32
      %get3A_183 = arith.constant 0 : i32
      %get3A_184 = arith.index_cast %get3A_182 : i32 to index
      %get3A_185 = arith.index_cast %get3A_183 : i32 to index
      %get3A_186 = arith.index_cast %mul3A_57 : i32 to index
      %get3A_187 = tpu.vector_load %arg14[%get3A_184, %get3A_185, %get3A_186] {strides = array<i32>} : memref<3x3x640xf32, #tpu.memory_space<vmem>>, vector<16xf32>,
      %get3A_188 = arith.constant 1 : i32
      %get3A_189 = arith.constant 1 : i32
      %get3A_190 = arith.index_cast %get3A_188 : i32 to index
      %get3A_191 = arith.index_cast %get3A_189 : i32 to index
      %get3A_192 = arith.index_cast %mul3A_57 : i32 to index
      %get3A_193 = tpu.vector_load %arg14[%get3A_190, %get3A_191, %get3A_192] {strides = array<i32>} : memref<3x3x640xf32, #tpu.memory_space<vmem>>, vector<16xf32>,
      %get3A_194 = arith.constant 1 : i32
      %get3A_195 = arith.constant 2 : i32
      %get3A_196 = arith.index_cast %get3A_194 : i32 to index
      %get3A_197 = arith.index_cast %get3A_195 : i32 to index
      %get3A_198 = arith.index_cast %mul3A_57 : i32 to index
      %get3A_199 = tpu.vector_load %arg14[%get3A_196, %get3A_197, %get3A_198] {strides = array<i32>} : memref<3x3x640xf32, #tpu.memory_space<vmem>>, vector<16xf32>,
      %neg3A_200 = arith.constant 0.000000e+00 : f32
      %neg3A_201 = vector.broadcast %neg3A_200 : f32 to vector<16xf32>
      %neg3A_202 = arith.subf %neg3A_201, %get3A_199 : vector<16xf32>
      %neg3A_203 = arith.constant 0.000000e+00 : f32
      %neg3A_204 = vector.broadcast %neg3A_203 : f32 to vector<16xf32>
      %neg3A_205 = arith.subf %neg3A_204, %get3A_193 : vector<16xf32>
      %div3A_206 = arith.divf %neg3A_205, %neg3A_202 : vector<16xf32>
      %mul3A_207 = arith.constant 2.480000e+02 : f32
      %mul3A_208 = vector.broadcast %mul3A_207 : f32 to vector<16xf32>
      %mul3A_209 = arith.mulf %mul3A_208, %div3A_206 : vector<16xf32>
      %add3A_210 = arith.constant 1.120000e+02 : f32
      %add3A_211 = vector.broadcast %add3A_210 : f32 to vector<16xf32>
      %add3A_212 = arith.addf %mul3A_209, %add3A_211 : vector<16xf32>
      %div3A_213 = arith.divf %get3A_187, %neg3A_202 : vector<16xf32>
      %mul3A_214 = arith.constant 2.480000e+02 : f32
      %mul3A_215 = vector.broadcast %mul3A_214 : f32 to vector<16xf32>
      %mul3A_216 = arith.mulf %mul3A_215, %div3A_213 : vector<16xf32>
      %add3A_217 = arith.constant 1.120000e+02 : f32
      %add3A_218 = vector.broadcast %add3A_217 : f32 to vector<16xf32>
      %add3A_219 = arith.addf %mul3A_216, %add3A_218 : vector<16xf32>
      %ne3A_220 = arith.cmpf one, %add3A_212, %add3A_212 : vector<16xf32>
      %select_n3A_221 = arith.select %ne3A_220, %broadcast_in_dim3A_46, %add3A_212 : vector<16xi1>, vector<16xf32>
      %ne3A_222 = arith.cmpf one, %add3A_219, %add3A_219 : vector<16xf32>
      %select_n3A_223 = arith.select %ne3A_222, %broadcast_in_dim3A_46, %add3A_219 : vector<16xi1>, vector<16xf32>
      %max3A_224 = arith.constant 0.000000e+00 : f32
      %max3A_225 = vector.broadcast %max3A_224 : f32 to vector<16xf32>
      %max3A_226 = arith.maximumf %select_n3A_221, %max3A_225 : vector<16xf32>
      %min3A_227 = arith.constant 2.230000e+02 : f32
      %min3A_228 = vector.broadcast %min3A_227 : f32 to vector<16xf32>
      %min3A_229 = arith.minimumf %max3A_226, %min3A_228 : vector<16xf32>
      %max3A_230 = arith.constant 0.000000e+00 : f32
      %max3A_231 = vector.broadcast %max3A_230 : f32 to vector<16xf32>
      %max3A_232 = arith.maximumf %select_n3A_223, %max3A_231 : vector<16xf32>
      %min3A_233 = arith.constant 2.230000e+02 : f32
      %min3A_234 = vector.broadcast %min3A_233 : f32 to vector<16xf32>
      %min3A_235 = arith.minimumf %max3A_232, %min3A_234 : vector<16xf32>
      %mul3A_236 = arith.constant 2.500000e-01 : f32
      %mul3A_237 = vector.broadcast %mul3A_236 : f32 to vector<16xf32>
      %mul3A_238 = arith.mulf %min3A_229, %mul3A_237 : vector<16xf32>
      %convert_element_type3A_239 = arith.fptosi %mul3A_238 : vector<16xf32> to vector<16xi32>
      %mul3A_240 = arith.constant 2.500000e-01 : f32
      %mul3A_241 = vector.broadcast %mul3A_240 : f32 to vector<16xf32>
      %mul3A_242 = arith.mulf %min3A_235, %mul3A_241 : vector<16xf32>
      %convert_element_type3A_243 = arith.fptosi %mul3A_242 : vector<16xf32> to vector<16xi32>
      %mul3A_244 = arith.constant 56 : i32
      %mul3A_245 = vector.broadcast %mul3A_244 : i32 to vector<16xi32>
      %mul3A_246 = arith.muli %convert_element_type3A_239, %mul3A_245 : vector<16xi32>
      %add3A_247 = arith.addi %mul3A_246, %convert_element_type3A_243 : vector<16xi32>
      %swap3A_248 = arith.constant 4 : i32
      %swap3A_249 = arith.index_cast %swap3A_248 : i32 to index
      %swap3A_250 = arith.constant 0 : index
      %swap3A_251 = tpu.vector_load %arg15[%swap3A_249, %swap3A_250] {strides = array<i32>} : memref<12x16xi32, #tpu.memory_space<vmem>>, vector<16xi32>,
      tpu.vector_store %arg15[%swap3A_249, %swap3A_250], %add3A_247 {strides = array<i32>} : memref<12x16xi32, #tpu.memory_space<vmem>>, vector<16xi32>,
      %mul3A_252 = arith.constant 1.250000e-01 : f32
      %mul3A_253 = vector.broadcast %mul3A_252 : f32 to vector<16xf32>
      %mul3A_254 = arith.mulf %min3A_229, %mul3A_253 : vector<16xf32>
      %convert_element_type3A_255 = arith.fptosi %mul3A_254 : vector<16xf32> to vector<16xi32>
      %mul3A_256 = arith.constant 1.250000e-01 : f32
      %mul3A_257 = vector.broadcast %mul3A_256 : f32 to vector<16xf32>
      %mul3A_258 = arith.mulf %min3A_235, %mul3A_257 : vector<16xf32>
      %convert_element_type3A_259 = arith.fptosi %mul3A_258 : vector<16xf32> to vector<16xi32>
      %mul3A_260 = arith.constant 28 : i32
      %mul3A_261 = vector.broadcast %mul3A_260 : i32 to vector<16xi32>
      %mul3A_262 = arith.muli %convert_element_type3A_255, %mul3A_261 : vector<16xi32>
      %add3A_263 = arith.addi %mul3A_262, %convert_element_type3A_259 : vector<16xi32>
      %swap3A_264 = arith.constant 5 : i32
      %swap3A_265 = arith.index_cast %swap3A_264 : i32 to index
      %swap3A_266 = arith.constant 0 : index
      %swap3A_267 = tpu.vector_load %arg15[%swap3A_265, %swap3A_266] {strides = array<i32>} : memref<12x16xi32, #tpu.memory_space<vmem>>, vector<16xi32>,
      tpu.vector_store %arg15[%swap3A_265, %swap3A_266], %add3A_263 {strides = array<i32>} : memref<12x16xi32, #tpu.memory_space<vmem>>, vector<16xi32>,
      %mul3A_268 = arith.constant 6.250000e-02 : f32
      %mul3A_269 = vector.broadcast %mul3A_268 : f32 to vector<16xf32>
      %mul3A_270 = arith.mulf %min3A_229, %mul3A_269 : vector<16xf32>
      %convert_element_type3A_271 = arith.fptosi %mul3A_270 : vector<16xf32> to vector<16xi32>
      %mul3A_272 = arith.constant 6.250000e-02 : f32
      %mul3A_273 = vector.broadcast %mul3A_272 : f32 to vector<16xf32>
      %mul3A_274 = arith.mulf %min3A_235, %mul3A_273 : vector<16xf32>
      %convert_element_type3A_275 = arith.fptosi %mul3A_274 : vector<16xf32> to vector<16xi32>
      %mul3A_276 = arith.constant 14 : i32
      %mul3A_277 = vector.broadcast %mul3A_276 : i32 to vector<16xi32>
      %mul3A_278 = arith.muli %convert_element_type3A_271, %mul3A_277 : vector<16xi32>
      %add3A_279 = arith.addi %mul3A_278, %convert_element_type3A_275 : vector<16xi32>
      %swap3A_280 = arith.constant 6 : i32
      %swap3A_281 = arith.index_cast %swap3A_280 : i32 to index
      %swap3A_282 = arith.constant 0 : index
      %swap3A_283 = tpu.vector_load %arg15[%swap3A_281, %swap3A_282] {strides = array<i32>} : memref<12x16xi32, #tpu.memory_space<vmem>>, vector<16xi32>,
      tpu.vector_store %arg15[%swap3A_281, %swap3A_282], %add3A_279 {strides = array<i32>} : memref<12x16xi32, #tpu.memory_space<vmem>>, vector<16xi32>,
      %mul3A_284 = arith.constant 3.125000e-02 : f32
      %mul3A_285 = vector.broadcast %mul3A_284 : f32 to vector<16xf32>
      %mul3A_286 = arith.mulf %min3A_229, %mul3A_285 : vector<16xf32>
      %convert_element_type3A_287 = arith.fptosi %mul3A_286 : vector<16xf32> to vector<16xi32>
      %mul3A_288 = arith.constant 3.125000e-02 : f32
      %mul3A_289 = vector.broadcast %mul3A_288 : f32 to vector<16xf32>
      %mul3A_290 = arith.mulf %min3A_235, %mul3A_289 : vector<16xf32>
      %convert_element_type3A_291 = arith.fptosi %mul3A_290 : vector<16xf32> to vector<16xi32>
      %mul3A_292 = arith.constant 7 : i32
      %mul3A_293 = vector.broadcast %mul3A_292 : i32 to vector<16xi32>
      %mul3A_294 = arith.muli %convert_element_type3A_287, %mul3A_293 : vector<16xi32>
      %add3A_295 = arith.addi %mul3A_294, %convert_element_type3A_291 : vector<16xi32>
      %swap3A_296 = arith.constant 7 : i32
      %swap3A_297 = arith.index_cast %swap3A_296 : i32 to index
      %swap3A_298 = arith.constant 0 : index
      %swap3A_299 = tpu.vector_load %arg15[%swap3A_297, %swap3A_298] {strides = array<i32>} : memref<12x16xi32, #tpu.memory_space<vmem>>, vector<16xi32>,
      tpu.vector_store %arg15[%swap3A_297, %swap3A_298], %add3A_295 {strides = array<i32>} : memref<12x16xi32, #tpu.memory_space<vmem>>, vector<16xi32>,
      %get3A_300 = arith.constant 2 : i32
      %get3A_301 = arith.constant 0 : i32
      %get3A_302 = arith.index_cast %get3A_300 : i32 to index
      %get3A_303 = arith.index_cast %get3A_301 : i32 to index
      %get3A_304 = arith.index_cast %mul3A_57 : i32 to index
      %get3A_305 = tpu.vector_load %arg14[%get3A_302, %get3A_303, %get3A_304] {strides = array<i32>} : memref<3x3x640xf32, #tpu.memory_space<vmem>>, vector<16xf32>,
      %get3A_306 = arith.constant 2 : i32
      %get3A_307 = arith.constant 1 : i32
      %get3A_308 = arith.index_cast %get3A_306 : i32 to index
      %get3A_309 = arith.index_cast %get3A_307 : i32 to index
      %get3A_310 = arith.index_cast %mul3A_57 : i32 to index
      %get3A_311 = tpu.vector_load %arg14[%get3A_308, %get3A_309, %get3A_310] {strides = array<i32>} : memref<3x3x640xf32, #tpu.memory_space<vmem>>, vector<16xf32>,
      %get3A_312 = arith.constant 2 : i32
      %get3A_313 = arith.constant 2 : i32
      %get3A_314 = arith.index_cast %get3A_312 : i32 to index
      %get3A_315 = arith.index_cast %get3A_313 : i32 to index
      %get3A_316 = arith.index_cast %mul3A_57 : i32 to index
      %get3A_317 = tpu.vector_load %arg14[%get3A_314, %get3A_315, %get3A_316] {strides = array<i32>} : memref<3x3x640xf32, #tpu.memory_space<vmem>>, vector<16xf32>,
      %neg3A_318 = arith.constant 0.000000e+00 : f32
      %neg3A_319 = vector.broadcast %neg3A_318 : f32 to vector<16xf32>
      %neg3A_320 = arith.subf %neg3A_319, %get3A_317 : vector<16xf32>
      %neg3A_321 = arith.constant 0.000000e+00 : f32
      %neg3A_322 = vector.broadcast %neg3A_321 : f32 to vector<16xf32>
      %neg3A_323 = arith.subf %neg3A_322, %get3A_311 : vector<16xf32>
      %div3A_324 = arith.divf %neg3A_323, %neg3A_320 : vector<16xf32>
      %mul3A_325 = arith.constant 2.480000e+02 : f32
      %mul3A_326 = vector.broadcast %mul3A_325 : f32 to vector<16xf32>
      %mul3A_327 = arith.mulf %mul3A_326, %div3A_324 : vector<16xf32>
      %add3A_328 = arith.constant 1.120000e+02 : f32
      %add3A_329 = vector.broadcast %add3A_328 : f32 to vector<16xf32>
      %add3A_330 = arith.addf %mul3A_327, %add3A_329 : vector<16xf32>
      %div3A_331 = arith.divf %get3A_305, %neg3A_320 : vector<16xf32>
      %mul3A_332 = arith.constant 2.480000e+02 : f32
      %mul3A_333 = vector.broadcast %mul3A_332 : f32 to vector<16xf32>
      %mul3A_334 = arith.mulf %mul3A_333, %div3A_331 : vector<16xf32>
      %add3A_335 = arith.constant 1.120000e+02 : f32
      %add3A_336 = vector.broadcast %add3A_335 : f32 to vector<16xf32>
      %add3A_337 = arith.addf %mul3A_334, %add3A_336 : vector<16xf32>
      %ne3A_338 = arith.cmpf one, %add3A_330, %add3A_330 : vector<16xf32>
      %select_n3A_339 = arith.select %ne3A_338, %broadcast_in_dim3A_46, %add3A_330 : vector<16xi1>, vector<16xf32>
      %ne3A_340 = arith.cmpf one, %add3A_337, %add3A_337 : vector<16xf32>
      %select_n3A_341 = arith.select %ne3A_340, %broadcast_in_dim3A_46, %add3A_337 : vector<16xi1>, vector<16xf32>
      %max3A_342 = arith.constant 0.000000e+00 : f32
      %max3A_343 = vector.broadcast %max3A_342 : f32 to vector<16xf32>
      %max3A_344 = arith.maximumf %select_n3A_339, %max3A_343 : vector<16xf32>
      %min3A_345 = arith.constant 2.230000e+02 : f32
      %min3A_346 = vector.broadcast %min3A_345 : f32 to vector<16xf32>
      %min3A_347 = arith.minimumf %max3A_344, %min3A_346 : vector<16xf32>
      %max3A_348 = arith.constant 0.000000e+00 : f32
      %max3A_349 = vector.broadcast %max3A_348 : f32 to vector<16xf32>
      %max3A_350 = arith.maximumf %select_n3A_341, %max3A_349 : vector<16xf32>
      %min3A_351 = arith.constant 2.230000e+02 : f32
      %min3A_352 = vector.broadcast %min3A_351 : f32 to vector<16xf32>
      %min3A_353 = arith.minimumf %max3A_350, %min3A_352 : vector<16xf32>
      %mul3A_354 = arith.constant 2.500000e-01 : f32
      %mul3A_355 = vector.broadcast %mul3A_354 : f32 to vector<16xf32>
      %mul3A_356 = arith.mulf %min3A_347, %mul3A_355 : vector<16xf32>
      %convert_element_type3A_357 = arith.fptosi %mul3A_356 : vector<16xf32> to vector<16xi32>
      %mul3A_358 = arith.constant 2.500000e-01 : f32
      %mul3A_359 = vector.broadcast %mul3A_358 : f32 to vector<16xf32>
      %mul3A_360 = arith.mulf %min3A_353, %mul3A_359 : vector<16xf32>
      %convert_element_type3A_361 = arith.fptosi %mul3A_360 : vector<16xf32> to vector<16xi32>
      %mul3A_362 = arith.constant 56 : i32
      %mul3A_363 = vector.broadcast %mul3A_362 : i32 to vector<16xi32>
      %mul3A_364 = arith.muli %convert_element_type3A_357, %mul3A_363 : vector<16xi32>
      %add3A_365 = arith.addi %mul3A_364, %convert_element_type3A_361 : vector<16xi32>
      %swap3A_366 = arith.constant 8 : i32
      %swap3A_367 = arith.index_cast %swap3A_366 : i32 to index
      %swap3A_368 = arith.constant 0 : index
      %swap3A_369 = tpu.vector_load %arg15[%swap3A_367, %swap3A_368] {strides = array<i32>} : memref<12x16xi32, #tpu.memory_space<vmem>>, vector<16xi32>,
      tpu.vector_store %arg15[%swap3A_367, %swap3A_368], %add3A_365 {strides = array<i32>} : memref<12x16xi32, #tpu.memory_space<vmem>>, vector<16xi32>,
      %mul3A_370 = arith.constant 1.250000e-01 : f32
      %mul3A_371 = vector.broadcast %mul3A_370 : f32 to vector<16xf32>
      %mul3A_372 = arith.mulf %min3A_347, %mul3A_371 : vector<16xf32>
      %convert_element_type3A_373 = arith.fptosi %mul3A_372 : vector<16xf32> to vector<16xi32>
      %mul3A_374 = arith.constant 1.250000e-01 : f32
      %mul3A_375 = vector.broadcast %mul3A_374 : f32 to vector<16xf32>
      %mul3A_376 = arith.mulf %min3A_353, %mul3A_375 : vector<16xf32>
      %convert_element_type3A_377 = arith.fptosi %mul3A_376 : vector<16xf32> to vector<16xi32>
      %mul3A_378 = arith.constant 28 : i32
      %mul3A_379 = vector.broadcast %mul3A_378 : i32 to vector<16xi32>
      %mul3A_380 = arith.muli %convert_element_type3A_373, %mul3A_379 : vector<16xi32>
      %add3A_381 = arith.addi %mul3A_380, %convert_element_type3A_377 : vector<16xi32>
      %swap3A_382 = arith.constant 9 : i32
      %swap3A_383 = arith.index_cast %swap3A_382 : i32 to index
      %swap3A_384 = arith.constant 0 : index
      %swap3A_385 = tpu.vector_load %arg15[%swap3A_383, %swap3A_384] {strides = array<i32>} : memref<12x16xi32, #tpu.memory_space<vmem>>, vector<16xi32>,
      tpu.vector_store %arg15[%swap3A_383, %swap3A_384], %add3A_381 {strides = array<i32>} : memref<12x16xi32, #tpu.memory_space<vmem>>, vector<16xi32>,
      %mul3A_386 = arith.constant 6.250000e-02 : f32
      %mul3A_387 = vector.broadcast %mul3A_386 : f32 to vector<16xf32>
      %mul3A_388 = arith.mulf %min3A_347, %mul3A_387 : vector<16xf32>
      %convert_element_type3A_389 = arith.fptosi %mul3A_388 : vector<16xf32> to vector<16xi32>
      %mul3A_390 = arith.constant 6.250000e-02 : f32
      %mul3A_391 = vector.broadcast %mul3A_390 : f32 to vector<16xf32>
      %mul3A_392 = arith.mulf %min3A_353, %mul3A_391 : vector<16xf32>
      %convert_element_type3A_393 = arith.fptosi %mul3A_392 : vector<16xf32> to vector<16xi32>
      %mul3A_394 = arith.constant 14 : i32
      %mul3A_395 = vector.broadcast %mul3A_394 : i32 to vector<16xi32>
      %mul3A_396 = arith.muli %convert_element_type3A_389, %mul3A_395 : vector<16xi32>
      %add3A_397 = arith.addi %mul3A_396, %convert_element_type3A_393 : vector<16xi32>
      %swap3A_398 = arith.constant 10 : i32
      %swap3A_399 = arith.index_cast %swap3A_398 : i32 to index
      %swap3A_400 = arith.constant 0 : index
      %swap3A_401 = tpu.vector_load %arg15[%swap3A_399, %swap3A_400] {strides = array<i32>} : memref<12x16xi32, #tpu.memory_space<vmem>>, vector<16xi32>,
      tpu.vector_store %arg15[%swap3A_399, %swap3A_400], %add3A_397 {strides = array<i32>} : memref<12x16xi32, #tpu.memory_space<vmem>>, vector<16xi32>,
      %mul3A_402 = arith.constant 3.125000e-02 : f32
      %mul3A_403 = vector.broadcast %mul3A_402 : f32 to vector<16xf32>
      %mul3A_404 = arith.mulf %min3A_347, %mul3A_403 : vector<16xf32>
      %convert_element_type3A_405 = arith.fptosi %mul3A_404 : vector<16xf32> to vector<16xi32>
      %mul3A_406 = arith.constant 3.125000e-02 : f32
      %mul3A_407 = vector.broadcast %mul3A_406 : f32 to vector<16xf32>
      %mul3A_408 = arith.mulf %min3A_353, %mul3A_407 : vector<16xf32>
      %convert_element_type3A_409 = arith.fptosi %mul3A_408 : vector<16xf32> to vector<16xi32>
      %mul3A_410 = arith.constant 7 : i32
      %mul3A_411 = vector.broadcast %mul3A_410 : i32 to vector<16xi32>
      %mul3A_412 = arith.muli %convert_element_type3A_405, %mul3A_411 : vector<16xi32>
      %add3A_413 = arith.addi %mul3A_412, %convert_element_type3A_409 : vector<16xi32>
      %swap3A_414 = arith.constant 11 : i32
      %swap3A_415 = arith.index_cast %swap3A_414 : i32 to index
      %swap3A_416 = arith.constant 0 : index
      %swap3A_417 = tpu.vector_load %arg15[%swap3A_415, %swap3A_416] {strides = array<i32>} : memref<12x16xi32, #tpu.memory_space<vmem>>, vector<16xi32>,
      tpu.vector_store %arg15[%swap3A_415, %swap3A_416], %add3A_413 {strides = array<i32>} : memref<12x16xi32, #tpu.memory_space<vmem>>, vector<16xi32>,
      %dma_start3A = arith.constant 0 : i32
      %dma_start3A_418 = arith.constant 0 : i32
      %dma_start3A_419 = arith.constant 0 : i32
      %dma_start3A_420 = arith.constant 0 : i32
      %dma_start3A_421 = tpu.memref_slice %arg16[%dma_start3A_418, %dma_start3A_419, %dma_start3A_420] : memref<3x16x64xf32, #tpu.memory_space<vmem>> -> memref<1x16x64xf32, #tpu.memory_space<vmem>>
      %dma_start3A_422 = tpu.memref_squeeze %dma_start3A_421 : memref<1x16x64xf32, #tpu.memory_space<vmem>> -> memref<16x64xf32, #tpu.memory_space<vmem>>
      %dma_start3A_423 = arith.constant 0 : i32
      %dma_start3A_424 = tpu.memref_slice %arg15[%dma_start3A, %dma_start3A_423] : memref<12x16xi32, #tpu.memory_space<vmem>> -> memref<1x16xi32, #tpu.memory_space<vmem>>
      %dma_start3A_425 = tpu.memref_squeeze %dma_start3A_424 : memref<1x16xi32, #tpu.memory_space<vmem>> -> memref<16xi32, #tpu.memory_space<vmem>>
      %dma_start3A_426 = arith.constant 0 : i32
      %dma_start3A_427 = arith.constant 0 : i32
      %dma_start3A_428 = tpu.memref_slice %arg6[%dma_start3A_426, %dma_start3A_427] : memref<3136x64xf32, #tpu.memory_space<hbm>> -> memref<3136x64xf32, #tpu.memory_space<hbm>>
      tpu.enqueue_indirect_dma source(%dma_start3A_428 : memref<3136x64xf32, #tpu.memory_space<hbm>>) target(%dma_start3A_422 : memref<16x64xf32, #tpu.memory_space<vmem>>) offsets(%dma_start3A_425 : memref<16xi32, #tpu.memory_space<vmem>>) semaphore(%arg21 : memref<!tpu.dma_semaphore, #tpu.memory_space<semaphore_mem>>)
      %dma_start3A_429 = arith.constant 1 : i32
      %dma_start3A_430 = arith.constant 0 : i32
      %dma_start3A_431 = arith.constant 0 : i32
      %dma_start3A_432 = arith.constant 0 : i32
      %dma_start3A_433 = tpu.memref_slice %arg17[%dma_start3A_430, %dma_start3A_431, %dma_start3A_432] : memref<3x16x128xf32, #tpu.memory_space<vmem>> -> memref<1x16x128xf32, #tpu.memory_space<vmem>>
      %dma_start3A_434 = tpu.memref_squeeze %dma_start3A_433 : memref<1x16x128xf32, #tpu.memory_space<vmem>> -> memref<16x128xf32, #tpu.memory_space<vmem>>
      %dma_start3A_435 = arith.constant 0 : i32
      %dma_start3A_436 = tpu.memref_slice %arg15[%dma_start3A_429, %dma_start3A_435] : memref<12x16xi32, #tpu.memory_space<vmem>> -> memref<1x16xi32, #tpu.memory_space<vmem>>
      %dma_start3A_437 = tpu.memref_squeeze %dma_start3A_436 : memref<1x16xi32, #tpu.memory_space<vmem>> -> memref<16xi32, #tpu.memory_space<vmem>>
      %dma_start3A_438 = arith.constant 0 : i32
      %dma_start3A_439 = arith.constant 0 : i32
      %dma_start3A_440 = tpu.memref_slice %arg7[%dma_start3A_438, %dma_start3A_439] : memref<784x128xf32, #tpu.memory_space<hbm>> -> memref<784x128xf32, #tpu.memory_space<hbm>>
      tpu.enqueue_indirect_dma source(%dma_start3A_440 : memref<784x128xf32, #tpu.memory_space<hbm>>) target(%dma_start3A_434 : memref<16x128xf32, #tpu.memory_space<vmem>>) offsets(%dma_start3A_437 : memref<16xi32, #tpu.memory_space<vmem>>) semaphore(%arg21 : memref<!tpu.dma_semaphore, #tpu.memory_space<semaphore_mem>>)
      %dma_start3A_441 = arith.constant 2 : i32
      %dma_start3A_442 = arith.constant 0 : i32
      %dma_start3A_443 = arith.constant 0 : i32
      %dma_start3A_444 = arith.constant 0 : i32
      %dma_start3A_445 = tpu.memref_slice %arg18[%dma_start3A_442, %dma_start3A_443, %dma_start3A_444] : memref<3x16x256xf32, #tpu.memory_space<vmem>> -> memref<1x16x256xf32, #tpu.memory_space<vmem>>
      %dma_start3A_446 = tpu.memref_squeeze %dma_start3A_445 : memref<1x16x256xf32, #tpu.memory_space<vmem>> -> memref<16x256xf32, #tpu.memory_space<vmem>>
      %dma_start3A_447 = arith.constant 0 : i32
      %dma_start3A_448 = tpu.memref_slice %arg15[%dma_start3A_441, %dma_start3A_447] : memref<12x16xi32, #tpu.memory_space<vmem>> -> memref<1x16xi32, #tpu.memory_space<vmem>>
      %dma_start3A_449 = tpu.memref_squeeze %dma_start3A_448 : memref<1x16xi32, #tpu.memory_space<vmem>> -> memref<16xi32, #tpu.memory_space<vmem>>
      %dma_start3A_450 = arith.constant 0 : i32
      %dma_start3A_451 = arith.constant 0 : i32
      %dma_start3A_452 = tpu.memref_slice %arg8[%dma_start3A_450, %dma_start3A_451] : memref<196x256xf32, #tpu.memory_space<hbm>> -> memref<196x256xf32, #tpu.memory_space<hbm>>
      tpu.enqueue_indirect_dma source(%dma_start3A_452 : memref<196x256xf32, #tpu.memory_space<hbm>>) target(%dma_start3A_446 : memref<16x256xf32, #tpu.memory_space<vmem>>) offsets(%dma_start3A_449 : memref<16xi32, #tpu.memory_space<vmem>>) semaphore(%arg21 : memref<!tpu.dma_semaphore, #tpu.memory_space<semaphore_mem>>)
      %dma_start3A_453 = arith.constant 3 : i32
      %dma_start3A_454 = arith.constant 0 : i32
      %dma_start3A_455 = arith.constant 0 : i32
      %dma_start3A_456 = arith.constant 0 : i32
      %dma_start3A_457 = tpu.memref_slice %arg19[%dma_start3A_454, %dma_start3A_455, %dma_start3A_456] : memref<3x16x512xf32, #tpu.memory_space<vmem>> -> memref<1x16x512xf32, #tpu.memory_space<vmem>>
      %dma_start3A_458 = tpu.memref_squeeze %dma_start3A_457 : memref<1x16x512xf32, #tpu.memory_space<vmem>> -> memref<16x512xf32, #tpu.memory_space<vmem>>
      %dma_start3A_459 = arith.constant 0 : i32
      %dma_start3A_460 = tpu.memref_slice %arg15[%dma_start3A_453, %dma_start3A_459] : memref<12x16xi32, #tpu.memory_space<vmem>> -> memref<1x16xi32, #tpu.memory_space<vmem>>
      %dma_start3A_461 = tpu.memref_squeeze %dma_start3A_460 : memref<1x16xi32, #tpu.memory_space<vmem>> -> memref<16xi32, #tpu.memory_space<vmem>>
      %dma_start3A_462 = arith.constant 0 : i32
      %dma_start3A_463 = arith.constant 0 : i32
      %dma_start3A_464 = tpu.memref_slice %arg9[%dma_start3A_462, %dma_start3A_463] : memref<49x512xf32, #tpu.memory_space<hbm>> -> memref<49x512xf32, #tpu.memory_space<hbm>>
      tpu.enqueue_indirect_dma source(%dma_start3A_464 : memref<49x512xf32, #tpu.memory_space<hbm>>) target(%dma_start3A_458 : memref<16x512xf32, #tpu.memory_space<vmem>>) offsets(%dma_start3A_461 : memref<16xi32, #tpu.memory_space<vmem>>) semaphore(%arg21 : memref<!tpu.dma_semaphore, #tpu.memory_space<semaphore_mem>>)
      %dma_start3A_465 = arith.constant 4 : i32
      %dma_start3A_466 = arith.constant 1 : i32
      %dma_start3A_467 = arith.constant 0 : i32
      %dma_start3A_468 = arith.constant 0 : i32
      %dma_start3A_469 = tpu.memref_slice %arg16[%dma_start3A_466, %dma_start3A_467, %dma_start3A_468] : memref<3x16x64xf32, #tpu.memory_space<vmem>> -> memref<1x16x64xf32, #tpu.memory_space<vmem>>
      %dma_start3A_470 = tpu.memref_squeeze %dma_start3A_469 : memref<1x16x64xf32, #tpu.memory_space<vmem>> -> memref<16x64xf32, #tpu.memory_space<vmem>>
      %dma_start3A_471 = arith.constant 0 : i32
      %dma_start3A_472 = tpu.memref_slice %arg15[%dma_start3A_465, %dma_start3A_471] : memref<12x16xi32, #tpu.memory_space<vmem>> -> memref<1x16xi32, #tpu.memory_space<vmem>>
      %dma_start3A_473 = tpu.memref_squeeze %dma_start3A_472 : memref<1x16xi32, #tpu.memory_space<vmem>> -> memref<16xi32, #tpu.memory_space<vmem>>
      %dma_start3A_474 = arith.constant 0 : i32
      %dma_start3A_475 = arith.constant 0 : i32
      %dma_start3A_476 = tpu.memref_slice %arg6[%dma_start3A_474, %dma_start3A_475] : memref<3136x64xf32, #tpu.memory_space<hbm>> -> memref<3136x64xf32, #tpu.memory_space<hbm>>
      tpu.enqueue_indirect_dma source(%dma_start3A_476 : memref<3136x64xf32, #tpu.memory_space<hbm>>) target(%dma_start3A_470 : memref<16x64xf32, #tpu.memory_space<vmem>>) offsets(%dma_start3A_473 : memref<16xi32, #tpu.memory_space<vmem>>) semaphore(%arg21 : memref<!tpu.dma_semaphore, #tpu.memory_space<semaphore_mem>>)
      %dma_start3A_477 = arith.constant 5 : i32
      %dma_start3A_478 = arith.constant 1 : i32
      %dma_start3A_479 = arith.constant 0 : i32
      %dma_start3A_480 = arith.constant 0 : i32
      %dma_start3A_481 = tpu.memref_slice %arg17[%dma_start3A_478, %dma_start3A_479, %dma_start3A_480] : memref<3x16x128xf32, #tpu.memory_space<vmem>> -> memref<1x16x128xf32, #tpu.memory_space<vmem>>
      %dma_start3A_482 = tpu.memref_squeeze %dma_start3A_481 : memref<1x16x128xf32, #tpu.memory_space<vmem>> -> memref<16x128xf32, #tpu.memory_space<vmem>>
      %dma_start3A_483 = arith.constant 0 : i32
      %dma_start3A_484 = tpu.memref_slice %arg15[%dma_start3A_477, %dma_start3A_483] : memref<12x16xi32, #tpu.memory_space<vmem>> -> memref<1x16xi32, #tpu.memory_space<vmem>>
      %dma_start3A_485 = tpu.memref_squeeze %dma_start3A_484 : memref<1x16xi32, #tpu.memory_space<vmem>> -> memref<16xi32, #tpu.memory_space<vmem>>
      %dma_start3A_486 = arith.constant 0 : i32
      %dma_start3A_487 = arith.constant 0 : i32
      %dma_start3A_488 = tpu.memref_slice %arg7[%dma_start3A_486, %dma_start3A_487] : memref<784x128xf32, #tpu.memory_space<hbm>> -> memref<784x128xf32, #tpu.memory_space<hbm>>
      tpu.enqueue_indirect_dma source(%dma_start3A_488 : memref<784x128xf32, #tpu.memory_space<hbm>>) target(%dma_start3A_482 : memref<16x128xf32, #tpu.memory_space<vmem>>) offsets(%dma_start3A_485 : memref<16xi32, #tpu.memory_space<vmem>>) semaphore(%arg21 : memref<!tpu.dma_semaphore, #tpu.memory_space<semaphore_mem>>)
      %dma_start3A_489 = arith.constant 6 : i32
      %dma_start3A_490 = arith.constant 1 : i32
      %dma_start3A_491 = arith.constant 0 : i32
      %dma_start3A_492 = arith.constant 0 : i32
      %dma_start3A_493 = tpu.memref_slice %arg18[%dma_start3A_490, %dma_start3A_491, %dma_start3A_492] : memref<3x16x256xf32, #tpu.memory_space<vmem>> -> memref<1x16x256xf32, #tpu.memory_space<vmem>>
      %dma_start3A_494 = tpu.memref_squeeze %dma_start3A_493 : memref<1x16x256xf32, #tpu.memory_space<vmem>> -> memref<16x256xf32, #tpu.memory_space<vmem>>
      %dma_start3A_495 = arith.constant 0 : i32
      %dma_start3A_496 = tpu.memref_slice %arg15[%dma_start3A_489, %dma_start3A_495] : memref<12x16xi32, #tpu.memory_space<vmem>> -> memref<1x16xi32, #tpu.memory_space<vmem>>
      %dma_start3A_497 = tpu.memref_squeeze %dma_start3A_496 : memref<1x16xi32, #tpu.memory_space<vmem>> -> memref<16xi32, #tpu.memory_space<vmem>>
      %dma_start3A_498 = arith.constant 0 : i32
      %dma_start3A_499 = arith.constant 0 : i32
      %dma_start3A_500 = tpu.memref_slice %arg8[%dma_start3A_498, %dma_start3A_499] : memref<196x256xf32, #tpu.memory_space<hbm>> -> memref<196x256xf32, #tpu.memory_space<hbm>>
      tpu.enqueue_indirect_dma source(%dma_start3A_500 : memref<196x256xf32, #tpu.memory_space<hbm>>) target(%dma_start3A_494 : memref<16x256xf32, #tpu.memory_space<vmem>>) offsets(%dma_start3A_497 : memref<16xi32, #tpu.memory_space<vmem>>) semaphore(%arg21 : memref<!tpu.dma_semaphore, #tpu.memory_space<semaphore_mem>>)
      %dma_start3A_501 = arith.constant 7 : i32
      %dma_start3A_502 = arith.constant 1 : i32
      %dma_start3A_503 = arith.constant 0 : i32
      %dma_start3A_504 = arith.constant 0 : i32
      %dma_start3A_505 = tpu.memref_slice %arg19[%dma_start3A_502, %dma_start3A_503, %dma_start3A_504] : memref<3x16x512xf32, #tpu.memory_space<vmem>> -> memref<1x16x512xf32, #tpu.memory_space<vmem>>
      %dma_start3A_506 = tpu.memref_squeeze %dma_start3A_505 : memref<1x16x512xf32, #tpu.memory_space<vmem>> -> memref<16x512xf32, #tpu.memory_space<vmem>>
      %dma_start3A_507 = arith.constant 0 : i32
      %dma_start3A_508 = tpu.memref_slice %arg15[%dma_start3A_501, %dma_start3A_507] : memref<12x16xi32, #tpu.memory_space<vmem>> -> memref<1x16xi32, #tpu.memory_space<vmem>>
      %dma_start3A_509 = tpu.memref_squeeze %dma_start3A_508 : memref<1x16xi32, #tpu.memory_space<vmem>> -> memref<16xi32, #tpu.memory_space<vmem>>
      %dma_start3A_510 = arith.constant 0 : i32
      %dma_start3A_511 = arith.constant 0 : i32
      %dma_start3A_512 = tpu.memref_slice %arg9[%dma_start3A_510, %dma_start3A_511] : memref<49x512xf32, #tpu.memory_space<hbm>> -> memref<49x512xf32, #tpu.memory_space<hbm>>
      tpu.enqueue_indirect_dma source(%dma_start3A_512 : memref<49x512xf32, #tpu.memory_space<hbm>>) target(%dma_start3A_506 : memref<16x512xf32, #tpu.memory_space<vmem>>) offsets(%dma_start3A_509 : memref<16xi32, #tpu.memory_space<vmem>>) semaphore(%arg21 : memref<!tpu.dma_semaphore, #tpu.memory_space<semaphore_mem>>)
      %dma_start3A_513 = arith.constant 8 : i32
      %dma_start3A_514 = arith.constant 2 : i32
      %dma_start3A_515 = arith.constant 0 : i32
      %dma_start3A_516 = arith.constant 0 : i32
      %dma_start3A_517 = tpu.memref_slice %arg16[%dma_start3A_514, %dma_start3A_515, %dma_start3A_516] : memref<3x16x64xf32, #tpu.memory_space<vmem>> -> memref<1x16x64xf32, #tpu.memory_space<vmem>>
      %dma_start3A_518 = tpu.memref_squeeze %dma_start3A_517 : memref<1x16x64xf32, #tpu.memory_space<vmem>> -> memref<16x64xf32, #tpu.memory_space<vmem>>
      %dma_start3A_519 = arith.constant 0 : i32
      %dma_start3A_520 = tpu.memref_slice %arg15[%dma_start3A_513, %dma_start3A_519] : memref<12x16xi32, #tpu.memory_space<vmem>> -> memref<1x16xi32, #tpu.memory_space<vmem>>
      %dma_start3A_521 = tpu.memref_squeeze %dma_start3A_520 : memref<1x16xi32, #tpu.memory_space<vmem>> -> memref<16xi32, #tpu.memory_space<vmem>>
      %dma_start3A_522 = arith.constant 0 : i32
      %dma_start3A_523 = arith.constant 0 : i32
      %dma_start3A_524 = tpu.memref_slice %arg6[%dma_start3A_522, %dma_start3A_523] : memref<3136x64xf32, #tpu.memory_space<hbm>> -> memref<3136x64xf32, #tpu.memory_space<hbm>>
      tpu.enqueue_indirect_dma source(%dma_start3A_524 : memref<3136x64xf32, #tpu.memory_space<hbm>>) target(%dma_start3A_518 : memref<16x64xf32, #tpu.memory_space<vmem>>) offsets(%dma_start3A_521 : memref<16xi32, #tpu.memory_space<vmem>>) semaphore(%arg21 : memref<!tpu.dma_semaphore, #tpu.memory_space<semaphore_mem>>)
      %dma_start3A_525 = arith.constant 9 : i32
      %dma_start3A_526 = arith.constant 2 : i32
      %dma_start3A_527 = arith.constant 0 : i32
      %dma_start3A_528 = arith.constant 0 : i32
      %dma_start3A_529 = tpu.memref_slice %arg17[%dma_start3A_526, %dma_start3A_527, %dma_start3A_528] : memref<3x16x128xf32, #tpu.memory_space<vmem>> -> memref<1x16x128xf32, #tpu.memory_space<vmem>>
      %dma_start3A_530 = tpu.memref_squeeze %dma_start3A_529 : memref<1x16x128xf32, #tpu.memory_space<vmem>> -> memref<16x128xf32, #tpu.memory_space<vmem>>
      %dma_start3A_531 = arith.constant 0 : i32
      %dma_start3A_532 = tpu.memref_slice %arg15[%dma_start3A_525, %dma_start3A_531] : memref<12x16xi32, #tpu.memory_space<vmem>> -> memref<1x16xi32, #tpu.memory_space<vmem>>
      %dma_start3A_533 = tpu.memref_squeeze %dma_start3A_532 : memref<1x16xi32, #tpu.memory_space<vmem>> -> memref<16xi32, #tpu.memory_space<vmem>>
      %dma_start3A_534 = arith.constant 0 : i32
      %dma_start3A_535 = arith.constant 0 : i32
      %dma_start3A_536 = tpu.memref_slice %arg7[%dma_start3A_534, %dma_start3A_535] : memref<784x128xf32, #tpu.memory_space<hbm>> -> memref<784x128xf32, #tpu.memory_space<hbm>>
      tpu.enqueue_indirect_dma source(%dma_start3A_536 : memref<784x128xf32, #tpu.memory_space<hbm>>) target(%dma_start3A_530 : memref<16x128xf32, #tpu.memory_space<vmem>>) offsets(%dma_start3A_533 : memref<16xi32, #tpu.memory_space<vmem>>) semaphore(%arg21 : memref<!tpu.dma_semaphore, #tpu.memory_space<semaphore_mem>>)
      %dma_start3A_537 = arith.constant 10 : i32
      %dma_start3A_538 = arith.constant 2 : i32
      %dma_start3A_539 = arith.constant 0 : i32
      %dma_start3A_540 = arith.constant 0 : i32
      %dma_start3A_541 = tpu.memref_slice %arg18[%dma_start3A_538, %dma_start3A_539, %dma_start3A_540] : memref<3x16x256xf32, #tpu.memory_space<vmem>> -> memref<1x16x256xf32, #tpu.memory_space<vmem>>
      %dma_start3A_542 = tpu.memref_squeeze %dma_start3A_541 : memref<1x16x256xf32, #tpu.memory_space<vmem>> -> memref<16x256xf32, #tpu.memory_space<vmem>>
      %dma_start3A_543 = arith.constant 0 : i32
      %dma_start3A_544 = tpu.memref_slice %arg15[%dma_start3A_537, %dma_start3A_543] : memref<12x16xi32, #tpu.memory_space<vmem>> -> memref<1x16xi32, #tpu.memory_space<vmem>>
      %dma_start3A_545 = tpu.memref_squeeze %dma_start3A_544 : memref<1x16xi32, #tpu.memory_space<vmem>> -> memref<16xi32, #tpu.memory_space<vmem>>
      %dma_start3A_546 = arith.constant 0 : i32
      %dma_start3A_547 = arith.constant 0 : i32
      %dma_start3A_548 = tpu.memref_slice %arg8[%dma_start3A_546, %dma_start3A_547] : memref<196x256xf32, #tpu.memory_space<hbm>> -> memref<196x256xf32, #tpu.memory_space<hbm>>
      tpu.enqueue_indirect_dma source(%dma_start3A_548 : memref<196x256xf32, #tpu.memory_space<hbm>>) target(%dma_start3A_542 : memref<16x256xf32, #tpu.memory_space<vmem>>) offsets(%dma_start3A_545 : memref<16xi32, #tpu.memory_space<vmem>>) semaphore(%arg21 : memref<!tpu.dma_semaphore, #tpu.memory_space<semaphore_mem>>)
      %dma_start3A_549 = arith.constant 11 : i32
      %dma_start3A_550 = arith.constant 2 : i32
      %dma_start3A_551 = arith.constant 0 : i32
      %dma_start3A_552 = arith.constant 0 : i32
      %dma_start3A_553 = tpu.memref_slice %arg19[%dma_start3A_550, %dma_start3A_551, %dma_start3A_552] : memref<3x16x512xf32, #tpu.memory_space<vmem>> -> memref<1x16x512xf32, #tpu.memory_space<vmem>>
      %dma_start3A_554 = tpu.memref_squeeze %dma_start3A_553 : memref<1x16x512xf32, #tpu.memory_space<vmem>> -> memref<16x512xf32, #tpu.memory_space<vmem>>
      %dma_start3A_555 = arith.constant 0 : i32
      %dma_start3A_556 = tpu.memref_slice %arg15[%dma_start3A_549, %dma_start3A_555] : memref<12x16xi32, #tpu.memory_space<vmem>> -> memref<1x16xi32, #tpu.memory_space<vmem>>
      %dma_start3A_557 = tpu.memref_squeeze %dma_start3A_556 : memref<1x16xi32, #tpu.memory_space<vmem>> -> memref<16xi32, #tpu.memory_space<vmem>>
      %dma_start3A_558 = arith.constant 0 : i32
      %dma_start3A_559 = arith.constant 0 : i32
      %dma_start3A_560 = tpu.memref_slice %arg9[%dma_start3A_558, %dma_start3A_559] : memref<49x512xf32, #tpu.memory_space<hbm>> -> memref<49x512xf32, #tpu.memory_space<hbm>>
      tpu.enqueue_indirect_dma source(%dma_start3A_560 : memref<49x512xf32, #tpu.memory_space<hbm>>) target(%dma_start3A_554 : memref<16x512xf32, #tpu.memory_space<vmem>>) offsets(%dma_start3A_557 : memref<16xi32, #tpu.memory_space<vmem>>) semaphore(%arg21 : memref<!tpu.dma_semaphore, #tpu.memory_space<semaphore_mem>>)
      %dma_wait3A = arith.constant 0 : i32
      %dma_wait3A_561 = arith.constant 0 : i32
      %dma_wait3A_562 = arith.constant 0 : i32
      %dma_wait3A_563 = arith.constant 0 : i32
      %dma_wait3A_564 = tpu.memref_slice %arg16[%dma_wait3A_561, %dma_wait3A_562, %dma_wait3A_563] : memref<3x16x64xf32, #tpu.memory_space<vmem>> -> memref<1x16x64xf32, #tpu.memory_space<vmem>>
      %dma_wait3A_565 = tpu.memref_squeeze %dma_wait3A_564 : memref<1x16x64xf32, #tpu.memory_space<vmem>> -> memref<16x64xf32, #tpu.memory_space<vmem>>
      %dma_wait3A_566 = arith.constant 0 : i32
      %dma_wait3A_567 = tpu.memref_slice %arg15[%dma_wait3A, %dma_wait3A_566] : memref<12x16xi32, #tpu.memory_space<vmem>> -> memref<1x16xi32, #tpu.memory_space<vmem>>
      %dma_wait3A_568 = tpu.memref_squeeze %dma_wait3A_567 : memref<1x16xi32, #tpu.memory_space<vmem>> -> memref<16xi32, #tpu.memory_space<vmem>>
      %dma_wait3A_569 = arith.constant 0 : i32
      %dma_wait3A_570 = arith.constant 0 : i32
      %dma_wait3A_571 = tpu.memref_slice %arg6[%dma_wait3A_569, %dma_wait3A_570] : memref<3136x64xf32, #tpu.memory_space<hbm>> -> memref<3136x64xf32, #tpu.memory_space<hbm>>
      tpu.wait_indirect_dma semaphore(%arg21 : memref<!tpu.dma_semaphore, #tpu.memory_space<semaphore_mem>>) src(%dma_wait3A_571 : memref<3136x64xf32, #tpu.memory_space<hbm>>) dst(%dma_wait3A_565 : memref<16x64xf32, #tpu.memory_space<vmem>>)
      %dma_wait3A_572 = arith.constant 1 : i32
      %dma_wait3A_573 = arith.constant 0 : i32
      %dma_wait3A_574 = arith.constant 0 : i32
      %dma_wait3A_575 = arith.constant 0 : i32
      %dma_wait3A_576 = tpu.memref_slice %arg17[%dma_wait3A_573, %dma_wait3A_574, %dma_wait3A_575] : memref<3x16x128xf32, #tpu.memory_space<vmem>> -> memref<1x16x128xf32, #tpu.memory_space<vmem>>
      %dma_wait3A_577 = tpu.memref_squeeze %dma_wait3A_576 : memref<1x16x128xf32, #tpu.memory_space<vmem>> -> memref<16x128xf32, #tpu.memory_space<vmem>>
      %dma_wait3A_578 = arith.constant 0 : i32
      %dma_wait3A_579 = tpu.memref_slice %arg15[%dma_wait3A_572, %dma_wait3A_578] : memref<12x16xi32, #tpu.memory_space<vmem>> -> memref<1x16xi32, #tpu.memory_space<vmem>>
      %dma_wait3A_580 = tpu.memref_squeeze %dma_wait3A_579 : memref<1x16xi32, #tpu.memory_space<vmem>> -> memref<16xi32, #tpu.memory_space<vmem>>
      %dma_wait3A_581 = arith.constant 0 : i32
      %dma_wait3A_582 = arith.constant 0 : i32
      %dma_wait3A_583 = tpu.memref_slice %arg7[%dma_wait3A_581, %dma_wait3A_582] : memref<784x128xf32, #tpu.memory_space<hbm>> -> memref<784x128xf32, #tpu.memory_space<hbm>>
      tpu.wait_indirect_dma semaphore(%arg21 : memref<!tpu.dma_semaphore, #tpu.memory_space<semaphore_mem>>) src(%dma_wait3A_583 : memref<784x128xf32, #tpu.memory_space<hbm>>) dst(%dma_wait3A_577 : memref<16x128xf32, #tpu.memory_space<vmem>>)
      %dma_wait3A_584 = arith.constant 2 : i32
      %dma_wait3A_585 = arith.constant 0 : i32
      %dma_wait3A_586 = arith.constant 0 : i32
      %dma_wait3A_587 = arith.constant 0 : i32
      %dma_wait3A_588 = tpu.memref_slice %arg18[%dma_wait3A_585, %dma_wait3A_586, %dma_wait3A_587] : memref<3x16x256xf32, #tpu.memory_space<vmem>> -> memref<1x16x256xf32, #tpu.memory_space<vmem>>
      %dma_wait3A_589 = tpu.memref_squeeze %dma_wait3A_588 : memref<1x16x256xf32, #tpu.memory_space<vmem>> -> memref<16x256xf32, #tpu.memory_space<vmem>>
      %dma_wait3A_590 = arith.constant 0 : i32
      %dma_wait3A_591 = tpu.memref_slice %arg15[%dma_wait3A_584, %dma_wait3A_590] : memref<12x16xi32, #tpu.memory_space<vmem>> -> memref<1x16xi32, #tpu.memory_space<vmem>>
      %dma_wait3A_592 = tpu.memref_squeeze %dma_wait3A_591 : memref<1x16xi32, #tpu.memory_space<vmem>> -> memref<16xi32, #tpu.memory_space<vmem>>
      %dma_wait3A_593 = arith.constant 0 : i32
      %dma_wait3A_594 = arith.constant 0 : i32
      %dma_wait3A_595 = tpu.memref_slice %arg8[%dma_wait3A_593, %dma_wait3A_594] : memref<196x256xf32, #tpu.memory_space<hbm>> -> memref<196x256xf32, #tpu.memory_space<hbm>>
      tpu.wait_indirect_dma semaphore(%arg21 : memref<!tpu.dma_semaphore, #tpu.memory_space<semaphore_mem>>) src(%dma_wait3A_595 : memref<196x256xf32, #tpu.memory_space<hbm>>) dst(%dma_wait3A_589 : memref<16x256xf32, #tpu.memory_space<vmem>>)
      %dma_wait3A_596 = arith.constant 3 : i32
      %dma_wait3A_597 = arith.constant 0 : i32
      %dma_wait3A_598 = arith.constant 0 : i32
      %dma_wait3A_599 = arith.constant 0 : i32
      %dma_wait3A_600 = tpu.memref_slice %arg19[%dma_wait3A_597, %dma_wait3A_598, %dma_wait3A_599] : memref<3x16x512xf32, #tpu.memory_space<vmem>> -> memref<1x16x512xf32, #tpu.memory_space<vmem>>
      %dma_wait3A_601 = tpu.memref_squeeze %dma_wait3A_600 : memref<1x16x512xf32, #tpu.memory_space<vmem>> -> memref<16x512xf32, #tpu.memory_space<vmem>>
      %dma_wait3A_602 = arith.constant 0 : i32
      %dma_wait3A_603 = tpu.memref_slice %arg15[%dma_wait3A_596, %dma_wait3A_602] : memref<12x16xi32, #tpu.memory_space<vmem>> -> memref<1x16xi32, #tpu.memory_space<vmem>>
      %dma_wait3A_604 = tpu.memref_squeeze %dma_wait3A_603 : memref<1x16xi32, #tpu.memory_space<vmem>> -> memref<16xi32, #tpu.memory_space<vmem>>
      %dma_wait3A_605 = arith.constant 0 : i32
      %dma_wait3A_606 = arith.constant 0 : i32
      %dma_wait3A_607 = tpu.memref_slice %arg9[%dma_wait3A_605, %dma_wait3A_606] : memref<49x512xf32, #tpu.memory_space<hbm>> -> memref<49x512xf32, #tpu.memory_space<hbm>>
      tpu.wait_indirect_dma semaphore(%arg21 : memref<!tpu.dma_semaphore, #tpu.memory_space<semaphore_mem>>) src(%dma_wait3A_607 : memref<49x512xf32, #tpu.memory_space<hbm>>) dst(%dma_wait3A_601 : memref<16x512xf32, #tpu.memory_space<vmem>>)
      %dma_wait3A_608 = arith.constant 4 : i32
      %dma_wait3A_609 = arith.constant 1 : i32
      %dma_wait3A_610 = arith.constant 0 : i32
      %dma_wait3A_611 = arith.constant 0 : i32
      %dma_wait3A_612 = tpu.memref_slice %arg16[%dma_wait3A_609, %dma_wait3A_610, %dma_wait3A_611] : memref<3x16x64xf32, #tpu.memory_space<vmem>> -> memref<1x16x64xf32, #tpu.memory_space<vmem>>
      %dma_wait3A_613 = tpu.memref_squeeze %dma_wait3A_612 : memref<1x16x64xf32, #tpu.memory_space<vmem>> -> memref<16x64xf32, #tpu.memory_space<vmem>>
      %dma_wait3A_614 = arith.constant 0 : i32
      %dma_wait3A_615 = tpu.memref_slice %arg15[%dma_wait3A_608, %dma_wait3A_614] : memref<12x16xi32, #tpu.memory_space<vmem>> -> memref<1x16xi32, #tpu.memory_space<vmem>>
      %dma_wait3A_616 = tpu.memref_squeeze %dma_wait3A_615 : memref<1x16xi32, #tpu.memory_space<vmem>> -> memref<16xi32, #tpu.memory_space<vmem>>
      %dma_wait3A_617 = arith.constant 0 : i32
      %dma_wait3A_618 = arith.constant 0 : i32
      %dma_wait3A_619 = tpu.memref_slice %arg6[%dma_wait3A_617, %dma_wait3A_618] : memref<3136x64xf32, #tpu.memory_space<hbm>> -> memref<3136x64xf32, #tpu.memory_space<hbm>>
      tpu.wait_indirect_dma semaphore(%arg21 : memref<!tpu.dma_semaphore, #tpu.memory_space<semaphore_mem>>) src(%dma_wait3A_619 : memref<3136x64xf32, #tpu.memory_space<hbm>>) dst(%dma_wait3A_613 : memref<16x64xf32, #tpu.memory_space<vmem>>)
      %dma_wait3A_620 = arith.constant 5 : i32
      %dma_wait3A_621 = arith.constant 1 : i32
      %dma_wait3A_622 = arith.constant 0 : i32
      %dma_wait3A_623 = arith.constant 0 : i32
      %dma_wait3A_624 = tpu.memref_slice %arg17[%dma_wait3A_621, %dma_wait3A_622, %dma_wait3A_623] : memref<3x16x128xf32, #tpu.memory_space<vmem>> -> memref<1x16x128xf32, #tpu.memory_space<vmem>>
      %dma_wait3A_625 = tpu.memref_squeeze %dma_wait3A_624 : memref<1x16x128xf32, #tpu.memory_space<vmem>> -> memref<16x128xf32, #tpu.memory_space<vmem>>
      %dma_wait3A_626 = arith.constant 0 : i32
      %dma_wait3A_627 = tpu.memref_slice %arg15[%dma_wait3A_620, %dma_wait3A_626] : memref<12x16xi32, #tpu.memory_space<vmem>> -> memref<1x16xi32, #tpu.memory_space<vmem>>
      %dma_wait3A_628 = tpu.memref_squeeze %dma_wait3A_627 : memref<1x16xi32, #tpu.memory_space<vmem>> -> memref<16xi32, #tpu.memory_space<vmem>>
      %dma_wait3A_629 = arith.constant 0 : i32
      %dma_wait3A_630 = arith.constant 0 : i32
      %dma_wait3A_631 = tpu.memref_slice %arg7[%dma_wait3A_629, %dma_wait3A_630] : memref<784x128xf32, #tpu.memory_space<hbm>> -> memref<784x128xf32, #tpu.memory_space<hbm>>
      tpu.wait_indirect_dma semaphore(%arg21 : memref<!tpu.dma_semaphore, #tpu.memory_space<semaphore_mem>>) src(%dma_wait3A_631 : memref<784x128xf32, #tpu.memory_space<hbm>>) dst(%dma_wait3A_625 : memref<16x128xf32, #tpu.memory_space<vmem>>)
      %dma_wait3A_632 = arith.constant 6 : i32
      %dma_wait3A_633 = arith.constant 1 : i32
      %dma_wait3A_634 = arith.constant 0 : i32
      %dma_wait3A_635 = arith.constant 0 : i32
      %dma_wait3A_636 = tpu.memref_slice %arg18[%dma_wait3A_633, %dma_wait3A_634, %dma_wait3A_635] : memref<3x16x256xf32, #tpu.memory_space<vmem>> -> memref<1x16x256xf32, #tpu.memory_space<vmem>>
      %dma_wait3A_637 = tpu.memref_squeeze %dma_wait3A_636 : memref<1x16x256xf32, #tpu.memory_space<vmem>> -> memref<16x256xf32, #tpu.memory_space<vmem>>
      %dma_wait3A_638 = arith.constant 0 : i32
      %dma_wait3A_639 = tpu.memref_slice %arg15[%dma_wait3A_632, %dma_wait3A_638] : memref<12x16xi32, #tpu.memory_space<vmem>> -> memref<1x16xi32, #tpu.memory_space<vmem>>
      %dma_wait3A_640 = tpu.memref_squeeze %dma_wait3A_639 : memref<1x16xi32, #tpu.memory_space<vmem>> -> memref<16xi32, #tpu.memory_space<vmem>>
      %dma_wait3A_641 = arith.constant 0 : i32
      %dma_wait3A_642 = arith.constant 0 : i32
      %dma_wait3A_643 = tpu.memref_slice %arg8[%dma_wait3A_641, %dma_wait3A_642] : memref<196x256xf32, #tpu.memory_space<hbm>> -> memref<196x256xf32, #tpu.memory_space<hbm>>
      tpu.wait_indirect_dma semaphore(%arg21 : memref<!tpu.dma_semaphore, #tpu.memory_space<semaphore_mem>>) src(%dma_wait3A_643 : memref<196x256xf32, #tpu.memory_space<hbm>>) dst(%dma_wait3A_637 : memref<16x256xf32, #tpu.memory_space<vmem>>)
      %dma_wait3A_644 = arith.constant 7 : i32
      %dma_wait3A_645 = arith.constant 1 : i32
      %dma_wait3A_646 = arith.constant 0 : i32
      %dma_wait3A_647 = arith.constant 0 : i32
      %dma_wait3A_648 = tpu.memref_slice %arg19[%dma_wait3A_645, %dma_wait3A_646, %dma_wait3A_647] : memref<3x16x512xf32, #tpu.memory_space<vmem>> -> memref<1x16x512xf32, #tpu.memory_space<vmem>>
      %dma_wait3A_649 = tpu.memref_squeeze %dma_wait3A_648 : memref<1x16x512xf32, #tpu.memory_space<vmem>> -> memref<16x512xf32, #tpu.memory_space<vmem>>
      %dma_wait3A_650 = arith.constant 0 : i32
      %dma_wait3A_651 = tpu.memref_slice %arg15[%dma_wait3A_644, %dma_wait3A_650] : memref<12x16xi32, #tpu.memory_space<vmem>> -> memref<1x16xi32, #tpu.memory_space<vmem>>
      %dma_wait3A_652 = tpu.memref_squeeze %dma_wait3A_651 : memref<1x16xi32, #tpu.memory_space<vmem>> -> memref<16xi32, #tpu.memory_space<vmem>>
      %dma_wait3A_653 = arith.constant 0 : i32
      %dma_wait3A_654 = arith.constant 0 : i32
      %dma_wait3A_655 = tpu.memref_slice %arg9[%dma_wait3A_653, %dma_wait3A_654] : memref<49x512xf32, #tpu.memory_space<hbm>> -> memref<49x512xf32, #tpu.memory_space<hbm>>
      tpu.wait_indirect_dma semaphore(%arg21 : memref<!tpu.dma_semaphore, #tpu.memory_space<semaphore_mem>>) src(%dma_wait3A_655 : memref<49x512xf32, #tpu.memory_space<hbm>>) dst(%dma_wait3A_649 : memref<16x512xf32, #tpu.memory_space<vmem>>)
      %dma_wait3A_656 = arith.constant 8 : i32
      %dma_wait3A_657 = arith.constant 2 : i32
      %dma_wait3A_658 = arith.constant 0 : i32
      %dma_wait3A_659 = arith.constant 0 : i32
      %dma_wait3A_660 = tpu.memref_slice %arg16[%dma_wait3A_657, %dma_wait3A_658, %dma_wait3A_659] : memref<3x16x64xf32, #tpu.memory_space<vmem>> -> memref<1x16x64xf32, #tpu.memory_space<vmem>>
      %dma_wait3A_661 = tpu.memref_squeeze %dma_wait3A_660 : memref<1x16x64xf32, #tpu.memory_space<vmem>> -> memref<16x64xf32, #tpu.memory_space<vmem>>
      %dma_wait3A_662 = arith.constant 0 : i32
      %dma_wait3A_663 = tpu.memref_slice %arg15[%dma_wait3A_656, %dma_wait3A_662] : memref<12x16xi32, #tpu.memory_space<vmem>> -> memref<1x16xi32, #tpu.memory_space<vmem>>
      %dma_wait3A_664 = tpu.memref_squeeze %dma_wait3A_663 : memref<1x16xi32, #tpu.memory_space<vmem>> -> memref<16xi32, #tpu.memory_space<vmem>>
      %dma_wait3A_665 = arith.constant 0 : i32
      %dma_wait3A_666 = arith.constant 0 : i32
      %dma_wait3A_667 = tpu.memref_slice %arg6[%dma_wait3A_665, %dma_wait3A_666] : memref<3136x64xf32, #tpu.memory_space<hbm>> -> memref<3136x64xf32, #tpu.memory_space<hbm>>
      tpu.wait_indirect_dma semaphore(%arg21 : memref<!tpu.dma_semaphore, #tpu.memory_space<semaphore_mem>>) src(%dma_wait3A_667 : memref<3136x64xf32, #tpu.memory_space<hbm>>) dst(%dma_wait3A_661 : memref<16x64xf32, #tpu.memory_space<vmem>>)
      %dma_wait3A_668 = arith.constant 9 : i32
      %dma_wait3A_669 = arith.constant 2 : i32
      %dma_wait3A_670 = arith.constant 0 : i32
      %dma_wait3A_671 = arith.constant 0 : i32
      %dma_wait3A_672 = tpu.memref_slice %arg17[%dma_wait3A_669, %dma_wait3A_670, %dma_wait3A_671] : memref<3x16x128xf32, #tpu.memory_space<vmem>> -> memref<1x16x128xf32, #tpu.memory_space<vmem>>
      %dma_wait3A_673 = tpu.memref_squeeze %dma_wait3A_672 : memref<1x16x128xf32, #tpu.memory_space<vmem>> -> memref<16x128xf32, #tpu.memory_space<vmem>>
      %dma_wait3A_674 = arith.constant 0 : i32
      %dma_wait3A_675 = tpu.memref_slice %arg15[%dma_wait3A_668, %dma_wait3A_674] : memref<12x16xi32, #tpu.memory_space<vmem>> -> memref<1x16xi32, #tpu.memory_space<vmem>>
      %dma_wait3A_676 = tpu.memref_squeeze %dma_wait3A_675 : memref<1x16xi32, #tpu.memory_space<vmem>> -> memref<16xi32, #tpu.memory_space<vmem>>
      %dma_wait3A_677 = arith.constant 0 : i32
      %dma_wait3A_678 = arith.constant 0 : i32
      %dma_wait3A_679 = tpu.memref_slice %arg7[%dma_wait3A_677, %dma_wait3A_678] : memref<784x128xf32, #tpu.memory_space<hbm>> -> memref<784x128xf32, #tpu.memory_space<hbm>>
      tpu.wait_indirect_dma semaphore(%arg21 : memref<!tpu.dma_semaphore, #tpu.memory_space<semaphore_mem>>) src(%dma_wait3A_679 : memref<784x128xf32, #tpu.memory_space<hbm>>) dst(%dma_wait3A_673 : memref<16x128xf32, #tpu.memory_space<vmem>>)
      %dma_wait3A_680 = arith.constant 10 : i32
      %dma_wait3A_681 = arith.constant 2 : i32
      %dma_wait3A_682 = arith.constant 0 : i32
      %dma_wait3A_683 = arith.constant 0 : i32
      %dma_wait3A_684 = tpu.memref_slice %arg18[%dma_wait3A_681, %dma_wait3A_682, %dma_wait3A_683] : memref<3x16x256xf32, #tpu.memory_space<vmem>> -> memref<1x16x256xf32, #tpu.memory_space<vmem>>
      %dma_wait3A_685 = tpu.memref_squeeze %dma_wait3A_684 : memref<1x16x256xf32, #tpu.memory_space<vmem>> -> memref<16x256xf32, #tpu.memory_space<vmem>>
      %dma_wait3A_686 = arith.constant 0 : i32
      %dma_wait3A_687 = tpu.memref_slice %arg15[%dma_wait3A_680, %dma_wait3A_686] : memref<12x16xi32, #tpu.memory_space<vmem>> -> memref<1x16xi32, #tpu.memory_space<vmem>>
      %dma_wait3A_688 = tpu.memref_squeeze %dma_wait3A_687 : memref<1x16xi32, #tpu.memory_space<vmem>> -> memref<16xi32, #tpu.memory_space<vmem>>
      %dma_wait3A_689 = arith.constant 0 : i32
      %dma_wait3A_690 = arith.constant 0 : i32
      %dma_wait3A_691 = tpu.memref_slice %arg8[%dma_wait3A_689, %dma_wait3A_690] : memref<196x256xf32, #tpu.memory_space<hbm>> -> memref<196x256xf32, #tpu.memory_space<hbm>>
      tpu.wait_indirect_dma semaphore(%arg21 : memref<!tpu.dma_semaphore, #tpu.memory_space<semaphore_mem>>) src(%dma_wait3A_691 : memref<196x256xf32, #tpu.memory_space<hbm>>) dst(%dma_wait3A_685 : memref<16x256xf32, #tpu.memory_space<vmem>>)
      %dma_wait3A_692 = arith.constant 11 : i32
      %dma_wait3A_693 = arith.constant 2 : i32
      %dma_wait3A_694 = arith.constant 0 : i32
      %dma_wait3A_695 = arith.constant 0 : i32
      %dma_wait3A_696 = tpu.memref_slice %arg19[%dma_wait3A_693, %dma_wait3A_694, %dma_wait3A_695] : memref<3x16x512xf32, #tpu.memory_space<vmem>> -> memref<1x16x512xf32, #tpu.memory_space<vmem>>
      %dma_wait3A_697 = tpu.memref_squeeze %dma_wait3A_696 : memref<1x16x512xf32, #tpu.memory_space<vmem>> -> memref<16x512xf32, #tpu.memory_space<vmem>>
      %dma_wait3A_698 = arith.constant 0 : i32
      %dma_wait3A_699 = tpu.memref_slice %arg15[%dma_wait3A_692, %dma_wait3A_698] : memref<12x16xi32, #tpu.memory_space<vmem>> -> memref<1x16xi32, #tpu.memory_space<vmem>>
      %dma_wait3A_700 = tpu.memref_squeeze %dma_wait3A_699 : memref<1x16xi32, #tpu.memory_space<vmem>> -> memref<16xi32, #tpu.memory_space<vmem>>
      %dma_wait3A_701 = arith.constant 0 : i32
      %dma_wait3A_702 = arith.constant 0 : i32
      %dma_wait3A_703 = tpu.memref_slice %arg9[%dma_wait3A_701, %dma_wait3A_702] : memref<49x512xf32, #tpu.memory_space<hbm>> -> memref<49x512xf32, #tpu.memory_space<hbm>>
      tpu.wait_indirect_dma semaphore(%arg21 : memref<!tpu.dma_semaphore, #tpu.memory_space<semaphore_mem>>) src(%dma_wait3A_703 : memref<49x512xf32, #tpu.memory_space<hbm>>) dst(%dma_wait3A_697 : memref<16x512xf32, #tpu.memory_space<vmem>>)
      %scan3A = arith.constant 0 : i32
      %scan3A_704 = arith.constant 16 : i32
      %scan3A_705 = arith.addi %scan3A, %scan3A_704 : i32
      %scan3A_706 = arith.constant 1 : i32
      scf.for %scan3A_708 = %scan3A to %scan3A_705 step %scan3A_706  : i32 {
        %broadcast_in_dim3A_709 = arith.constant 0 : i32
        %broadcast_in_dim3A_710 = vector.broadcast %broadcast_in_dim3A_709 : i32 to vector<16xi32>
        %add3A_711 = vector.broadcast %scan3A_708 : i32 to vector<16xi32>
        %add3A_712 = arith.addi %add3A_711, %broadcast_in_dim3A_710 : vector<16xi32>
        %scan3A_713 = arith.constant 0 : i32
        %scan3A_714 = arith.constant 4 : i32
        %scan3A_715 = arith.addi %scan3A_713, %scan3A_714 : i32
        %scan3A_716 = arith.constant 1 : i32
        scf.for %scan3A_733 = %scan3A_713 to %scan3A_715 step %scan3A_716  : i32 {
          %mul3A_734 = arith.constant 16 : i32
          %mul3A_735 = arith.muli %scan3A_733, %mul3A_734 : i32
          %get3A_736 = arith.constant 0 : i32
          %get3A_737 = arith.index_cast %get3A_736 : i32 to index
          %get3A_738 = arith.index_cast %scan3A_708 : i32 to index
          %get3A_739 = arith.index_cast %mul3A_735 : i32 to index
          %get3A_740 = tpu.vector_load %arg16[%get3A_737, %get3A_738, %get3A_739] {strides = array<i32>} : memref<3x16x64xf32, #tpu.memory_space<vmem>>, vector<16xf32>,
          %get3A_741 = arith.constant 1 : i32
          %get3A_742 = arith.index_cast %get3A_741 : i32 to index
          %get3A_743 = arith.index_cast %scan3A_708 : i32 to index
          %get3A_744 = arith.index_cast %mul3A_735 : i32 to index
          %get3A_745 = tpu.vector_load %arg16[%get3A_742, %get3A_743, %get3A_744] {strides = array<i32>} : memref<3x16x64xf32, #tpu.memory_space<vmem>>, vector<16xf32>,
          %get3A_746 = arith.constant 2 : i32
          %get3A_747 = arith.index_cast %get3A_746 : i32 to index
          %get3A_748 = arith.index_cast %scan3A_708 : i32 to index
          %get3A_749 = arith.index_cast %mul3A_735 : i32 to index
          %get3A_750 = tpu.vector_load %arg16[%get3A_747, %get3A_748, %get3A_749] {strides = array<i32>} : memref<3x16x64xf32, #tpu.memory_space<vmem>>, vector<16xf32>,
          %max3A_751 = arith.maximumf %get3A_740, %get3A_745 : vector<16xf32>
          %max3A_752 = arith.maximumf %max3A_751, %get3A_750 : vector<16xf32>
          %add3A_753 = arith.addf %get3A_740, %get3A_745 : vector<16xf32>
          %add3A_754 = arith.addf %add3A_753, %get3A_750 : vector<16xf32>
          %div3A_755 = arith.constant 3.000000e+00 : f32
          %div3A_756 = vector.broadcast %div3A_755 : f32 to vector<16xf32>
          %div3A_757 = arith.divf %add3A_754, %div3A_756 : vector<16xf32>
          %sub3A = arith.subf %get3A_740, %div3A_757 : vector<16xf32>
          %sub3A_758 = arith.subf %get3A_745, %div3A_757 : vector<16xf32>
          %sub3A_759 = arith.subf %get3A_750, %div3A_757 : vector<16xf32>
          %mul3A_760 = arith.mulf %sub3A, %sub3A : vector<16xf32>
          %mul3A_761 = arith.mulf %sub3A_758, %sub3A_758 : vector<16xf32>
          %add3A_762 = arith.addf %mul3A_760, %mul3A_761 : vector<16xf32>
          %mul3A_763 = arith.mulf %sub3A_759, %sub3A_759 : vector<16xf32>
          %add3A_764 = arith.addf %add3A_762, %mul3A_763 : vector<16xf32>
          %div3A_765 = arith.constant 3.000000e+00 : f32
          %div3A_766 = vector.broadcast %div3A_765 : f32 to vector<16xf32>
          %div3A_767 = arith.divf %add3A_764, %div3A_766 : vector<16xf32>
          %add3A_768 = arith.constant 9.99999996E-13 : f32
          %add3A_769 = vector.broadcast %add3A_768 : f32 to vector<16xf32>
          %add3A_770 = arith.addf %div3A_767, %add3A_769 : vector<16xf32>
          %bitcast_convert_type3A = tpu.bitcast %add3A_770 : vector<16xf32> -> vector<16xi32>
          %shift_right_arithmetic3A = arith.constant 1 : i32
          %shift_right_arithmetic3A_771 = vector.broadcast %shift_right_arithmetic3A : i32 to vector<16xi32>
          %shift_right_arithmetic3A_772 = arith.shrsi %bitcast_convert_type3A, %shift_right_arithmetic3A_771 : vector<16xi32>
          %sub3A_773 = arith.constant 1597463007 : i32
          %sub3A_774 = vector.broadcast %sub3A_773 : i32 to vector<16xi32>
          %sub3A_775 = arith.subi %sub3A_774, %shift_right_arithmetic3A_772 : vector<16xi32>
          %bitcast_convert_type3A_776 = tpu.bitcast %sub3A_775 : vector<16xi32> -> vector<16xf32>
          %mul3A_777 = arith.constant 5.000000e-01 : f32
          %mul3A_778 = vector.broadcast %mul3A_777 : f32 to vector<16xf32>
          %mul3A_779 = arith.mulf %mul3A_778, %add3A_770 : vector<16xf32>
          %mul3A_780 = arith.mulf %mul3A_779, %bitcast_convert_type3A_776 : vector<16xf32>
          %mul3A_781 = arith.mulf %mul3A_780, %bitcast_convert_type3A_776 : vector<16xf32>
          %sub3A_782 = arith.constant 1.500000e+00 : f32
          %sub3A_783 = vector.broadcast %sub3A_782 : f32 to vector<16xf32>
          %sub3A_784 = arith.subf %sub3A_783, %mul3A_781 : vector<16xf32>
          %mul3A_785 = arith.mulf %bitcast_convert_type3A_776, %sub3A_784 : vector<16xf32>
          %mul3A_786 = arith.constant 5.000000e-01 : f32
          %mul3A_787 = vector.broadcast %mul3A_786 : f32 to vector<16xf32>
          %mul3A_788 = arith.mulf %mul3A_787, %add3A_770 : vector<16xf32>
          %mul3A_789 = arith.mulf %mul3A_788, %mul3A_785 : vector<16xf32>
          %mul3A_790 = arith.mulf %mul3A_789, %mul3A_785 : vector<16xf32>
          %sub3A_791 = arith.constant 1.500000e+00 : f32
          %sub3A_792 = vector.broadcast %sub3A_791 : f32 to vector<16xf32>
          %sub3A_793 = arith.subf %sub3A_792, %mul3A_790 : vector<16xf32>
          %mul3A_794 = arith.mulf %mul3A_785, %sub3A_793 : vector<16xf32>
          %mul3A_795 = arith.constant 5.000000e-01 : f32
          %mul3A_796 = vector.broadcast %mul3A_795 : f32 to vector<16xf32>
          %mul3A_797 = arith.mulf %mul3A_796, %add3A_770 : vector<16xf32>
          %mul3A_798 = arith.mulf %mul3A_797, %mul3A_794 : vector<16xf32>
          %mul3A_799 = arith.mulf %mul3A_798, %mul3A_794 : vector<16xf32>
          %sub3A_800 = arith.constant 1.500000e+00 : f32
          %sub3A_801 = vector.broadcast %sub3A_800 : f32 to vector<16xf32>
          %sub3A_802 = arith.subf %sub3A_801, %mul3A_799 : vector<16xf32>
          %mul3A_803 = arith.mulf %mul3A_794, %sub3A_802 : vector<16xf32>
          %mul3A_804 = arith.mulf %add3A_770, %mul3A_803 : vector<16xf32>
          %add3A_805 = arith.constant 3 : i32
          %add3A_806 = arith.addi %add3A_805, %mul3A_735 : i32
          %add3A_807 = vector.broadcast %add3A_806 : i32 to vector<16xi32>
          %add3A_808 = arith.addi %iota3A, %add3A_807 : vector<16xi32>
          tpu.vector_store_idx %arg20[%add3A_712, %add3A_808], %max3A_752 : memref<16x2883xf32, #tpu.memory_space<vmem>>[vector<16xi32>, vector<16xi32>], vector<16xf32>,
          %add3A_809 = arith.constant 960 : i32
          %add3A_810 = vector.broadcast %add3A_809 : i32 to vector<16xi32>
          %add3A_811 = arith.addi %add3A_808, %add3A_810 : vector<16xi32>
          tpu.vector_store_idx %arg20[%add3A_712, %add3A_811], %div3A_757 : memref<16x2883xf32, #tpu.memory_space<vmem>>[vector<16xi32>, vector<16xi32>], vector<16xf32>,
          %add3A_812 = arith.constant 1920 : i32
          %add3A_813 = vector.broadcast %add3A_812 : i32 to vector<16xi32>
          %add3A_814 = arith.addi %add3A_808, %add3A_813 : vector<16xi32>
          tpu.vector_store_idx %arg20[%add3A_712, %add3A_814], %mul3A_804 : memref<16x2883xf32, #tpu.memory_space<vmem>>[vector<16xi32>, vector<16xi32>], vector<16xf32>,
        }
        %scan3A_717 = arith.constant 4 : i32
        %scan3A_718 = arith.constant 0 : i32
        %scan3A_719 = arith.constant 8 : i32
        %scan3A_720 = arith.addi %scan3A_718, %scan3A_719 : i32
        %scan3A_721 = arith.constant 1 : i32
        scf.for %scan3A_733 = %scan3A_718 to %scan3A_720 step %scan3A_721  : i32 {
          %mul3A_734 = arith.constant 16 : i32
          %mul3A_735 = arith.muli %scan3A_733, %mul3A_734 : i32
          %get3A_736 = arith.constant 0 : i32
          %get3A_737 = arith.index_cast %get3A_736 : i32 to index
          %get3A_738 = arith.index_cast %scan3A_708 : i32 to index
          %get3A_739 = arith.index_cast %mul3A_735 : i32 to index
          %get3A_740 = tpu.vector_load %arg17[%get3A_737, %get3A_738, %get3A_739] {strides = array<i32>} : memref<3x16x128xf32, #tpu.memory_space<vmem>>, vector<16xf32>,
          %get3A_741 = arith.constant 1 : i32
          %get3A_742 = arith.index_cast %get3A_741 : i32 to index
          %get3A_743 = arith.index_cast %scan3A_708 : i32 to index
          %get3A_744 = arith.index_cast %mul3A_735 : i32 to index
          %get3A_745 = tpu.vector_load %arg17[%get3A_742, %get3A_743, %get3A_744] {strides = array<i32>} : memref<3x16x128xf32, #tpu.memory_space<vmem>>, vector<16xf32>,
          %get3A_746 = arith.constant 2 : i32
          %get3A_747 = arith.index_cast %get3A_746 : i32 to index
          %get3A_748 = arith.index_cast %scan3A_708 : i32 to index
          %get3A_749 = arith.index_cast %mul3A_735 : i32 to index
          %get3A_750 = tpu.vector_load %arg17[%get3A_747, %get3A_748, %get3A_749] {strides = array<i32>} : memref<3x16x128xf32, #tpu.memory_space<vmem>>, vector<16xf32>,
          %max3A_751 = arith.maximumf %get3A_740, %get3A_745 : vector<16xf32>
          %max3A_752 = arith.maximumf %max3A_751, %get3A_750 : vector<16xf32>
          %add3A_753 = arith.addf %get3A_740, %get3A_745 : vector<16xf32>
          %add3A_754 = arith.addf %add3A_753, %get3A_750 : vector<16xf32>
          %div3A_755 = arith.constant 3.000000e+00 : f32
          %div3A_756 = vector.broadcast %div3A_755 : f32 to vector<16xf32>
          %div3A_757 = arith.divf %add3A_754, %div3A_756 : vector<16xf32>
          %sub3A = arith.subf %get3A_740, %div3A_757 : vector<16xf32>
          %sub3A_758 = arith.subf %get3A_745, %div3A_757 : vector<16xf32>
          %sub3A_759 = arith.subf %get3A_750, %div3A_757 : vector<16xf32>
          %mul3A_760 = arith.mulf %sub3A, %sub3A : vector<16xf32>
          %mul3A_761 = arith.mulf %sub3A_758, %sub3A_758 : vector<16xf32>
          %add3A_762 = arith.addf %mul3A_760, %mul3A_761 : vector<16xf32>
          %mul3A_763 = arith.mulf %sub3A_759, %sub3A_759 : vector<16xf32>
          %add3A_764 = arith.addf %add3A_762, %mul3A_763 : vector<16xf32>
          %div3A_765 = arith.constant 3.000000e+00 : f32
          %div3A_766 = vector.broadcast %div3A_765 : f32 to vector<16xf32>
          %div3A_767 = arith.divf %add3A_764, %div3A_766 : vector<16xf32>
          %add3A_768 = arith.constant 9.99999996E-13 : f32
          %add3A_769 = vector.broadcast %add3A_768 : f32 to vector<16xf32>
          %add3A_770 = arith.addf %div3A_767, %add3A_769 : vector<16xf32>
          %bitcast_convert_type3A = tpu.bitcast %add3A_770 : vector<16xf32> -> vector<16xi32>
          %shift_right_arithmetic3A = arith.constant 1 : i32
          %shift_right_arithmetic3A_771 = vector.broadcast %shift_right_arithmetic3A : i32 to vector<16xi32>
          %shift_right_arithmetic3A_772 = arith.shrsi %bitcast_convert_type3A, %shift_right_arithmetic3A_771 : vector<16xi32>
          %sub3A_773 = arith.constant 1597463007 : i32
          %sub3A_774 = vector.broadcast %sub3A_773 : i32 to vector<16xi32>
          %sub3A_775 = arith.subi %sub3A_774, %shift_right_arithmetic3A_772 : vector<16xi32>
          %bitcast_convert_type3A_776 = tpu.bitcast %sub3A_775 : vector<16xi32> -> vector<16xf32>
          %mul3A_777 = arith.constant 5.000000e-01 : f32
          %mul3A_778 = vector.broadcast %mul3A_777 : f32 to vector<16xf32>
          %mul3A_779 = arith.mulf %mul3A_778, %add3A_770 : vector<16xf32>
          %mul3A_780 = arith.mulf %mul3A_779, %bitcast_convert_type3A_776 : vector<16xf32>
          %mul3A_781 = arith.mulf %mul3A_780, %bitcast_convert_type3A_776 : vector<16xf32>
          %sub3A_782 = arith.constant 1.500000e+00 : f32
          %sub3A_783 = vector.broadcast %sub3A_782 : f32 to vector<16xf32>
          %sub3A_784 = arith.subf %sub3A_783, %mul3A_781 : vector<16xf32>
          %mul3A_785 = arith.mulf %bitcast_convert_type3A_776, %sub3A_784 : vector<16xf32>
          %mul3A_786 = arith.constant 5.000000e-01 : f32
          %mul3A_787 = vector.broadcast %mul3A_786 : f32 to vector<16xf32>
          %mul3A_788 = arith.mulf %mul3A_787, %add3A_770 : vector<16xf32>
          %mul3A_789 = arith.mulf %mul3A_788, %mul3A_785 : vector<16xf32>
          %mul3A_790 = arith.mulf %mul3A_789, %mul3A_785 : vector<16xf32>
          %sub3A_791 = arith.constant 1.500000e+00 : f32
          %sub3A_792 = vector.broadcast %sub3A_791 : f32 to vector<16xf32>
          %sub3A_793 = arith.subf %sub3A_792, %mul3A_790 : vector<16xf32>
          %mul3A_794 = arith.mulf %mul3A_785, %sub3A_793 : vector<16xf32>
          %mul3A_795 = arith.constant 5.000000e-01 : f32
          %mul3A_796 = vector.broadcast %mul3A_795 : f32 to vector<16xf32>
          %mul3A_797 = arith.mulf %mul3A_796, %add3A_770 : vector<16xf32>
          %mul3A_798 = arith.mulf %mul3A_797, %mul3A_794 : vector<16xf32>
          %mul3A_799 = arith.mulf %mul3A_798, %mul3A_794 : vector<16xf32>
          %sub3A_800 = arith.constant 1.500000e+00 : f32
          %sub3A_801 = vector.broadcast %sub3A_800 : f32 to vector<16xf32>
          %sub3A_802 = arith.subf %sub3A_801, %mul3A_799 : vector<16xf32>
          %mul3A_803 = arith.mulf %mul3A_794, %sub3A_802 : vector<16xf32>
          %mul3A_804 = arith.mulf %add3A_770, %mul3A_803 : vector<16xf32>
          %add3A_805 = arith.constant 67 : i32
          %add3A_806 = arith.addi %add3A_805, %mul3A_735 : i32
          %add3A_807 = vector.broadcast %add3A_806 : i32 to vector<16xi32>
          %add3A_808 = arith.addi %iota3A, %add3A_807 : vector<16xi32>
          tpu.vector_store_idx %arg20[%add3A_712, %add3A_808], %max3A_752 : memref<16x2883xf32, #tpu.memory_space<vmem>>[vector<16xi32>, vector<16xi32>], vector<16xf32>,
          %add3A_809 = arith.constant 960 : i32
          %add3A_810 = vector.broadcast %add3A_809 : i32 to vector<16xi32>
          %add3A_811 = arith.addi %add3A_808, %add3A_810 : vector<16xi32>
          tpu.vector_store_idx %arg20[%add3A_712, %add3A_811], %div3A_757 : memref<16x2883xf32, #tpu.memory_space<vmem>>[vector<16xi32>, vector<16xi32>], vector<16xf32>,
          %add3A_812 = arith.constant 1920 : i32
          %add3A_813 = vector.broadcast %add3A_812 : i32 to vector<16xi32>
          %add3A_814 = arith.addi %add3A_808, %add3A_813 : vector<16xi32>
          tpu.vector_store_idx %arg20[%add3A_712, %add3A_814], %mul3A_804 : memref<16x2883xf32, #tpu.memory_space<vmem>>[vector<16xi32>, vector<16xi32>], vector<16xf32>,
        }
        %scan3A_722 = arith.constant 8 : i32
        %scan3A_723 = arith.constant 0 : i32
        %scan3A_724 = arith.constant 16 : i32
        %scan3A_725 = arith.addi %scan3A_723, %scan3A_724 : i32
        %scan3A_726 = arith.constant 1 : i32
        scf.for %scan3A_733 = %scan3A_723 to %scan3A_725 step %scan3A_726  : i32 {
          %mul3A_734 = arith.constant 16 : i32
          %mul3A_735 = arith.muli %scan3A_733, %mul3A_734 : i32
          %get3A_736 = arith.constant 0 : i32
          %get3A_737 = arith.index_cast %get3A_736 : i32 to index
          %get3A_738 = arith.index_cast %scan3A_708 : i32 to index
          %get3A_739 = arith.index_cast %mul3A_735 : i32 to index
          %get3A_740 = tpu.vector_load %arg18[%get3A_737, %get3A_738, %get3A_739] {strides = array<i32>} : memref<3x16x256xf32, #tpu.memory_space<vmem>>, vector<16xf32>,
          %get3A_741 = arith.constant 1 : i32
          %get3A_742 = arith.index_cast %get3A_741 : i32 to index
          %get3A_743 = arith.index_cast %scan3A_708 : i32 to index
          %get3A_744 = arith.index_cast %mul3A_735 : i32 to index
          %get3A_745 = tpu.vector_load %arg18[%get3A_742, %get3A_743, %get3A_744] {strides = array<i32>} : memref<3x16x256xf32, #tpu.memory_space<vmem>>, vector<16xf32>,
          %get3A_746 = arith.constant 2 : i32
          %get3A_747 = arith.index_cast %get3A_746 : i32 to index
          %get3A_748 = arith.index_cast %scan3A_708 : i32 to index
          %get3A_749 = arith.index_cast %mul3A_735 : i32 to index
          %get3A_750 = tpu.vector_load %arg18[%get3A_747, %get3A_748, %get3A_749] {strides = array<i32>} : memref<3x16x256xf32, #tpu.memory_space<vmem>>, vector<16xf32>,
          %max3A_751 = arith.maximumf %get3A_740, %get3A_745 : vector<16xf32>
          %max3A_752 = arith.maximumf %max3A_751, %get3A_750 : vector<16xf32>
          %add3A_753 = arith.addf %get3A_740, %get3A_745 : vector<16xf32>
          %add3A_754 = arith.addf %add3A_753, %get3A_750 : vector<16xf32>
          %div3A_755 = arith.constant 3.000000e+00 : f32
          %div3A_756 = vector.broadcast %div3A_755 : f32 to vector<16xf32>
          %div3A_757 = arith.divf %add3A_754, %div3A_756 : vector<16xf32>
          %sub3A = arith.subf %get3A_740, %div3A_757 : vector<16xf32>
          %sub3A_758 = arith.subf %get3A_745, %div3A_757 : vector<16xf32>
          %sub3A_759 = arith.subf %get3A_750, %div3A_757 : vector<16xf32>
          %mul3A_760 = arith.mulf %sub3A, %sub3A : vector<16xf32>
          %mul3A_761 = arith.mulf %sub3A_758, %sub3A_758 : vector<16xf32>
          %add3A_762 = arith.addf %mul3A_760, %mul3A_761 : vector<16xf32>
          %mul3A_763 = arith.mulf %sub3A_759, %sub3A_759 : vector<16xf32>
          %add3A_764 = arith.addf %add3A_762, %mul3A_763 : vector<16xf32>
          %div3A_765 = arith.constant 3.000000e+00 : f32
          %div3A_766 = vector.broadcast %div3A_765 : f32 to vector<16xf32>
          %div3A_767 = arith.divf %add3A_764, %div3A_766 : vector<16xf32>
          %add3A_768 = arith.constant 9.99999996E-13 : f32
          %add3A_769 = vector.broadcast %add3A_768 : f32 to vector<16xf32>
          %add3A_770 = arith.addf %div3A_767, %add3A_769 : vector<16xf32>
          %bitcast_convert_type3A = tpu.bitcast %add3A_770 : vector<16xf32> -> vector<16xi32>
          %shift_right_arithmetic3A = arith.constant 1 : i32
          %shift_right_arithmetic3A_771 = vector.broadcast %shift_right_arithmetic3A : i32 to vector<16xi32>
          %shift_right_arithmetic3A_772 = arith.shrsi %bitcast_convert_type3A, %shift_right_arithmetic3A_771 : vector<16xi32>
          %sub3A_773 = arith.constant 1597463007 : i32
          %sub3A_774 = vector.broadcast %sub3A_773 : i32 to vector<16xi32>
          %sub3A_775 = arith.subi %sub3A_774, %shift_right_arithmetic3A_772 : vector<16xi32>
          %bitcast_convert_type3A_776 = tpu.bitcast %sub3A_775 : vector<16xi32> -> vector<16xf32>
          %mul3A_777 = arith.constant 5.000000e-01 : f32
          %mul3A_778 = vector.broadcast %mul3A_777 : f32 to vector<16xf32>
          %mul3A_779 = arith.mulf %mul3A_778, %add3A_770 : vector<16xf32>
          %mul3A_780 = arith.mulf %mul3A_779, %bitcast_convert_type3A_776 : vector<16xf32>
          %mul3A_781 = arith.mulf %mul3A_780, %bitcast_convert_type3A_776 : vector<16xf32>
          %sub3A_782 = arith.constant 1.500000e+00 : f32
          %sub3A_783 = vector.broadcast %sub3A_782 : f32 to vector<16xf32>
          %sub3A_784 = arith.subf %sub3A_783, %mul3A_781 : vector<16xf32>
          %mul3A_785 = arith.mulf %bitcast_convert_type3A_776, %sub3A_784 : vector<16xf32>
          %mul3A_786 = arith.constant 5.000000e-01 : f32
          %mul3A_787 = vector.broadcast %mul3A_786 : f32 to vector<16xf32>
          %mul3A_788 = arith.mulf %mul3A_787, %add3A_770 : vector<16xf32>
          %mul3A_789 = arith.mulf %mul3A_788, %mul3A_785 : vector<16xf32>
          %mul3A_790 = arith.mulf %mul3A_789, %mul3A_785 : vector<16xf32>
          %sub3A_791 = arith.constant 1.500000e+00 : f32
          %sub3A_792 = vector.broadcast %sub3A_791 : f32 to vector<16xf32>
          %sub3A_793 = arith.subf %sub3A_792, %mul3A_790 : vector<16xf32>
          %mul3A_794 = arith.mulf %mul3A_785, %sub3A_793 : vector<16xf32>
          %mul3A_795 = arith.constant 5.000000e-01 : f32
          %mul3A_796 = vector.broadcast %mul3A_795 : f32 to vector<16xf32>
          %mul3A_797 = arith.mulf %mul3A_796, %add3A_770 : vector<16xf32>
          %mul3A_798 = arith.mulf %mul3A_797, %mul3A_794 : vector<16xf32>
          %mul3A_799 = arith.mulf %mul3A_798, %mul3A_794 : vector<16xf32>
          %sub3A_800 = arith.constant 1.500000e+00 : f32
          %sub3A_801 = vector.broadcast %sub3A_800 : f32 to vector<16xf32>
          %sub3A_802 = arith.subf %sub3A_801, %mul3A_799 : vector<16xf32>
          %mul3A_803 = arith.mulf %mul3A_794, %sub3A_802 : vector<16xf32>
          %mul3A_804 = arith.mulf %add3A_770, %mul3A_803 : vector<16xf32>
          %add3A_805 = arith.constant 195 : i32
          %add3A_806 = arith.addi %add3A_805, %mul3A_735 : i32
          %add3A_807 = vector.broadcast %add3A_806 : i32 to vector<16xi32>
          %add3A_808 = arith.addi %iota3A, %add3A_807 : vector<16xi32>
          tpu.vector_store_idx %arg20[%add3A_712, %add3A_808], %max3A_752 : memref<16x2883xf32, #tpu.memory_space<vmem>>[vector<16xi32>, vector<16xi32>], vector<16xf32>,
          %add3A_809 = arith.constant 960 : i32
          %add3A_810 = vector.broadcast %add3A_809 : i32 to vector<16xi32>
          %add3A_811 = arith.addi %add3A_808, %add3A_810 : vector<16xi32>
          tpu.vector_store_idx %arg20[%add3A_712, %add3A_811], %div3A_757 : memref<16x2883xf32, #tpu.memory_space<vmem>>[vector<16xi32>, vector<16xi32>], vector<16xf32>,
          %add3A_812 = arith.constant 1920 : i32
          %add3A_813 = vector.broadcast %add3A_812 : i32 to vector<16xi32>
          %add3A_814 = arith.addi %add3A_808, %add3A_813 : vector<16xi32>
          tpu.vector_store_idx %arg20[%add3A_712, %add3A_814], %mul3A_804 : memref<16x2883xf32, #tpu.memory_space<vmem>>[vector<16xi32>, vector<16xi32>], vector<16xf32>,
        }
        %scan3A_727 = arith.constant 16 : i32
        %scan3A_728 = arith.constant 0 : i32
        %scan3A_729 = arith.constant 32 : i32
        %scan3A_730 = arith.addi %scan3A_728, %scan3A_729 : i32
        %scan3A_731 = arith.constant 1 : i32
        scf.for %scan3A_733 = %scan3A_728 to %scan3A_730 step %scan3A_731  : i32 {
          %mul3A_734 = arith.constant 16 : i32
          %mul3A_735 = arith.muli %scan3A_733, %mul3A_734 : i32
          %get3A_736 = arith.constant 0 : i32
          %get3A_737 = arith.index_cast %get3A_736 : i32 to index
          %get3A_738 = arith.index_cast %scan3A_708 : i32 to index
          %get3A_739 = arith.index_cast %mul3A_735 : i32 to index
          %get3A_740 = tpu.vector_load %arg19[%get3A_737, %get3A_738, %get3A_739] {strides = array<i32>} : memref<3x16x512xf32, #tpu.memory_space<vmem>>, vector<16xf32>,
          %get3A_741 = arith.constant 1 : i32
          %get3A_742 = arith.index_cast %get3A_741 : i32 to index
          %get3A_743 = arith.index_cast %scan3A_708 : i32 to index
          %get3A_744 = arith.index_cast %mul3A_735 : i32 to index
          %get3A_745 = tpu.vector_load %arg19[%get3A_742, %get3A_743, %get3A_744] {strides = array<i32>} : memref<3x16x512xf32, #tpu.memory_space<vmem>>, vector<16xf32>,
          %get3A_746 = arith.constant 2 : i32
          %get3A_747 = arith.index_cast %get3A_746 : i32 to index
          %get3A_748 = arith.index_cast %scan3A_708 : i32 to index
          %get3A_749 = arith.index_cast %mul3A_735 : i32 to index
          %get3A_750 = tpu.vector_load %arg19[%get3A_747, %get3A_748, %get3A_749] {strides = array<i32>} : memref<3x16x512xf32, #tpu.memory_space<vmem>>, vector<16xf32>,
          %max3A_751 = arith.maximumf %get3A_740, %get3A_745 : vector<16xf32>
          %max3A_752 = arith.maximumf %max3A_751, %get3A_750 : vector<16xf32>
          %add3A_753 = arith.addf %get3A_740, %get3A_745 : vector<16xf32>
          %add3A_754 = arith.addf %add3A_753, %get3A_750 : vector<16xf32>
          %div3A_755 = arith.constant 3.000000e+00 : f32
          %div3A_756 = vector.broadcast %div3A_755 : f32 to vector<16xf32>
          %div3A_757 = arith.divf %add3A_754, %div3A_756 : vector<16xf32>
          %sub3A = arith.subf %get3A_740, %div3A_757 : vector<16xf32>
          %sub3A_758 = arith.subf %get3A_745, %div3A_757 : vector<16xf32>
          %sub3A_759 = arith.subf %get3A_750, %div3A_757 : vector<16xf32>
          %mul3A_760 = arith.mulf %sub3A, %sub3A : vector<16xf32>
          %mul3A_761 = arith.mulf %sub3A_758, %sub3A_758 : vector<16xf32>
          %add3A_762 = arith.addf %mul3A_760, %mul3A_761 : vector<16xf32>
          %mul3A_763 = arith.mulf %sub3A_759, %sub3A_759 : vector<16xf32>
          %add3A_764 = arith.addf %add3A_762, %mul3A_763 : vector<16xf32>
          %div3A_765 = arith.constant 3.000000e+00 : f32
          %div3A_766 = vector.broadcast %div3A_765 : f32 to vector<16xf32>
          %div3A_767 = arith.divf %add3A_764, %div3A_766 : vector<16xf32>
          %add3A_768 = arith.constant 9.99999996E-13 : f32
          %add3A_769 = vector.broadcast %add3A_768 : f32 to vector<16xf32>
          %add3A_770 = arith.addf %div3A_767, %add3A_769 : vector<16xf32>
          %bitcast_convert_type3A = tpu.bitcast %add3A_770 : vector<16xf32> -> vector<16xi32>
          %shift_right_arithmetic3A = arith.constant 1 : i32
          %shift_right_arithmetic3A_771 = vector.broadcast %shift_right_arithmetic3A : i32 to vector<16xi32>
          %shift_right_arithmetic3A_772 = arith.shrsi %bitcast_convert_type3A, %shift_right_arithmetic3A_771 : vector<16xi32>
          %sub3A_773 = arith.constant 1597463007 : i32
          %sub3A_774 = vector.broadcast %sub3A_773 : i32 to vector<16xi32>
          %sub3A_775 = arith.subi %sub3A_774, %shift_right_arithmetic3A_772 : vector<16xi32>
          %bitcast_convert_type3A_776 = tpu.bitcast %sub3A_775 : vector<16xi32> -> vector<16xf32>
          %mul3A_777 = arith.constant 5.000000e-01 : f32
          %mul3A_778 = vector.broadcast %mul3A_777 : f32 to vector<16xf32>
          %mul3A_779 = arith.mulf %mul3A_778, %add3A_770 : vector<16xf32>
          %mul3A_780 = arith.mulf %mul3A_779, %bitcast_convert_type3A_776 : vector<16xf32>
          %mul3A_781 = arith.mulf %mul3A_780, %bitcast_convert_type3A_776 : vector<16xf32>
          %sub3A_782 = arith.constant 1.500000e+00 : f32
          %sub3A_783 = vector.broadcast %sub3A_782 : f32 to vector<16xf32>
          %sub3A_784 = arith.subf %sub3A_783, %mul3A_781 : vector<16xf32>
          %mul3A_785 = arith.mulf %bitcast_convert_type3A_776, %sub3A_784 : vector<16xf32>
          %mul3A_786 = arith.constant 5.000000e-01 : f32
          %mul3A_787 = vector.broadcast %mul3A_786 : f32 to vector<16xf32>
          %mul3A_788 = arith.mulf %mul3A_787, %add3A_770 : vector<16xf32>
          %mul3A_789 = arith.mulf %mul3A_788, %mul3A_785 : vector<16xf32>
          %mul3A_790 = arith.mulf %mul3A_789, %mul3A_785 : vector<16xf32>
          %sub3A_791 = arith.constant 1.500000e+00 : f32
          %sub3A_792 = vector.broadcast %sub3A_791 : f32 to vector<16xf32>
          %sub3A_793 = arith.subf %sub3A_792, %mul3A_790 : vector<16xf32>
          %mul3A_794 = arith.mulf %mul3A_785, %sub3A_793 : vector<16xf32>
          %mul3A_795 = arith.constant 5.000000e-01 : f32
          %mul3A_796 = vector.broadcast %mul3A_795 : f32 to vector<16xf32>
          %mul3A_797 = arith.mulf %mul3A_796, %add3A_770 : vector<16xf32>
          %mul3A_798 = arith.mulf %mul3A_797, %mul3A_794 : vector<16xf32>
          %mul3A_799 = arith.mulf %mul3A_798, %mul3A_794 : vector<16xf32>
          %sub3A_800 = arith.constant 1.500000e+00 : f32
          %sub3A_801 = vector.broadcast %sub3A_800 : f32 to vector<16xf32>
          %sub3A_802 = arith.subf %sub3A_801, %mul3A_799 : vector<16xf32>
          %mul3A_803 = arith.mulf %mul3A_794, %sub3A_802 : vector<16xf32>
          %mul3A_804 = arith.mulf %add3A_770, %mul3A_803 : vector<16xf32>
          %add3A_805 = arith.constant 451 : i32
          %add3A_806 = arith.addi %add3A_805, %mul3A_735 : i32
          %add3A_807 = vector.broadcast %add3A_806 : i32 to vector<16xi32>
          %add3A_808 = arith.addi %iota3A, %add3A_807 : vector<16xi32>
          tpu.vector_store_idx %arg20[%add3A_712, %add3A_808], %max3A_752 : memref<16x2883xf32, #tpu.memory_space<vmem>>[vector<16xi32>, vector<16xi32>], vector<16xf32>,
          %add3A_809 = arith.constant 960 : i32
          %add3A_810 = vector.broadcast %add3A_809 : i32 to vector<16xi32>
          %add3A_811 = arith.addi %add3A_808, %add3A_810 : vector<16xi32>
          tpu.vector_store_idx %arg20[%add3A_712, %add3A_811], %div3A_757 : memref<16x2883xf32, #tpu.memory_space<vmem>>[vector<16xi32>, vector<16xi32>], vector<16xf32>,
          %add3A_812 = arith.constant 1920 : i32
          %add3A_813 = vector.broadcast %add3A_812 : i32 to vector<16xi32>
          %add3A_814 = arith.addi %add3A_808, %add3A_813 : vector<16xi32>
          tpu.vector_store_idx %arg20[%add3A_712, %add3A_814], %mul3A_804 : memref<16x2883xf32, #tpu.memory_space<vmem>>[vector<16xi32>, vector<16xi32>], vector<16xf32>,
        }
        %scan3A_732 = arith.constant 32 : i32
      }
      %scan3A_707 = arith.constant 16 : i32
      "tpu.region"() ({
        %run_scoped3A_708 = tpu.sem_alloc : memref<!tpu.dma_semaphore, #tpu.memory_space<semaphore_mem>>
        %dma_start3A_709 = arith.constant 0 : i32
        %dma_start3A_710 = tpu.memref_slice %arg10[%add3A_58, %dma_start3A_709] : memref<20000x2883xf32, #tpu.memory_space<hbm>> -> memref<16x2883xf32, #tpu.memory_space<hbm>>
        %dma_start3A_711 = arith.constant 0 : i32
        %dma_start3A_712 = tpu.memref_slice %arg10[%add3A_58, %dma_start3A_711] : memref<20000x2883xf32, #tpu.memory_space<hbm>> -> memref<16x2883xf32, #tpu.memory_space<hbm>>
        tpu.enqueue_dma source(%arg20 : memref<16x2883xf32, #tpu.memory_space<vmem>>) target(%dma_start3A_712 : memref<16x2883xf32, #tpu.memory_space<hbm>>) target_semaphore(%run_scoped3A_708 : memref<!tpu.dma_semaphore, #tpu.memory_space<semaphore_mem>>)
        %dma_wait3A_713 = arith.constant 0 : i32
        %dma_wait3A_714 = tpu.memref_slice %arg10[%add3A_58, %dma_wait3A_713] : memref<20000x2883xf32, #tpu.memory_space<hbm>> -> memref<16x2883xf32, #tpu.memory_space<hbm>>
        %dma_wait3A_715 = arith.constant 0 : i32
        %dma_wait3A_716 = tpu.memref_slice %arg10[%add3A_58, %dma_wait3A_715] : memref<20000x2883xf32, #tpu.memory_space<hbm>> -> memref<16x2883xf32, #tpu.memory_space<hbm>>
        tpu.wait_dma2 semaphore(%run_scoped3A_708 : memref<!tpu.dma_semaphore, #tpu.memory_space<semaphore_mem>>) src(%arg20 : memref<16x2883xf32, #tpu.memory_space<vmem>>) dst(%dma_wait3A_716 : memref<16x2883xf32, #tpu.memory_space<hbm>>)
        tpu.yield
      }) : () -> ()
    }
    return
  }
}

</mosaic_0001>

<sc_bundles>
// kernel: kernel.3.cloned.1.call-start
scs
__scs_entry_jumppad:
0x0: {  	(pc) =	sbr.rel $0x88, $3  }
0x1: {  	(tag) =	ssettag $0x0;
	lr =	simm.s32 $0x1  }
0x2: {  	[smem:$0x3F9B] =	sst lr;
	_ =	strace $0xD0000000  }
0x3: {  	_ = 	snop  }
0x4: {  	_ = 	snop  }
0x5: {  	_ = 	snop  }
0x6: {  	_ = 	snop  }
0x7: {  	_ = 	snop  }
__scs_overlays_trampoline_lowered:
0x8: {  	[smem:$0x3FAA] =	sst s0  }
0x9: {  	[smem:$0x3FAB] =	sst s1  }
0xa: {  	[smem:$0x3FAC] =	sst s2  }
0xb: {  	[smem:$0x3FAD] =	sst s3  }
0xc: {  	[smem:$0x3FAE] =	sst s4  }
0xd: {  	[smem:$0x3FAF] =	sst s5  }
0xe: {  	[smem:$0x3FB0] =	sst s6  }
0xf: {  	[smem:$0x3FB1] =	sst s7  }
0x10: {  	[smem:$0x3FB2] =	sst s8  }
0x11: {  	[smem:$0x3FB3] =	sst s9;
	s0 =	simm.s32 @!p0 $0x0  }
0x12: {  	s1 =	sld [smem:$0x3F99];
	s0 =	simm.s32 @p0 $0x1  }
0x13: {  	[smem:$0x3FB4] =	sst s0;
	s0 =	simm.s32 @!p1 $0x0  }
0x14: {  	s2 =	sld [smem:$0x3F98];
	s0 =	simm.s32 @p1 $0x1  }
0x15: {  	[smem:$0x3FB5] =	sst s0;
	s0 =	simm.s32 @!p2 $0x0  }
0x16: {  	s3 =	sld [smem:$0x3FDB];
	s0 =	simm.s32 @p2 $0x1  }
0x17: {  	s4 =	simm.s32 $0x1BF5;
	[smem:$0x3FB7] =	sst s0  }
0x18: {  	s0 =	sld [smem:$0x3F9A];
	_ =	swait.ge [sflag:s4], $0x0  }
0x19: {  	s7 =	sld [smem:$0x3F9B]  }
0x1a: {  	s8 =	sadd.s32 $0xFFFFE003, lr  }
0x1b: {  	s9 =	sadd.s32 $0xFFFFFEF7, lr;
	s5 =	simm.s32 $0xFFFFFFFF;
	p2 =	slt.u32 s8, $0xFFFFF086  }
0x1c: {  	p1 =	slt.u32 s9, $0xF7A;
	s5 =	simm.s32 @!p2 $0x0  }
0x1d: {  	s5 =	simm.s32 @p1 $0x1;
	p0 =	seq.s32 s7, s2  }
0x1e: {  	s7 =	smul.u32 @!p0 $0xF7A, s2;
	p2 =	seq.s32 @!p0 s5, $0x0  }
0x1f: {  	s9 =	smul.u32 $0xF7A, s1;
	s8 =	simm.s32 @!p0 $0x1BF5;
	p2 =	por !p2, p0  }
0x20: {  	[sflag:s8] =	ssyncset.s32 @!p0 $0xFFFFF086;
	s6 =	sadd.s32 @!p0 s3, s7;
	s7 =	simm.s32 @!p0 $0x108  }
0x21: {  	s3 =	sadd.s32 s3, s9;
	s6 =	sadd.s32 @!p0 $0x88, s6;
	s7 =	simm.s32 @p2 $0x1082  }
0x22: {  	[simem:s7], [sflag:s8] =	dma.local @!p0 [hbm:s6], $0xF7A  }
0x23: {  	s9 =	sor.u32 $0xD0000000, s2;
	s6 =	simm.s32 $0x108;
	_ =	swait.ge @!p0 [sflag:s8], $0x0  }
0x24: {  	s3 =	sadd.s32 $0x88, s3;
	s6 =	simm.s32 @!p1 $0x1082;
	[sflag:s4] =	ssyncset.s32 $0xFFFFF086  }
0x25: {  	[simem:s6], [sflag:s4] =	dma.local [hbm:s3], $0xF7A  }
0x26: {  	[smem:$0x3F9B] =	sst s1;
	(tag) =	ssettag s2;
	_ =	strace s9  }
0x27: {  	s1 =	sld [smem:$0x3FAB]  }
0x28: {  	s2 =	sld [smem:$0x3FAC]  }
0x29: {  	s4 =	sld [smem:$0x3FAE]  }
0x2a: {  	p0 =	seq.s32 s5, $0x0;
	s5 =	sld [smem:$0x3FAF]  }
0x2b: {  	s6 =	sld [smem:$0x3FB0]  }
0x2c: {  	s7 =	sld [smem:$0x3FB1]  }
0x2d: {  	s3 =	simm.s32 $0x108;
	s8 =	sld [smem:$0x3FB2]  }
0x2e: {  	s3 =	simm.s32 @!p0 $0x1082;
	s9 =	sld [smem:$0x3FB3]  }
0x2f: {  	lr =	sadd.s32 s0, s3;
	s0 =	sld [smem:$0x3FAA]  }
0x30: {  	s3 =	sld [smem:$0x3FAD]  }
0x31: {  	[smem:$0x3FB6] =	sst s10  }
0x32: {  	s10 =	sld [smem:$0x3FB4];
	_ =	sdelay $0x3  }
0x33: {  	p0 =	seq.s32 s10, $0x1;
	s10 =	sld [smem:$0x3FB6];
	_ =	sdelay $0x3  }
0x34: {  	[smem:$0x3FB6] =	sst s10  }
0x35: {  	s10 =	sld [smem:$0x3FB5];
	_ =	sdelay $0x3  }
0x36: {  	p1 =	seq.s32 s10, $0x1;
	s10 =	sld [smem:$0x3FB6];
	_ =	sdelay $0x3  }
0x37: {  	[smem:$0x3FB6] =	sst s10  }
0x38: {  	s10 =	sld [smem:$0x3FB7]  }
0x39: {  	_ = 	snop;
	(pc) =	sbr.ind lr, $3  }
0x3a: {  	_ = 	snop  }
0x3b: {  	_ = 	snop  }
0x3c: {  	p2 =	seq.s32 s10, $0x1;
	s10 =	sld [smem:$0x3FB6]  }
0x3d: {  	_ =	shalt  }
0x3e: {  	_ =	shalt  }
0x3f: {  	_ =	shalt  }
0x40: {  	_ =	shalt  }
0x41: {  	_ =	shalt  }
0x42: {  	_ =	shalt  }
0x43: {  	_ =	shalt  }
0x44: {  	_ =	shalt  }
0x45: {  	_ =	shalt  }
0x46: {  	_ =	shalt  }
0x47: {  	_ =	shalt  }
0x48: {  	_ =	shalt  }
0x49: {  	_ =	shalt  }
0x4a: {  	_ =	shalt  }
0x4b: {  	_ =	shalt  }
0x4c: {  	_ =	shalt  }
0x4d: {  	_ =	shalt  }
0x4e: {  	_ =	shalt  }
0x4f: {  	_ =	shalt  }
0x50: {  	_ =	shalt  }
0x51: {  	_ =	shalt  }
0x52: {  	_ =	shalt  }
0x53: {  	_ =	shalt  }
0x54: {  	_ =	shalt  }
0x55: {  	_ =	shalt  }
0x56: {  	_ =	shalt  }
0x57: {  	_ =	shalt  }
0x58: {  	_ =	shalt  }
0x59: {  	_ =	shalt  }
0x5a: {  	_ =	shalt  }
0x5b: {  	_ =	shalt  }
0x5c: {  	_ =	shalt  }
0x5d: {  	_ =	shalt  }
0x5e: {  	_ =	shalt  }
0x5f: {  	_ =	shalt  }
0x60: {  	_ =	shalt  }
0x61: {  	_ =	shalt  }
0x62: {  	_ =	shalt  }
0x63: {  	_ =	shalt  }
0x64: {  	_ =	shalt  }
0x65: {  	_ =	shalt  }
0x66: {  	_ =	shalt  }
0x67: {  	_ =	shalt  }
0x68: {  	_ =	shalt  }
0x69: {  	_ =	shalt  }
0x6a: {  	_ =	shalt  }
0x6b: {  	_ =	shalt  }
0x6c: {  	_ =	shalt  }
0x6d: {  	_ =	shalt  }
0x6e: {  	_ =	shalt  }
0x6f: {  	_ =	shalt  }
0x70: {  	_ =	shalt  }
0x71: {  	_ =	shalt  }
0x72: {  	_ =	shalt  }
0x73: {  	_ =	shalt  }
0x74: {  	_ =	shalt  }
0x75: {  	_ =	shalt  }
0x76: {  	_ =	shalt  }
0x77: {  	_ =	shalt  }
0x78: {  	_ =	shalt  }
0x79: {  	_ =	shalt  }
0x7a: {  	_ =	shalt  }
0x7b: {  	_ =	shalt  }
0x7c: {  	_ =	shalt  }
0x7d: {  	_ =	shalt  }
0x7e: {  	_ =	shalt  }
0x7f: {  	_ =	shalt  }
0x80: {  	_ =	shalt  }
0x81: {  	_ =	shalt  }
0x82: {  	_ =	shalt  }
0x83: {  	_ =	shalt  }
0x84: {  	_ =	shalt  }
0x85: {  	_ =	shalt  }
0x86: {  	_ =	shalt  }
0x87: {  	_ =	shalt  }
.Lfunc_end0:
.L_simem_size_0:
called_computation.1_lowered:
.L_overlay_start_0:
0x88: {  	s2 =	sld [smem:$0x3FD9]  }
0x89: {  	s3 =	sld [smem:$0x3FFE];
	_ =	sdelay $0x1  }
0x8a: {  	s1 =	srdreg.scid  }
0x8b: {  	s0 =	sand.u32 $0x1, s1  }
0x8c: {  	s17 =	sshll.u32 s0, $0xA;
	s2 =	sadd.s32 s3, s2  }
0x8d: {  	s2 =	sadd.s32 s2, s17  }
0x8e: {  	[smem:$0x3FC2] =	sst s2  }
0x8f: {  	_ = 	snop  }
0x90: {  	s2 =	sld [smem:$0x3FD0];
	(tm) =	ssettm $0x1  }
0x91: {  	s18 =	sld [smem:$0x3FFB];
	_ =	sdelay $0x3  }
0x92: {  	_ =	strace s18  }
0x93: {  	s3 =	sld [smem:$0x3FFC];
	_ =	sdelay $0x3  }
0x94: {  	_ =	strace s3  }
0x95: {  	s3 =	sld [smem:$0x3FFD];
	_ =	sdelay $0x3  }
0x96: {  	_ =	strace s3  }
0x97: {  	_ =	strace $0x8FFFFFFF  }
0x98: {  	s19 =	sld [smem:$0x3FDB];
	_ =	sdelay $0x1  }
0x99: {  	s4 =	simm.s32 $_scs_section_size  }
0x9a: {  	s5 =	simm.s32 $_size__tile_overlayer_lowered;
	s6 =	simm.s32 $_tile_overlayer_lowered  }
0x9b: {  	s22 =	simm.s32 $0x1BFF;
	s21 =	sshll.u32 s6, $0x1;
	s3 =	sadd.s32 s4, s19  }
0x9c: {  	s7 =	simm.s32 $0x0;
	s20 =	sshll.u32 s5, $0x1;
	s5 =	sadd.s32 s21, s3  }
0x9d: {  	[timem:s7], [sflag:s22] =	dma.local [hbm:s5], s20  }
0x9e: {  	_ =	swait.ge [sflag:s22], s20  }
0x9f: {  	s4 =	ssub.s32 $0x0, s20;
	[sflag:s22] =	ssyncset.done $0x0  }
0xa0: {  	[sflag:s22] =	ssyncadd.s32 s4;
	_ =	sdelay $0x1  }
0xa1: {  	s23 =	simm.s32 $0x1B8B  }
0xa2: {  	_ =	swait.ge [sflag:s23], $0x1  }
0xa3: {  	[sflag:s23] =	ssyncset.done $0x0  }
0xa4: {  	s25 =	simm.s32 $0x1B8E;
	s24 =	sld [smem:$0x3FFE];
	[sflag:s23] =	ssyncadd.s32 $0xFFFFFFFF  }
0xa5: {  	s26 =	simm.s32 $execute0_lowered;
	[smem:$0x3FD2] =	sst s25  }
0xa6: {  	s5 =	sshll.u32 s26, $0x1;
	_ =	strace $0x80000046;
	[dreg:$0x1] =	wrdreg $0xFFFFFFFF  }
0xa7: {  	s28 =	simm.s32 $_size_execute0_lowered;
	s3 =	sadd.s32 s3, s5;
	[dreg:$0x0] =	wrdreg $0x0  }
0xa8: {  	s5 =	sshll.u32 s28, $0x1;
	[dreg:$0x2] =	wrdreg s3  }
0xa9: {  	[dreg:$0x3] =	wrdreg s5  }
0xaa: {  	[dreg:$0x4] =	wrdreg $0xC0  }
0xab: {  	_ =	task [dreg:s7], $0x5FFFF  }
0xac: {  	[dreg:$0x1] =	wrdreg $0xFFFFFFFF  }
0xad: {  	[dreg:$0x0] =	wrdreg $0x60  }
0xae: {  	[dreg:$0x2] =	wrdreg s24  }
0xaf: {  	[dreg:$0x3] =	wrdreg s2  }
0xb0: {  	[dreg:$0x4] =	wrdreg $0x9  }
0xb1: {  	_ =	task.clear_ibuf [dreg:s7], $0x5FFFF;
	_ =	strace $0x90000046  }
0xb2: {  	s29 =	simm.s32 $0x9;
	_ =	strace $0x80000048  }
0xb3: {  	_ =	swait.ge [sflag:s29], $0x1  }
0xb4: {  	[sflag:s29] =	ssyncadd.s32 $0xFFFFFFFF  }
0xb5: {  	_ =	strace $0x90000048  }
0xb6: {  	_ =	sfence  }
0xb7: {  	s30 =	sld [smem:$0x0];
	_ =	sdelay $0x2  }
0xb8: {  	s31 =	sshll.u32 s1, $0xD;
	s1 =	sshrl.u32 s1, $0x2  }
0xb9: {  	s3 =	sand.u32 $0x4000, s31;
	s1 =	sadd.s32 s1, s30  }
0xba: {  	s0 =	sor.u32 s3, s0;
	s1 =	sshll.u32 s1, $0x11  }
0xbb: {  	s0 =	sor.u32 s1, s0  }
0xbc: {  	s0 =	sadd.s32 $0x8F2B, s0  }
0xbd: {  	[sflag:s0] =	ssyncadd.remote.s32 $0x1  }
0xbe: {  	_ =	sfence.sel $0xFFFF  }
0xbf: {  	[dreg:$0x0] =	wrdreg $0xFFFFFFFF;
	(pc) =	sbr.abs _section_cstart, $3  }
0xc0: {  	[dreg:$0x1] =	wrdreg $0xFFFFFFFF  }
0xc1: {  	_ =	task.clear_ibuf [dreg:s7], $0x2FFFF;
	_ =	strace $0x9FFFFFFF  }
0xc2: {  	(tm) =	ssettm $0x7FFFFFFF  }
0xc3: {  	_ =	shalt  }
tec
execute0_lowered:
.L_overlay_start_1:
0x0: {  	(tag) =	ssettag $0x1  }
0x1: {  	s0 =	srdreg.scid  }
0x2: {  	s8 =	stileid.u32;
	s2 =	rddreg [dreg:$0x0]  }
0x3: {  	s3 =	simm.s32 $0x0;
	s28 =	simm.s32 $0x10;
	s13 =	simm.s32 $0x32C0  }
0x4: {  	s14 =	simm.s32 $0x1E60;
	s15 =	simm.s32 $0x52C0;
	s16 =	simm.s32 $0x1E70  }
0x5: {  	s0 =	sand.u32 $0x1, s0;
	s1 =	sshll.u32 s8, $0x1;
	[smem:$0x7FF] =	sst s3  }
0x6: {  	s12 =	sadd.s32 $0x6400, s2;
	s5 =	sadd.s32 $0xBE00, s2;
	s1 =	sor.u32 s0, s1  }
0x7: {  	s6 =	sadd.s32 $0x3600, s2;
	s0 =	ssub.s32 $0x2, s0;
	s4 =	smul.u32 $0x27, s1  }
0x8: {  	s7 =	sadd.s32 $0x2800, s2;
	s1 =	smin.u32 s1, $0x2;
	s17 =	sshrl.u32 s0, $0x1  }
0x9: {  	p0 =	seq.s32 s8, $0x0;
	s0 =	ssub.s32 s0, s17;
	s1 =	sadd.s32 s1, s4  }
0xa: {  	_ =	strace $0x80000047;
	s0 =	smax.u32 s0, $0x1;
	s10 =	sshll.u32 s1, $0x1  }
0xb: {  	[dreg:$0xf] =	wrdreg s0;
	s11 =	sadd.s32 s10, s2;
	s22 =	sadd.s32 s12, s10  }
0xc: {  	s9 =	sshll.u32 s1, $0x4;
	s18 =	sadd.s32 $0x5A00, s11;
	[dreg:$0x6] =	wrdreg s22  }
0xd: {  	s20 =	sshrl.u32 s9, $0x3;
	s19 =	sadd.s32 $0x5000, s11;
	[dreg:$0x3] =	wrdreg s18  }
0xe: {  	v0 =	vimm.f32 $3.000000000e+00;
	s21 =	sadd.s32 $0x600, s11;
	s1 =	sadd.s32 s12, s20;
	[dreg:$0x4] =	wrdreg s19  }
0xf: {  	s8 =	simm.s32 $0x28;
	(erf) = vrcp.f32 v0;
	[dreg:$0x5] =	wrdreg s21;
	s23 =	sadd.s32 $0xA00, s1  }
0x10: {  	s8 =	simm.s32 @!p0 $0x27;
	s24 =	sadd.s32 $0x1400, s1;
	[dreg:$0x7] =	wrdreg s23  }
0x11: {  	s17 =	simm.s32 $0x92C0;
	s25 =	sadd.s32 $0x1E00, s1;
	[dreg:$0x8] =	wrdreg s24  }
0x12: {  	s4 =	sadd.s32 $0xF000, s2;
	s26 =	sadd.s32 $0x2800, s1;
	[dreg:$0x9] =	wrdreg s25  }
0x13: {  	s2 =	simm.s32 $0x1;
	s29 =	sadd.s32 $0x3200, s1;
	[dreg:$0xa] =	wrdreg s26  }
0x14: {  	s20 =	simm.s32 $0x1E90;
	s30 =	sadd.s32 $0x3C00, s1;
	[dreg:$0xb] =	wrdreg s29  }
0x15: {  	v0 =	vlaneseq.u32;
	s22 =	simm.s32 $0x1EB0;
	s31 =	sadd.s32 $0x4600, s1;
	[dreg:$0xc] =	wrdreg s30  }
0x16: {  	v1 =	vmul.u32 $0xB48, v0;
	s1 =	sadd.s32 $0x5000, s1;
	s18 =	simm.s32 $0x1E80;
	[dreg:$0xd] =	wrdreg s31  }
0x17: {  	v5 =	vor.u32 $0x3C0, v0;
	s19 =	simm.s32 $0x26C0;
	s21 =	simm.s32 $0x1EA0;
	[dreg:$0xe] =	wrdreg s1  }
0x18: {  	v6 =	vor.u32 $0x780, v0;
	v2 =	vor.u32 $0x1, v1;
	v4 =	vor.u32 $0x2, v1;
	s23 =	simm.s32 $0x2;
	s26 =	simm.s32 $0xD2C0;
	s1 =	simm.s32 $0x0;
	v3 =	vpop (erf)  }
.LBB2_1:
0x19: {  	[dreg:$0x10] =	wrdreg s1  }
0x1a: {  	s0 =	rddreg [dreg:$0x3]  }
0x1b: {  	[tilespmem:s3], [sflag:$0x2] =	stream.linear.gather [hbm4b:s0+s3], $0x280, $0x38;
	[tilespmem:$0x18740] =	vst v63  }
0x1c: {  	_ =	swait.ge [sflag:s23], $0x280  }
0x1d: {  	[sflag:s23] =	ssyncset.done $0x0  }
0x1e: {  	s12 =	simm.s32 $0x280;
	s11 =	rddreg [dreg:$0x4];
	[sflag:s23] =	ssyncadd.s32 $0xFFFFFD80  }
0x1f: {  	[tilespmem:s12], [sflag:$0x2] =	stream.linear.gather [hbm4b:s11+s3], $0x280, $0x38;
	[tilespmem:$0x18740] =	vst v63  }
0x20: {  	_ =	swait.ge [sflag:s23], $0x280  }
0x21: {  	[sflag:s23] =	ssyncset.done $0x0  }
0x22: {  	s25 =	simm.s32 $0x500;
	s24 =	rddreg [dreg:$0x5];
	[sflag:s23] =	ssyncadd.s32 $0xFFFFFD80  }
0x23: {  	[tilespmem:s25], [sflag:$0x2] =	stream.linear.gather [hbm4b:s24+s3], $0x280, $0x38;
	[tilespmem:$0x18740] =	vst v63  }
0x24: {  	_ =	swait.ge [sflag:s23], $0x280  }
0x25: {  	[sflag:s23] =	ssyncset.done $0x0  }
0x26: {  	s31 =	simm.s32 $0x780;
	s30 =	rddreg [dreg:$0x6];
	[sflag:s23] =	ssyncadd.s32 $0xFFFFFD80  }
0x27: {  	[tilespmem:s31], [sflag:$0x2] =	stream.linear.gather [hbm4b:s30+s3], $0x280, $0x38;
	[tilespmem:$0x18740] =	vst v63  }
0x28: {  	_ =	swait.ge [sflag:s23], $0x280  }
0x29: {  	[sflag:s23] =	ssyncset.done $0x0  }
0x2a: {  	s10 =	simm.s32 $0xA00;
	s1 =	rddreg [dreg:$0x7];
	[sflag:s23] =	ssyncadd.s32 $0xFFFFFD80  }
0x2b: {  	[tilespmem:s10], [sflag:$0x2] =	stream.linear.gather [hbm4b:s1+s3], $0x280, $0x38;
	[tilespmem:$0x18740] =	vst v63  }
0x2c: {  	_ =	swait.ge [sflag:s23], $0x280  }
0x2d: {  	[sflag:s23] =	ssyncset.done $0x0  }
0x2e: {  	s12 =	simm.s32 $0xC80;
	s11 =	rddreg [dreg:$0x8];
	[sflag:s23] =	ssyncadd.s32 $0xFFFFFD80  }
0x2f: {  	[tilespmem:s12], [sflag:$0x2] =	stream.linear.gather [hbm4b:s11+s3], $0x280, $0x38;
	[tilespmem:$0x18740] =	vst v63  }
0x30: {  	_ =	swait.ge [sflag:s23], $0x280  }
0x31: {  	[sflag:s23] =	ssyncset.done $0x0  }
0x32: {  	s25 =	simm.s32 $0xF00;
	s24 =	rddreg [dreg:$0x9];
	[sflag:s23] =	ssyncadd.s32 $0xFFFFFD80  }
0x33: {  	[tilespmem:s25], [sflag:$0x2] =	stream.linear.gather [hbm4b:s24+s3], $0x280, $0x38;
	[tilespmem:$0x18740] =	vst v63  }
0x34: {  	_ =	swait.ge [sflag:s23], $0x280  }
0x35: {  	[sflag:s23] =	ssyncset.done $0x0  }
0x36: {  	s31 =	simm.s32 $0x1180;
	s30 =	rddreg [dreg:$0xa];
	[sflag:s23] =	ssyncadd.s32 $0xFFFFFD80  }
0x37: {  	[tilespmem:s31], [sflag:$0x2] =	stream.linear.gather [hbm4b:s30+s3], $0x280, $0x38;
	[tilespmem:$0x18740] =	vst v63  }
0x38: {  	_ =	swait.ge [sflag:s23], $0x280  }
0x39: {  	[sflag:s23] =	ssyncset.done $0x0  }
0x3a: {  	s10 =	simm.s32 $0x1400;
	s1 =	rddreg [dreg:$0xb];
	[sflag:s23] =	ssyncadd.s32 $0xFFFFFD80  }
0x3b: {  	[tilespmem:s10], [sflag:$0x2] =	stream.linear.gather [hbm4b:s1+s3], $0x280, $0x38;
	[tilespmem:$0x18740] =	vst v63  }
0x3c: {  	_ =	swait.ge [sflag:s23], $0x280  }
0x3d: {  	[sflag:s23] =	ssyncset.done $0x0  }
0x3e: {  	s12 =	simm.s32 $0x1680;
	s11 =	rddreg [dreg:$0xc];
	[sflag:s23] =	ssyncadd.s32 $0xFFFFFD80  }
0x3f: {  	[tilespmem:s12], [sflag:$0x2] =	stream.linear.gather [hbm4b:s11+s3], $0x280, $0x38;
	[tilespmem:$0x18740] =	vst v63  }
0x40: {  	_ =	swait.ge [sflag:s23], $0x280  }
0x41: {  	[sflag:s23] =	ssyncset.done $0x0  }
0x42: {  	s25 =	simm.s32 $0x1900;
	s24 =	rddreg [dreg:$0xd];
	[sflag:s23] =	ssyncadd.s32 $0xFFFFFD80  }
0x43: {  	[tilespmem:s25], [sflag:$0x2] =	stream.linear.gather [hbm4b:s24+s3], $0x280, $0x38;
	[tilespmem:$0x18740] =	vst v63  }
0x44: {  	_ =	swait.ge [sflag:s23], $0x280  }
0x45: {  	[sflag:s23] =	ssyncset.done $0x0  }
0x46: {  	s31 =	simm.s32 $0x1B80;
	s30 =	rddreg [dreg:$0xe];
	[sflag:s23] =	ssyncadd.s32 $0xFFFFFD80  }
0x47: {  	[tilespmem:s31], [sflag:$0x2] =	stream.linear.gather [hbm4b:s30+s3], $0x280, $0x38;
	[tilespmem:$0x18740] =	vst v63  }
0x48: {  	_ =	swait.ge [sflag:s23], $0x280  }
0x49: {  	[sflag:s23] =	ssyncset.done $0x0  }
0x4a: {  	s29 =	simm.s32 $0x0;
	[sflag:s23] =	ssyncadd.s32 $0xFFFFFD80  }
.LBB2_2:
0x4b: {  	s30 =	sshll.u32 s29, $0x4  }
0x4c: {  	v7 =	vld [tilespmem:s30+$0x0]  }
0x4d: {  	v8 =	vld [tilespmem:s30+$0x280]  }
0x4e: {  	v9 =	vld [tilespmem:s30+$0x500];
	_ =	sdelay $0x2  }
0x4f: {  	[tilespmem:v1+s26+$0x0] =	vst.idx.msk $0xffff, v7  }
0x50: {  	[tilespmem:v2+s26+$0x0] =	vst.idx.msk $0xffff, v8  }
0x51: {  	[tilespmem:v4+s26+$0x0] =	vst.idx.msk $0xffff, v9  }
0x52: {  	v7 =	vld [tilespmem:s30+$0xC80];
	_ =	sdelay $0x4  }
0x53: {  	v7 =	vsub.f32 $0.0e+00, v7;
	_ =	sdelay $0x1  }
0x54: {  	(erf) = vrcp.f32 v7;
	_ =	sdelay $0x2  }
0x55: {  	v7 =	vld [tilespmem:s30+$0xA00];
	_ =	sdelay $0x1  }
0x56: {  	v8 =	vld [tilespmem:s30+$0x780];
	_ =	sdelay $0x2  }
0x57: {  	v7 =	vsub.f32 $0.0e+00, v7  }
0x58: {  	v36 =	vpop (erf)  }
0x59: {  	v7 =	vmul.f32 v36, v7;
	v8 =	vmul.f32 v36, v8;
	_ =	sdelay $0x1  }
0x5a: {  	v7 =	vmul.f32 $2.480000000e+02, v7;
	v8 =	vmul.f32 $2.480000000e+02, v8;
	_ =	sdelay $0x1  }
0x5b: {  	v7 =	vadd.f32 $1.120000000e+02, v7;
	v8 =	vadd.f32 $1.120000000e+02, v8;
	_ =	sdelay $0x1  }
0x5c: {  	v7 =	vmax.f32 v7, $0.0e+00;
	v8 =	vmax.f32 v8, $0.0e+00  }
0x5d: {  	v7 =	vmin.f32 v7, $2.230000000e+02;
	v8 =	vmin.f32 v8, $2.230000000e+02  }
0x5e: {  	v37 =	vmul.f32 $2.500000000e-01, v7;
	v10 =	vmul.f32 $2.500000000e-01, v8  }
0x5f: {  	v11 =	vmul.f32 $1.250000000e-01, v7;
	v12 =	vmul.f32 $1.250000000e-01, v8  }
0x60: {  	v13 =	vmul.f32 $6.250000000e-02, v7;
	v7 =	vmul.f32 $3.125000000e-02, v7  }
0x61: {  	v14 =	vmul.f32 $6.250000000e-02, v8;
	v8 =	vmul.f32 $3.125000000e-02, v8  }
0x62: {  	v9 =	vtrunc.f32 v37;
	v10 =	vtrunc.f32 v10  }
0x63: {  	v11 =	vtrunc.f32 v11;
	v12 =	vtrunc.f32 v12  }
0x64: {  	v13 =	vtrunc.f32 v13;
	v7 =	vtrunc.f32 v7  }
0x65: {  	v39 =	vtrunc.f32 v14;
	v9 =	vcvt.f32.s32 v9  }
0x66: {  	v8 =	vtrunc.f32 v8;
	v11 =	vcvt.f32.s32 v11  }
0x67: {  	v10 =	vcvt.f32.s32 v10;
	v13 =	vcvt.f32.s32 v13;
	v9 =	vmul.u32 $0x38, v9  }
0x68: {  	v12 =	vcvt.f32.s32 v12;
	v7 =	vcvt.f32.s32 v7;
	v38 =	vmul.u32 $0x1C, v11  }
0x69: {  	v11 =	vcvt.f32.s32 v39;
	v13 =	vmul.u32 $0xE, v13;
	v9 =	vadd.s32 v10, v9  }
0x6a: {  	v8 =	vcvt.f32.s32 v8;
	v7 =	vmul.u32 $0x7, v7;
	v40 =	vadd.s32 v12, v38;
	[tilespmem:$0x1E00] =	vst v9  }
0x6b: {  	v41 =	vadd.s32 v11, v13;
	[tilespmem:$0x1E10] =	vst v40  }
0x6c: {  	v7 =	vadd.s32 v8, v7;
	[tilespmem:$0x1E20] =	vst v41  }
0x6d: {  	[tilespmem:$0x1E30] =	vst v7  }
0x6e: {  	v7 =	vld [tilespmem:s30+$0x1400];
	_ =	sdelay $0x4  }
0x6f: {  	v7 =	vsub.f32 $0.0e+00, v7;
	_ =	sdelay $0x1  }
0x70: {  	(erf) = vrcp.f32 v7;
	_ =	sdelay $0x2  }
0x71: {  	v7 =	vld [tilespmem:s30+$0x1180];
	_ =	sdelay $0x1  }
0x72: {  	v8 =	vld [tilespmem:s30+$0xF00];
	_ =	sdelay $0x2  }
0x73: {  	v7 =	vsub.f32 $0.0e+00, v7  }
0x74: {  	v42 =	vpop (erf)  }
0x75: {  	v7 =	vmul.f32 v42, v7;
	v8 =	vmul.f32 v42, v8;
	_ =	sdelay $0x1  }
0x76: {  	v7 =	vmul.f32 $2.480000000e+02, v7;
	v8 =	vmul.f32 $2.480000000e+02, v8;
	_ =	sdelay $0x1  }
0x77: {  	v7 =	vadd.f32 $1.120000000e+02, v7;
	v8 =	vadd.f32 $1.120000000e+02, v8;
	_ =	sdelay $0x1  }
0x78: {  	v7 =	vmax.f32 v7, $0.0e+00;
	v8 =	vmax.f32 v8, $0.0e+00  }
0x79: {  	v7 =	vmin.f32 v7, $2.230000000e+02;
	v8 =	vmin.f32 v8, $2.230000000e+02  }
0x7a: {  	v43 =	vmul.f32 $2.500000000e-01, v7;
	v44 =	vmul.f32 $2.500000000e-01, v8  }
0x7b: {  	v45 =	vmul.f32 $1.250000000e-01, v7;
	v46 =	vmul.f32 $1.250000000e-01, v8  }
0x7c: {  	v47 =	vmul.f32 $6.250000000e-02, v7;
	v7 =	vmul.f32 $3.125000000e-02, v7  }
0x7d: {  	v48 =	vmul.f32 $6.250000000e-02, v8;
	v8 =	vmul.f32 $3.125000000e-02, v8  }
0x7e: {  	v9 =	vtrunc.f32 v43;
	v10 =	vtrunc.f32 v44  }
0x7f: {  	v11 =	vtrunc.f32 v45;
	v12 =	vtrunc.f32 v46  }
0x80: {  	v13 =	vtrunc.f32 v47;
	v7 =	vtrunc.f32 v7  }
0x81: {  	v50 =	vtrunc.f32 v48;
	v9 =	vcvt.f32.s32 v9  }
0x82: {  	v8 =	vtrunc.f32 v8;
	v11 =	vcvt.f32.s32 v11  }
0x83: {  	v10 =	vcvt.f32.s32 v10;
	v13 =	vcvt.f32.s32 v13;
	v9 =	vmul.u32 $0x38, v9  }
0x84: {  	v12 =	vcvt.f32.s32 v12;
	v7 =	vcvt.f32.s32 v7;
	v49 =	vmul.u32 $0x1C, v11  }
0x85: {  	v11 =	vcvt.f32.s32 v50;
	v13 =	vmul.u32 $0xE, v13;
	v9 =	vadd.s32 v10, v9  }
0x86: {  	v8 =	vcvt.f32.s32 v8;
	v7 =	vmul.u32 $0x7, v7;
	v51 =	vadd.s32 v12, v49;
	[tilespmem:$0x1E40] =	vst v9  }
0x87: {  	v52 =	vadd.s32 v11, v13;
	[tilespmem:$0x1E50] =	vst v51  }
0x88: {  	v7 =	vadd.s32 v8, v7;
	[tilespmem:$0x1E60] =	vst v52  }
0x89: {  	[tilespmem:$0x1E70] =	vst v7  }
0x8a: {  	v7 =	vld [tilespmem:s30+$0x1B80];
	_ =	sdelay $0x4  }
0x8b: {  	v7 =	vsub.f32 $0.0e+00, v7;
	_ =	sdelay $0x1  }
0x8c: {  	(erf) = vrcp.f32 v7;
	_ =	sdelay $0x2  }
0x8d: {  	v7 =	vld [tilespmem:s30+$0x1900];
	_ =	sdelay $0x1  }
0x8e: {  	v8 =	vld [tilespmem:s30+$0x1680];
	_ =	sdelay $0x2  }
0x8f: {  	v7 =	vsub.f32 $0.0e+00, v7  }
0x90: {  	v53 =	vpop (erf)  }
0x91: {  	v7 =	vmul.f32 v53, v7;
	v8 =	vmul.f32 v53, v8;
	_ =	sdelay $0x1  }
0x92: {  	v7 =	vmul.f32 $2.480000000e+02, v7;
	v8 =	vmul.f32 $2.480000000e+02, v8;
	_ =	sdelay $0x1  }
0x93: {  	v7 =	vadd.f32 $1.120000000e+02, v7;
	v8 =	vadd.f32 $1.120000000e+02, v8;
	_ =	sdelay $0x1  }
0x94: {  	v7 =	vmax.f32 v7, $0.0e+00;
	v8 =	vmax.f32 v8, $0.0e+00  }
0x95: {  	v7 =	vmin.f32 v7, $2.230000000e+02;
	v8 =	vmin.f32 v8, $2.230000000e+02  }
0x96: {  	v54 =	vmul.f32 $2.500000000e-01, v7;
	v55 =	vmul.f32 $2.500000000e-01, v8  }
0x97: {  	v56 =	vmul.f32 $1.250000000e-01, v7;
	v57 =	vmul.f32 $1.250000000e-01, v8  }
0x98: {  	v58 =	vmul.f32 $6.250000000e-02, v7;
	v7 =	vmul.f32 $3.125000000e-02, v7  }
0x99: {  	v59 =	vmul.f32 $6.250000000e-02, v8;
	v8 =	vmul.f32 $3.125000000e-02, v8  }
0x9a: {  	v9 =	vtrunc.f32 v54;
	v10 =	vtrunc.f32 v55  }
0x9b: {  	v11 =	vtrunc.f32 v56;
	v12 =	vtrunc.f32 v57  }
0x9c: {  	v13 =	vtrunc.f32 v58;
	v7 =	vtrunc.f32 v7  }
0x9d: {  	v61 =	vtrunc.f32 v59;
	v9 =	vcvt.f32.s32 v9  }
0x9e: {  	v8 =	vtrunc.f32 v8;
	v11 =	vcvt.f32.s32 v11  }
0x9f: {  	v10 =	vcvt.f32.s32 v10;
	v13 =	vcvt.f32.s32 v13;
	v9 =	vmul.u32 $0x38, v9  }
0xa0: {  	v12 =	vcvt.f32.s32 v12;
	v7 =	vcvt.f32.s32 v7;
	v60 =	vmul.u32 $0x1C, v11  }
0xa1: {  	v11 =	vcvt.f32.s32 v61;
	v13 =	vmul.u32 $0xE, v13;
	v9 =	vadd.s32 v10, v9  }
0xa2: {  	v8 =	vcvt.f32.s32 v8;
	v7 =	vmul.u32 $0x7, v7;
	v62 =	vadd.s32 v12, v60;
	[tilespmem:$0x1E80] =	vst v9  }
0xa3: {  	v63 =	vadd.s32 v11, v13;
	[tilespmem:$0x1E90] =	vst v62  }
0xa4: {  	v7 =	vadd.s32 v8, v7;
	[tilespmem:$0x1EA0] =	vst v63  }
0xa5: {  	s0 =	simm.s32 $0x1E00;
	s1 =	simm.s32 $0x1EC0;
	[tilespmem:$0x1EB0] =	vst v7  }
0xa6: {  	[tilespmem:s1], [sflag:$0x1] =	stream.indirect.gather [hbm4b:s4+s28], $0x40, s0, s28, $0xb8;
	[tilespmem:$0x18740] =	vst v63  }
0xa7: {  	s24 =	simm.s32 $0x1E10;
	s25 =	simm.s32 $0x2AC0  }
0xa8: {  	[tilespmem:s25], [sflag:$0x1] =	stream.indirect.gather [hbm4b:s5+s28], $0x80, s24, s28, $0xb8;
	[tilespmem:$0x18740] =	vst v63  }
0xa9: {  	s10 =	simm.s32 $0x42C0;
	s1 =	simm.s32 $0x1E20  }
0xaa: {  	[tilespmem:s10], [sflag:$0x1] =	stream.indirect.gather [hbm4b:s6+s28], $0x100, s1, s28, $0xb8;
	[tilespmem:$0x18740] =	vst v63  }
0xab: {  	s11 =	simm.s32 $0x1E30;
	s12 =	simm.s32 $0x72C0  }
0xac: {  	[tilespmem:s12], [sflag:$0x1] =	stream.indirect.gather [hbm4b:s7+s28], $0x200, s11, s28, $0xb8;
	[tilespmem:$0x18740] =	vst v63  }
0xad: {  	s31 =	simm.s32 $0x22C0;
	s24 =	simm.s32 $0x1E40  }
0xae: {  	[tilespmem:s31], [sflag:$0x1] =	stream.indirect.gather [hbm4b:s4+s28], $0x40, s24, s28, $0xb8;
	[tilespmem:$0x18740] =	vst v63  }
0xaf: {  	s25 =	simm.s32 $0x1E50  }
0xb0: {  	[tilespmem:s13], [sflag:$0x1] =	stream.indirect.gather [hbm4b:s5+s28], $0x80, s25, s28, $0xb8;
	[tilespmem:$0x18740] =	vst v63  }
0xb1: {  	_ = 	snop  }
0xb2: {  	[tilespmem:s15], [sflag:$0x1] =	stream.indirect.gather [hbm4b:s6+s28], $0x100, s14, s28, $0xb8;
	[tilespmem:$0x18740] =	vst v63  }
0xb3: {  	_ = 	snop  }
0xb4: {  	[tilespmem:s17], [sflag:$0x1] =	stream.indirect.gather [hbm4b:s7+s28], $0x200, s16, s28, $0xb8;
	[tilespmem:$0x18740] =	vst v63  }
0xb5: {  	_ = 	snop  }
0xb6: {  	[tilespmem:s19], [sflag:$0x1] =	stream.indirect.gather [hbm4b:s4+s28], $0x40, s18, s28, $0xb8;
	[tilespmem:$0x18740] =	vst v63  }
0xb7: {  	s1 =	simm.s32 $0x3AC0  }
0xb8: {  	[tilespmem:s1], [sflag:$0x1] =	stream.indirect.gather [hbm4b:s5+s28], $0x80, s20, s28, $0xb8;
	[tilespmem:$0x18740] =	vst v63  }
0xb9: {  	s0 =	simm.s32 $0x62C0  }
0xba: {  	[tilespmem:s0], [sflag:$0x1] =	stream.indirect.gather [hbm4b:s6+s28], $0x100, s21, s28, $0xb8;
	[tilespmem:$0x18740] =	vst v63  }
0xbb: {  	s11 =	simm.s32 $0xB2C0  }
0xbc: {  	[tilespmem:s11], [sflag:$0x1] =	stream.indirect.gather [hbm4b:s7+s28], $0x200, s22, s28, $0xb8;
	[tilespmem:$0x18740] =	vst v63  }
0xbd: {  	_ =	swait.ge [sflag:s2], $0x400  }
0xbe: {  	[sflag:s2] =	ssyncset.done $0x0  }
0xbf: {  	[sflag:s2] =	ssyncadd.s32 $0xFFFFFC00  }
0xc0: {  	_ =	swait.ge [sflag:s2], $0x800  }
0xc1: {  	[sflag:s2] =	ssyncset.done $0x0  }
0xc2: {  	[sflag:s2] =	ssyncadd.s32 $0xFFFFF800  }
0xc3: {  	_ =	swait.ge [sflag:s2], $0x1000  }
0xc4: {  	[sflag:s2] =	ssyncset.done $0x0  }
0xc5: {  	[sflag:s2] =	ssyncadd.s32 $0xFFFFF000  }
0xc6: {  	_ =	swait.ge [sflag:s2], $0x2000  }
0xc7: {  	[sflag:s2] =	ssyncset.done $0x0  }
0xc8: {  	[sflag:s2] =	ssyncadd.s32 $0xFFFFE000  }
0xc9: {  	_ =	swait.ge [sflag:s2], $0x400  }
0xca: {  	[sflag:s2] =	ssyncset.done $0x0  }
0xcb: {  	[sflag:s2] =	ssyncadd.s32 $0xFFFFFC00  }
0xcc: {  	_ =	swait.ge [sflag:s2], $0x800  }
0xcd: {  	[sflag:s2] =	ssyncset.done $0x0  }
0xce: {  	[sflag:s2] =	ssyncadd.s32 $0xFFFFF800  }
0xcf: {  	_ =	swait.ge [sflag:s2], $0x1000  }
0xd0: {  	[sflag:s2] =	ssyncset.done $0x0  }
0xd1: {  	[sflag:s2] =	ssyncadd.s32 $0xFFFFF000  }
0xd2: {  	_ =	swait.ge [sflag:s2], $0x2000  }
0xd3: {  	[sflag:s2] =	ssyncset.done $0x0  }
0xd4: {  	[sflag:s2] =	ssyncadd.s32 $0xFFFFE000  }
0xd5: {  	_ =	swait.ge [sflag:s2], $0x400  }
0xd6: {  	[sflag:s2] =	ssyncset.done $0x0  }
0xd7: {  	[sflag:s2] =	ssyncadd.s32 $0xFFFFFC00  }
0xd8: {  	_ =	swait.ge [sflag:s2], $0x800  }
0xd9: {  	[sflag:s2] =	ssyncset.done $0x0  }
0xda: {  	[sflag:s2] =	ssyncadd.s32 $0xFFFFF800  }
0xdb: {  	_ =	swait.ge [sflag:s2], $0x1000  }
0xdc: {  	[sflag:s2] =	ssyncset.done $0x0  }
0xdd: {  	[sflag:s2] =	ssyncadd.s32 $0xFFFFF000  }
0xde: {  	_ =	swait.ge [sflag:s2], $0x2000  }
0xdf: {  	[sflag:s2] =	ssyncset.done $0x0  }
0xe0: {  	s25 =	simm.s32 $0x0;
	[sflag:s2] =	ssyncadd.s32 $0xFFFFE000  }
.LBB2_3:
0xe1: {  	v8 =	vld [tilespmem:s31+$0xFFFFFC00]  }
0xe2: {  	v9 =	vld [tilespmem:s31+$0x0];
	_ =	sdelay $0x1  }
0xe3: {  	v10 =	vld [tilespmem:s31+$0x400];
	_ =	sdelay $0x2  }
0xe4: {  	v7 =	vadd.f32 v9, v8;
	_ =	sdelay $0x1  }
0xe5: {  	v7 =	vadd.f32 v10, v7;
	_ =	sdelay $0x1  }
0xe6: {  	v11 =	vmul.f32 v7, v3;
	_ =	sdelay $0x1  }
0xe7: {  	v7 =	vsub.f32 v8, v11;
	v12 =	vsub.f32 v9, v11;
	_ =	sdelay $0x1  }
0xe8: {  	v13 =	vsub.f32 v10, v11;
	v7 =	vmul.f32 v7, v7;
	v12 =	vmul.f32 v12, v12;
	_ =	sdelay $0x1  }
0xe9: {  	v57 =	vmul.f32 v13, v13;
	v7 =	vadd.f32 v12, v7;
	_ =	sdelay $0x1  }
0xea: {  	v7 =	vadd.f32 v7, v57;
	_ =	sdelay $0x1  }
0xeb: {  	v7 =	vmul.f32 v7, v3;
	_ =	sdelay $0x1  }
0xec: {  	v58 =	vadd.f32 $9.999999960e-13, v7;
	_ =	sdelay $0x1  }
0xed: {  	v7 =	vshra.s32 v58, $0x1;
	v59 =	vmul.f32 $5.000000000e-01, v58  }
0xee: {  	v7 =	vsub.s32 $0x5F3759DF, v7  }
0xef: {  	v14 =	vmul.f32 v7, v59;
	_ =	sdelay $0x1  }
0xf0: {  	v14 =	vmul.f32 v7, v14;
	_ =	sdelay $0x1  }
0xf1: {  	v14 =	vsub.f32 $1.500000000e+00, v14;
	_ =	sdelay $0x1  }
0xf2: {  	v14 =	vmul.f32 v7, v14;
	_ =	sdelay $0x1  }
0xf3: {  	v7 =	vmul.f32 v14, v59  }
0xf4: {  	v15 =	vmov s25  }
0xf5: {  	v15 =	vmul.u32 $0xB48, v15;
	v7 =	vmul.f32 v7, v14  }
0xf6: {  	s10 =	simm.s32 $0x3  }
0xf7: {  	v60 =	vadd.s32 s10, v0;
	v16 =	vsub.f32 $1.500000000e+00, v7;
	v7 =	vbroadcast v15, $0x0  }
0xf8: {  	v61 =	vand.u32 $0x78, v60  }
0xf9: {  	v15 =	vand.u32 $0x7, v60;
	v14 =	vmul.f32 v16, v14;
	v16 =	vadd.s32 v7, v61  }
0xfa: {  	v15 =	vor.u32 v15, v16  }
0xfb: {  	v17 =	vadd.s32 s10, v5;
	v13 =	vmul.f32 v14, v59  }
0xfc: {  	v62 =	vand.u32 $0x7F8, v17;
	v17 =	vand.u32 $0x7, v17;
	v8 =	vmax.f32 v8, v9  }
0xfd: {  	v9 =	vadd.s32 s10, v6;
	v16 =	vadd.s32 v7, v62;
	v13 =	vmul.f32 v13, v14  }
0xfe: {  	v8 =	vmax.f32 v8, v10;
	v63 =	vand.u32 $0x7F8, v9;
	v16 =	vor.u32 v17, v16  }
0xff: {  	v13 =	vsub.f32 $1.500000000e+00, v13;
	[tilespmem:v15+s26+$0x0] =	vst.idx.msk $0xffff, v8;
	v8 =	vand.u32 $0x7, v9;
	v9 =	vadd.s32 v7, v63  }
0x100: {  	v8 =	vor.u32 v8, v9  }
0x101: {  	v10 =	vmul.f32 v13, v14;
	_ =	sdelay $0x1  }
0x102: {  	s24 =	smov.u32 s31;
	s10 =	simm.s32 $0x13;
	[tilespmem:v16+s26+$0x0] =	vst.idx.msk $0xffff, v11;
	v9 =	vmul.f32 v10, v58  }
.LBB2_4:
0x103: {  	p0 =	sne.s32 s10, $0x33  }
0x104: {  	s24 =	sadd.s32 $0x10, s24;
	s12 =	smov.u32 s10;
	s10 =	sadd.s32 $0x10, s10;
	[tilespmem:v8+s26+$0x0] =	vst.idx.msk $0xffff, v9  }
0x105: {  	v8 =	vld [tilespmem:s24+$0xFFFFFC00]  }
0x106: {  	v10 =	vadd.s32 s12, v0;
	v9 =	vld [tilespmem:s24+$0x0]  }
0x107: {  	v11 =	vand.u32 $0x78, v10  }
0x108: {  	v10 =	vand.u32 $0x7, v10;
	v11 =	vadd.s32 v7, v11;
	v12 =	vld [tilespmem:s24+$0x400]  }
0x109: {  	v10 =	vor.u32 v10, v11;
	v11 =	vadd.s32 s12, v5  }
0x10a: {  	v13 =	vand.u32 $0x7F8, v11;
	v11 =	vand.u32 $0x7, v11  }
0x10b: {  	v13 =	vadd.s32 v7, v13;
	v14 =	vmax.f32 v8, v9;
	v15 =	vadd.f32 v9, v8  }
0x10c: {  	v11 =	vor.u32 v11, v13  }
0x10d: {  	v13 =	vmax.f32 v14, v12;
	v14 =	vadd.f32 v12, v15  }
0x10e: {  	[tilespmem:v10+s26+$0x0] =	vst.idx.msk $0xffff, v13  }
0x10f: {  	v10 =	vmul.f32 v14, v3;
	_ =	sdelay $0x1  }
0x110: {  	v8 =	vsub.f32 v8, v10;
	v9 =	vsub.f32 v9, v10;
	[tilespmem:v11+s26+$0x0] =	vst.idx.msk $0xffff, v10  }
0x111: {  	v10 =	vsub.f32 v12, v10  }
0x112: {  	v8 =	vmul.f32 v8, v8;
	v9 =	vmul.f32 v9, v9;
	_ =	sdelay $0x1  }
0x113: {  	v8 =	vadd.f32 v9, v8;
	v9 =	vmul.f32 v10, v10;
	_ =	sdelay $0x1  }
0x114: {  	v8 =	vadd.f32 v8, v9;
	_ =	sdelay $0x1  }
0x115: {  	v8 =	vmul.f32 v8, v3;
	_ =	sdelay $0x1  }
0x116: {  	v9 =	vadd.f32 $9.999999960e-13, v8;
	_ =	sdelay $0x1  }
0x117: {  	v8 =	vshra.s32 v9, $0x1;
	v10 =	vmul.f32 $5.000000000e-01, v9  }
0x118: {  	v8 =	vsub.s32 $0x5F3759DF, v8  }
0x119: {  	v11 =	vmul.f32 v8, v10;
	_ =	sdelay $0x1  }
0x11a: {  	v11 =	vmul.f32 v8, v11;
	_ =	sdelay $0x1  }
0x11b: {  	v11 =	vsub.f32 $1.500000000e+00, v11;
	_ =	sdelay $0x1  }
0x11c: {  	v8 =	vmul.f32 v8, v11;
	_ =	sdelay $0x1  }
0x11d: {  	v11 =	vmul.f32 v8, v10;
	_ =	sdelay $0x1  }
0x11e: {  	v11 =	vmul.f32 v11, v8;
	_ =	sdelay $0x1  }
0x11f: {  	v11 =	vsub.f32 $1.500000000e+00, v11;
	_ =	sdelay $0x1  }
0x120: {  	v11 =	vmul.f32 v11, v8;
	_ =	sdelay $0x1  }
0x121: {  	v8 =	vmul.f32 v11, v10;
	_ =	sdelay $0x1  }
0x122: {  	v10 =	vadd.s32 s12, v6;
	v8 =	vmul.f32 v8, v11  }
0x123: {  	v12 =	vand.u32 $0x7F8, v10  }
.Ltmp0:
0x124: {  	v13 =	vsub.f32 $1.500000000e+00, v8;
	v8 =	vand.u32 $0x7, v10;
	v10 =	vadd.s32 v7, v12;
	(pc) =	sbr.rel @p0 .LBB2_4-.Ltmp0, $3  }
0x125: {  	v8 =	vor.u32 v8, v10  }
0x126: {  	v10 =	vmul.f32 v13, v11;
	_ =	sdelay $0x1  }
0x127: {  	v9 =	vmul.f32 v10, v9  }
0x128: {  	_ =	sdelay $0x3  }
0x129: {  	[tilespmem:v8+s26+$0x0] =	vst.idx.msk $0xffff, v9  }
0x12a: {  	v8 =	vld [tilespmem:s1+$0xFFFFF000]  }
0x12b: {  	v9 =	vld [tilespmem:s1+$0xFFFFF800];
	_ =	sdelay $0x1  }
0x12c: {  	v10 =	vld [tilespmem:s1+$0x0];
	_ =	sdelay $0x2  }
0x12d: {  	v11 =	vadd.f32 v9, v8;
	_ =	sdelay $0x1  }
0x12e: {  	v11 =	vadd.f32 v10, v11;
	_ =	sdelay $0x1  }
0x12f: {  	v11 =	vmul.f32 v11, v3;
	_ =	sdelay $0x1  }
0x130: {  	v12 =	vsub.f32 v8, v11;
	v13 =	vsub.f32 v9, v11;
	_ =	sdelay $0x1  }
0x131: {  	v14 =	vsub.f32 v10, v11;
	v12 =	vmul.f32 v12, v12;
	v13 =	vmul.f32 v13, v13;
	_ =	sdelay $0x1  }
0x132: {  	v58 =	vmul.f32 v14, v14;
	v12 =	vadd.f32 v13, v12;
	_ =	sdelay $0x1  }
0x133: {  	v12 =	vadd.f32 v12, v58;
	_ =	sdelay $0x1  }
0x134: {  	v12 =	vmul.f32 v12, v3;
	_ =	sdelay $0x1  }
0x135: {  	v12 =	vadd.f32 $9.999999960e-13, v12;
	_ =	sdelay $0x1  }
0x136: {  	v59 =	vshra.s32 v12, $0x1;
	v60 =	vmul.f32 $5.000000000e-01, v12  }
0x137: {  	v13 =	vsub.s32 $0x5F3759DF, v59  }
0x138: {  	v15 =	vmul.f32 v13, v60;
	_ =	sdelay $0x1  }
0x139: {  	v15 =	vmul.f32 v13, v15;
	_ =	sdelay $0x1  }
0x13a: {  	v15 =	vsub.f32 $1.500000000e+00, v15;
	_ =	sdelay $0x1  }
0x13b: {  	v13 =	vmul.f32 v13, v15;
	_ =	sdelay $0x1  }
0x13c: {  	v15 =	vmul.f32 v13, v60;
	_ =	sdelay $0x1  }
0x13d: {  	v15 =	vmul.f32 v15, v13  }
0x13e: {  	s10 =	simm.s32 $0x43  }
0x13f: {  	v16 =	vadd.s32 s10, v0;
	v15 =	vsub.f32 $1.500000000e+00, v15  }
0x140: {  	v61 =	vand.u32 $0x1F8, v16  }
0x141: {  	v16 =	vand.u32 $0x7, v16;
	v13 =	vmul.f32 v15, v13;
	v15 =	vadd.s32 v7, v61  }
0x142: {  	v15 =	vor.u32 v16, v15  }
0x143: {  	v17 =	vadd.s32 s10, v5;
	v14 =	vmul.f32 v13, v60  }
0x144: {  	v62 =	vand.u32 $0x7F8, v17;
	v17 =	vand.u32 $0x7, v17;
	v8 =	vmax.f32 v8, v9  }
0x145: {  	v9 =	vadd.s32 s10, v6;
	v16 =	vadd.s32 v7, v62;
	v14 =	vmul.f32 v14, v13  }
0x146: {  	v8 =	vmax.f32 v8, v10;
	v63 =	vand.u32 $0xFF8, v9;
	v16 =	vor.u32 v17, v16  }
0x147: {  	v14 =	vsub.f32 $1.500000000e+00, v14;
	[tilespmem:v15+s26+$0x0] =	vst.idx.msk $0xffff, v8;
	v8 =	vand.u32 $0x7, v9;
	v9 =	vadd.s32 v7, v63  }
0x148: {  	v8 =	vor.u32 v8, v9  }
0x149: {  	v10 =	vmul.f32 v14, v13;
	_ =	sdelay $0x1  }
0x14a: {  	s24 =	smov.u32 s1;
	s10 =	simm.s32 $0x53;
	[tilespmem:v16+s26+$0x0] =	vst.idx.msk $0xffff, v11;
	v9 =	vmul.f32 v10, v12  }
.LBB2_6:
0x14b: {  	p0 =	sne.s32 s10, $0xB3  }
0x14c: {  	s24 =	sadd.s32 $0x10, s24;
	s12 =	smov.u32 s10;
	s10 =	sadd.s32 $0x10, s10;
	[tilespmem:v8+s26+$0x0] =	vst.idx.msk $0xffff, v9  }
0x14d: {  	v8 =	vld [tilespmem:s24+$0xFFFFF000]  }
0x14e: {  	v10 =	vadd.s32 s12, v0;
	v9 =	vld [tilespmem:s24+$0xFFFFF800]  }
0x14f: {  	v11 =	vand.u32 $0x1F8, v10  }
0x150: {  	v10 =	vand.u32 $0x7, v10;
	v11 =	vadd.s32 v7, v11;
	v12 =	vld [tilespmem:s24+$0x0]  }
0x151: {  	v10 =	vor.u32 v10, v11;
	v11 =	vadd.s32 s12, v5  }
0x152: {  	v13 =	vand.u32 $0x7F8, v11;
	v11 =	vand.u32 $0x7, v11  }
0x153: {  	v13 =	vadd.s32 v7, v13;
	v14 =	vmax.f32 v8, v9;
	v15 =	vadd.f32 v9, v8  }
0x154: {  	v11 =	vor.u32 v11, v13  }
0x155: {  	v13 =	vmax.f32 v14, v12;
	v14 =	vadd.f32 v12, v15  }
0x156: {  	[tilespmem:v10+s26+$0x0] =	vst.idx.msk $0xffff, v13  }
0x157: {  	v10 =	vmul.f32 v14, v3;
	_ =	sdelay $0x1  }
0x158: {  	v8 =	vsub.f32 v8, v10;
	v9 =	vsub.f32 v9, v10;
	[tilespmem:v11+s26+$0x0] =	vst.idx.msk $0xffff, v10  }
0x159: {  	v10 =	vsub.f32 v12, v10  }
0x15a: {  	v8 =	vmul.f32 v8, v8;
	v9 =	vmul.f32 v9, v9;
	_ =	sdelay $0x1  }
0x15b: {  	v8 =	vadd.f32 v9, v8;
	v9 =	vmul.f32 v10, v10;
	_ =	sdelay $0x1  }
0x15c: {  	v8 =	vadd.f32 v8, v9;
	_ =	sdelay $0x1  }
0x15d: {  	v8 =	vmul.f32 v8, v3;
	_ =	sdelay $0x1  }
0x15e: {  	v9 =	vadd.f32 $9.999999960e-13, v8;
	_ =	sdelay $0x1  }
0x15f: {  	v8 =	vshra.s32 v9, $0x1;
	v10 =	vmul.f32 $5.000000000e-01, v9  }
0x160: {  	v8 =	vsub.s32 $0x5F3759DF, v8  }
0x161: {  	v11 =	vmul.f32 v8, v10;
	_ =	sdelay $0x1  }
0x162: {  	v11 =	vmul.f32 v8, v11;
	_ =	sdelay $0x1  }
0x163: {  	v11 =	vsub.f32 $1.500000000e+00, v11;
	_ =	sdelay $0x1  }
0x164: {  	v8 =	vmul.f32 v8, v11;
	_ =	sdelay $0x1  }
0x165: {  	v11 =	vmul.f32 v8, v10;
	_ =	sdelay $0x1  }
0x166: {  	v11 =	vmul.f32 v11, v8;
	_ =	sdelay $0x1  }
0x167: {  	v11 =	vsub.f32 $1.500000000e+00, v11;
	_ =	sdelay $0x1  }
0x168: {  	v11 =	vmul.f32 v11, v8;
	_ =	sdelay $0x1  }
0x169: {  	v8 =	vmul.f32 v11, v10;
	_ =	sdelay $0x1  }
0x16a: {  	v10 =	vadd.s32 s12, v6;
	v8 =	vmul.f32 v8, v11  }
0x16b: {  	v12 =	vand.u32 $0xFF8, v10  }
.Ltmp1:
0x16c: {  	v13 =	vsub.f32 $1.500000000e+00, v8;
	v8 =	vand.u32 $0x7, v10;
	v10 =	vadd.s32 v7, v12;
	(pc) =	sbr.rel @p0 .LBB2_6-.Ltmp1, $3  }
0x16d: {  	v8 =	vor.u32 v8, v10  }
0x16e: {  	v10 =	vmul.f32 v13, v11;
	_ =	sdelay $0x1  }
0x16f: {  	v9 =	vmul.f32 v10, v9  }
0x170: {  	_ =	sdelay $0x3  }
0x171: {  	[tilespmem:v8+s26+$0x0] =	vst.idx.msk $0xffff, v9  }
0x172: {  	v8 =	vld [tilespmem:s0+$0xFFFFE000]  }
0x173: {  	v9 =	vld [tilespmem:s0+$0xFFFFF000];
	_ =	sdelay $0x1  }
0x174: {  	v10 =	vld [tilespmem:s0+$0x0];
	_ =	sdelay $0x2  }
0x175: {  	v11 =	vadd.f32 v9, v8;
	_ =	sdelay $0x1  }
0x176: {  	v11 =	vadd.f32 v10, v11;
	_ =	sdelay $0x1  }
0x177: {  	v11 =	vmul.f32 v11, v3;
	_ =	sdelay $0x1  }
0x178: {  	v12 =	vsub.f32 v8, v11;
	v13 =	vsub.f32 v9, v11;
	_ =	sdelay $0x1  }
0x179: {  	v14 =	vsub.f32 v10, v11;
	v12 =	vmul.f32 v12, v12;
	v13 =	vmul.f32 v13, v13;
	_ =	sdelay $0x1  }
0x17a: {  	v58 =	vmul.f32 v14, v14;
	v12 =	vadd.f32 v13, v12;
	_ =	sdelay $0x1  }
0x17b: {  	v12 =	vadd.f32 v12, v58;
	_ =	sdelay $0x1  }
0x17c: {  	v12 =	vmul.f32 v12, v3;
	_ =	sdelay $0x1  }
0x17d: {  	v12 =	vadd.f32 $9.999999960e-13, v12;
	_ =	sdelay $0x1  }
0x17e: {  	v59 =	vshra.s32 v12, $0x1;
	v60 =	vmul.f32 $5.000000000e-01, v12  }
0x17f: {  	v13 =	vsub.s32 $0x5F3759DF, v59  }
0x180: {  	v15 =	vmul.f32 v13, v60;
	_ =	sdelay $0x1  }
0x181: {  	v15 =	vmul.f32 v13, v15;
	_ =	sdelay $0x1  }
0x182: {  	v15 =	vsub.f32 $1.500000000e+00, v15;
	_ =	sdelay $0x1  }
0x183: {  	v13 =	vmul.f32 v13, v15;
	_ =	sdelay $0x1  }
0x184: {  	v15 =	vmul.f32 v13, v60;
	_ =	sdelay $0x1  }
0x185: {  	v15 =	vmul.f32 v15, v13  }
0x186: {  	s10 =	simm.s32 $0xC3  }
0x187: {  	v16 =	vadd.s32 s10, v0;
	v15 =	vsub.f32 $1.500000000e+00, v15  }
0x188: {  	v61 =	vand.u32 $0x3F8, v16  }
0x189: {  	v16 =	vand.u32 $0x7, v16;
	v13 =	vmul.f32 v15, v13;
	v15 =	vadd.s32 v7, v61  }
0x18a: {  	v15 =	vor.u32 v16, v15  }
0x18b: {  	v17 =	vadd.s32 s10, v5;
	v14 =	vmul.f32 v13, v60  }
0x18c: {  	v62 =	vand.u32 $0x7F8, v17;
	v17 =	vand.u32 $0x7, v17;
	v8 =	vmax.f32 v8, v9  }
0x18d: {  	v9 =	vadd.s32 s10, v6;
	v16 =	vadd.s32 v7, v62;
	v14 =	vmul.f32 v14, v13  }
0x18e: {  	v8 =	vmax.f32 v8, v10;
	v63 =	vand.u32 $0xFF8, v9;
	v16 =	vor.u32 v17, v16  }
0x18f: {  	v14 =	vsub.f32 $1.500000000e+00, v14;
	[tilespmem:v15+s26+$0x0] =	vst.idx.msk $0xffff, v8;
	v8 =	vand.u32 $0x7, v9;
	v9 =	vadd.s32 v7, v63  }
0x190: {  	v8 =	vor.u32 v8, v9  }
0x191: {  	v10 =	vmul.f32 v14, v13;
	_ =	sdelay $0x1  }
0x192: {  	s24 =	smov.u32 s0;
	s10 =	simm.s32 $0xD3;
	[tilespmem:v16+s26+$0x0] =	vst.idx.msk $0xffff, v11;
	v9 =	vmul.f32 v10, v12  }
.LBB2_8:
0x193: {  	p0 =	sne.s32 s10, $0x1B3  }
0x194: {  	s24 =	sadd.s32 $0x10, s24;
	s12 =	smov.u32 s10;
	s10 =	sadd.s32 $0x10, s10;
	[tilespmem:v8+s26+$0x0] =	vst.idx.msk $0xffff, v9  }
0x195: {  	v8 =	vld [tilespmem:s24+$0xFFFFE000]  }
0x196: {  	v10 =	vadd.s32 s12, v0;
	v9 =	vld [tilespmem:s24+$0xFFFFF000]  }
0x197: {  	v11 =	vand.u32 $0x3F8, v10  }
0x198: {  	v10 =	vand.u32 $0x7, v10;
	v11 =	vadd.s32 v7, v11;
	v12 =	vld [tilespmem:s24+$0x0]  }
0x199: {  	v10 =	vor.u32 v10, v11;
	v11 =	vadd.s32 s12, v5  }
0x19a: {  	v13 =	vand.u32 $0x7F8, v11;
	v11 =	vand.u32 $0x7, v11  }
0x19b: {  	v13 =	vadd.s32 v7, v13;
	v14 =	vmax.f32 v8, v9;
	v15 =	vadd.f32 v9, v8  }
0x19c: {  	v11 =	vor.u32 v11, v13  }
0x19d: {  	v13 =	vmax.f32 v14, v12;
	v14 =	vadd.f32 v12, v15  }
0x19e: {  	[tilespmem:v10+s26+$0x0] =	vst.idx.msk $0xffff, v13  }
0x19f: {  	v10 =	vmul.f32 v14, v3;
	_ =	sdelay $0x1  }
0x1a0: {  	v8 =	vsub.f32 v8, v10;
	v9 =	vsub.f32 v9, v10;
	[tilespmem:v11+s26+$0x0] =	vst.idx.msk $0xffff, v10  }
0x1a1: {  	v10 =	vsub.f32 v12, v10  }
0x1a2: {  	v8 =	vmul.f32 v8, v8;
	v9 =	vmul.f32 v9, v9;
	_ =	sdelay $0x1  }
0x1a3: {  	v8 =	vadd.f32 v9, v8;
	v9 =	vmul.f32 v10, v10;
	_ =	sdelay $0x1  }
0x1a4: {  	v8 =	vadd.f32 v8, v9;
	_ =	sdelay $0x1  }
0x1a5: {  	v8 =	vmul.f32 v8, v3;
	_ =	sdelay $0x1  }
0x1a6: {  	v9 =	vadd.f32 $9.999999960e-13, v8;
	_ =	sdelay $0x1  }
0x1a7: {  	v8 =	vshra.s32 v9, $0x1;
	v10 =	vmul.f32 $5.000000000e-01, v9  }
0x1a8: {  	v8 =	vsub.s32 $0x5F3759DF, v8  }
0x1a9: {  	v11 =	vmul.f32 v8, v10;
	_ =	sdelay $0x1  }
0x1aa: {  	v11 =	vmul.f32 v8, v11;
	_ =	sdelay $0x1  }
0x1ab: {  	v11 =	vsub.f32 $1.500000000e+00, v11;
	_ =	sdelay $0x1  }
0x1ac: {  	v8 =	vmul.f32 v8, v11;
	_ =	sdelay $0x1  }
0x1ad: {  	v11 =	vmul.f32 v8, v10;
	_ =	sdelay $0x1  }
0x1ae: {  	v11 =	vmul.f32 v11, v8;
	_ =	sdelay $0x1  }
0x1af: {  	v11 =	vsub.f32 $1.500000000e+00, v11;
	_ =	sdelay $0x1  }
0x1b0: {  	v11 =	vmul.f32 v11, v8;
	_ =	sdelay $0x1  }
0x1b1: {  	v8 =	vmul.f32 v11, v10;
	_ =	sdelay $0x1  }
0x1b2: {  	v10 =	vadd.s32 s12, v6;
	v8 =	vmul.f32 v8, v11  }
0x1b3: {  	v12 =	vand.u32 $0xFF8, v10  }
.Ltmp2:
0x1b4: {  	v13 =	vsub.f32 $1.500000000e+00, v8;
	v8 =	vand.u32 $0x7, v10;
	v10 =	vadd.s32 v7, v12;
	(pc) =	sbr.rel @p0 .LBB2_8-.Ltmp2, $3  }
0x1b5: {  	v8 =	vor.u32 v8, v10  }
0x1b6: {  	v10 =	vmul.f32 v13, v11;
	_ =	sdelay $0x1  }
0x1b7: {  	v9 =	vmul.f32 v10, v9  }
0x1b8: {  	_ =	sdelay $0x3  }
0x1b9: {  	[tilespmem:v8+s26+$0x0] =	vst.idx.msk $0xffff, v9  }
0x1ba: {  	v8 =	vld [tilespmem:s11+$0xFFFFC000]  }
0x1bb: {  	v9 =	vld [tilespmem:s11+$0xFFFFE000];
	_ =	sdelay $0x1  }
0x1bc: {  	v10 =	vld [tilespmem:s11+$0x0];
	_ =	sdelay $0x2  }
0x1bd: {  	v11 =	vadd.f32 v9, v8;
	_ =	sdelay $0x1  }
0x1be: {  	v11 =	vadd.f32 v10, v11;
	_ =	sdelay $0x1  }
0x1bf: {  	v11 =	vmul.f32 v11, v3;
	_ =	sdelay $0x1  }
0x1c0: {  	v12 =	vsub.f32 v8, v11;
	v13 =	vsub.f32 v9, v11;
	_ =	sdelay $0x1  }
0x1c1: {  	v14 =	vsub.f32 v10, v11;
	v12 =	vmul.f32 v12, v12;
	v13 =	vmul.f32 v13, v13;
	_ =	sdelay $0x1  }
0x1c2: {  	v58 =	vmul.f32 v14, v14;
	v12 =	vadd.f32 v13, v12;
	_ =	sdelay $0x1  }
0x1c3: {  	v12 =	vadd.f32 v12, v58;
	_ =	sdelay $0x1  }
0x1c4: {  	v12 =	vmul.f32 v12, v3;
	_ =	sdelay $0x1  }
0x1c5: {  	v12 =	vadd.f32 $9.999999960e-13, v12;
	_ =	sdelay $0x1  }
0x1c6: {  	v59 =	vshra.s32 v12, $0x1;
	v60 =	vmul.f32 $5.000000000e-01, v12  }
0x1c7: {  	v13 =	vsub.s32 $0x5F3759DF, v59  }
0x1c8: {  	v15 =	vmul.f32 v13, v60;
	_ =	sdelay $0x1  }
0x1c9: {  	v15 =	vmul.f32 v13, v15;
	_ =	sdelay $0x1  }
0x1ca: {  	v15 =	vsub.f32 $1.500000000e+00, v15;
	_ =	sdelay $0x1  }
0x1cb: {  	v13 =	vmul.f32 v13, v15;
	_ =	sdelay $0x1  }
0x1cc: {  	v15 =	vmul.f32 v13, v60;
	_ =	sdelay $0x1  }
0x1cd: {  	v15 =	vmul.f32 v15, v13  }
0x1ce: {  	s10 =	simm.s32 $0x1C3  }
0x1cf: {  	v16 =	vadd.s32 s10, v0;
	v15 =	vsub.f32 $1.500000000e+00, v15  }
0x1d0: {  	v61 =	vand.u32 $0x7F8, v16  }
0x1d1: {  	v16 =	vand.u32 $0x7, v16;
	v13 =	vmul.f32 v15, v13;
	v15 =	vadd.s32 v7, v61  }
0x1d2: {  	v15 =	vor.u32 v16, v15  }
0x1d3: {  	v17 =	vadd.s32 s10, v5;
	v14 =	vmul.f32 v13, v60  }
0x1d4: {  	v62 =	vand.u32 $0x7F8, v17;
	v17 =	vand.u32 $0x7, v17;
	v8 =	vmax.f32 v8, v9  }
0x1d5: {  	v9 =	vadd.s32 s10, v6;
	v16 =	vadd.s32 v7, v62;
	v14 =	vmul.f32 v14, v13  }
0x1d6: {  	v8 =	vmax.f32 v8, v10;
	v63 =	vand.u32 $0xFF8, v9;
	v16 =	vor.u32 v17, v16  }
0x1d7: {  	v14 =	vsub.f32 $1.500000000e+00, v14;
	[tilespmem:v15+s26+$0x0] =	vst.idx.msk $0xffff, v8;
	v8 =	vand.u32 $0x7, v9;
	v9 =	vadd.s32 v7, v63  }
0x1d8: {  	v8 =	vor.u32 v8, v9  }
0x1d9: {  	v10 =	vmul.f32 v14, v13;
	_ =	sdelay $0x1  }
0x1da: {  	s24 =	smov.u32 s11;
	s10 =	simm.s32 $0x1D3;
	[tilespmem:v16+s26+$0x0] =	vst.idx.msk $0xffff, v11;
	v9 =	vmul.f32 v10, v12  }
.LBB2_10:
0x1db: {  	p0 =	sne.s32 s10, $0x3B3  }
0x1dc: {  	s24 =	sadd.s32 $0x10, s24;
	s12 =	smov.u32 s10;
	s10 =	sadd.s32 $0x10, s10;
	[tilespmem:v8+s26+$0x0] =	vst.idx.msk $0xffff, v9  }
0x1dd: {  	v8 =	vld [tilespmem:s24+$0xFFFFC000]  }
0x1de: {  	v10 =	vadd.s32 s12, v0;
	v9 =	vld [tilespmem:s24+$0xFFFFE000]  }
0x1df: {  	v11 =	vand.u32 $0x7F8, v10  }
0x1e0: {  	v10 =	vand.u32 $0x7, v10;
	v11 =	vadd.s32 v7, v11;
	v12 =	vld [tilespmem:s24+$0x0]  }
0x1e1: {  	v10 =	vor.u32 v10, v11;
	v11 =	vadd.s32 s12, v5  }
0x1e2: {  	v13 =	vand.u32 $0x7F8, v11;
	v11 =	vand.u32 $0x7, v11  }
0x1e3: {  	v13 =	vadd.s32 v7, v13;
	v14 =	vmax.f32 v8, v9;
	v15 =	vadd.f32 v9, v8  }
0x1e4: {  	v11 =	vor.u32 v11, v13  }
0x1e5: {  	v13 =	vmax.f32 v14, v12;
	v14 =	vadd.f32 v12, v15  }
0x1e6: {  	[tilespmem:v10+s26+$0x0] =	vst.idx.msk $0xffff, v13  }
0x1e7: {  	v10 =	vmul.f32 v14, v3;
	_ =	sdelay $0x1  }
0x1e8: {  	v8 =	vsub.f32 v8, v10;
	v9 =	vsub.f32 v9, v10;
	[tilespmem:v11+s26+$0x0] =	vst.idx.msk $0xffff, v10  }
0x1e9: {  	v10 =	vsub.f32 v12, v10  }
0x1ea: {  	v8 =	vmul.f32 v8, v8;
	v9 =	vmul.f32 v9, v9;
	_ =	sdelay $0x1  }
0x1eb: {  	v8 =	vadd.f32 v9, v8;
	v9 =	vmul.f32 v10, v10;
	_ =	sdelay $0x1  }
0x1ec: {  	v8 =	vadd.f32 v8, v9;
	_ =	sdelay $0x1  }
0x1ed: {  	v8 =	vmul.f32 v8, v3;
	_ =	sdelay $0x1  }
0x1ee: {  	v9 =	vadd.f32 $9.999999960e-13, v8;
	_ =	sdelay $0x1  }
0x1ef: {  	v8 =	vshra.s32 v9, $0x1;
	v10 =	vmul.f32 $5.000000000e-01, v9  }
0x1f0: {  	v8 =	vsub.s32 $0x5F3759DF, v8  }
0x1f1: {  	v11 =	vmul.f32 v8, v10;
	_ =	sdelay $0x1  }
0x1f2: {  	v11 =	vmul.f32 v8, v11;
	_ =	sdelay $0x1  }
0x1f3: {  	v11 =	vsub.f32 $1.500000000e+00, v11;
	_ =	sdelay $0x1  }
0x1f4: {  	v8 =	vmul.f32 v8, v11;
	_ =	sdelay $0x1  }
0x1f5: {  	v11 =	vmul.f32 v8, v10;
	_ =	sdelay $0x1  }
0x1f6: {  	v11 =	vmul.f32 v11, v8;
	_ =	sdelay $0x1  }
0x1f7: {  	v11 =	vsub.f32 $1.500000000e+00, v11;
	_ =	sdelay $0x1  }
0x1f8: {  	v11 =	vmul.f32 v11, v8;
	_ =	sdelay $0x1  }
0x1f9: {  	v8 =	vmul.f32 v11, v10;
	_ =	sdelay $0x1  }
0x1fa: {  	v10 =	vadd.s32 s12, v6;
	v8 =	vmul.f32 v8, v11  }
0x1fb: {  	v12 =	vand.u32 $0xFF8, v10  }
.Ltmp3:
0x1fc: {  	v13 =	vsub.f32 $1.500000000e+00, v8;
	v8 =	vand.u32 $0x7, v10;
	v10 =	vadd.s32 v7, v12;
	(pc) =	sbr.rel @p0 .LBB2_10-.Ltmp3, $3  }
0x1fd: {  	v8 =	vor.u32 v8, v10  }
0x1fe: {  	v10 =	vmul.f32 v13, v11;
	_ =	sdelay $0x1  }
0x1ff: {  	v9 =	vmul.f32 v10, v9  }
0x200: {  	s25 =	sadd.s32 $0x1, s25  }
0x201: {  	p0 =	sne.s32 s25, $0x10  }
.Ltmp4:
0x202: {  	_ = 	snop;
	(pc) =	sbr.rel @p0 .LBB2_3-.Ltmp4, $3  }
0x203: {  	_ =	sdelay $0x1  }
0x204: {  	s31 =	sadd.s32 $0x40, s31  }
0x205: {  	s1 =	sadd.s32 $0x80, s1;
	s0 =	sadd.s32 $0x100, s0;
	s11 =	sadd.s32 $0x200, s11;
	[tilespmem:v8+s26+$0x0] =	vst.idx.msk $0xffff, v9  }
0x206: {  	s0 =	sadd.s32 s9, s30  }
0x207: {  	s29 =	sadd.s32 $0x1, s29;
	s0 =	smul.u32 $0x169, s0  }
0x208: {  	s1 =	rddreg [dreg:$0x1];
	p0 =	sne.s32 s29, s8  }
.Ltmp5:
0x209: {  	s0 =	sadd.s32 s1, s0;
	(pc) =	sbr.rel @p0 .LBB2_2-.Ltmp5, $4  }
0x20a: {  	[hbm4b:s0+s3] =	stream.linear.scatter [tilespmem:s26], [sflag:$0x2], $0xB480, $0x38;
	[tilespmem:$0x18740] =	vst v63  }
0x20b: {  	_ =	swait.ge [sflag:s23], $0xB480  }
0x20c: {  	[sflag:s23] =	ssyncset.done $0x0  }
0x20d: {  	[sflag:s23] =	ssyncadd.s32 $0xFFFF4B80  }
0x20e: {  	s1 =	rddreg [dreg:$0x10]  }
0x20f: {  	s0 =	rddreg [dreg:$0xf];
	s1 =	sadd.s32 $0x1, s1  }
0x210: {  	p0 =	sne.s32 s1, s0  }
.Ltmp6:
0x211: {  	_ = 	snop;
	(pc) =	sbr.rel @p0 .LBB2_1-.Ltmp6, $1  }
0x212: {  	_ =	sdelay $0x3  }
0x213: {  	_ =	sfence.sel $0x180000  }
0x214: {  	[bflag:$0x0] =	sbarrier.arrive $0xFFFF  }
0x215: {  	_ =	strace $0x90000047  }
0x216: {  	s0 =	stileid.u32;
	[bflag:$0x2] =	sbarrier.arrive $0xFFFF  }
0x217: {  	p0 =	sne.s32 s0, $0x0;
	s0 =	rddreg [dreg:$0x2]  }
0x218: {  	s0 =	sadd.s32 @!p0 $0x100000, s0  }
0x219: {  	[sflag:s0] =	ssyncadd.tile.s32 @!p0 $0x1;
	_ =	shalt  }
.Lfunc_end2:
_tile_overlayer_lowered:
.L_overlay_start_2:
0x21a: {  	(tag) =	ssettag $0x2  }
0x21b: {  	s0 =	rddreg [dreg:$0x0];
	s2 =	stileid.u32  }
0x21c: {  	s1 =	rddreg [dreg:$0x1];
	p0 =	sne.s32 s2, $0x0  }
0x21d: {  	s3 =	rddreg [dreg:$0x2];
	[bflag:$0x3] =	sbarrier.arrive $0xFFFF;
	s2 =	simm.s32 @!p0 $0x1C02  }
0x21e: {  	[timem:s3], [sflag:s2] =	dma.local @!p0 [hbm:s0], s1  }
0x21f: {  	s0 =	simm.s32 @!p0 $0x2  }
0x220: {  	_ =	swait.ge @!p0 [sflag:s0], s1  }
0x221: {  	s1 =	ssub.s32 @!p0 $0x0, s1;
	[sflag:s0] =	ssyncset.done @!p0 $0x0  }
0x222: {  	[sflag:s0] =	ssyncadd.s32 @!p0 s1  }
0x223: {  	[bflag:$0x3] =	sbarrier.arrive $0xFFFF  }
0x224: {  	_ =	shalt  }

// kernel: sparse-core-data-format-call.cloned.1.call-start
scs
called_computation_lowered:
.L_overlay_start_0:
0x0: {  	s2 =	sld [smem:$0x3FD9]  }
0x1: {  	s3 =	sld [smem:$0x3FFE];
	_ =	sdelay $0x1  }
0x2: {  	s1 =	srdreg.scid  }
0x3: {  	s0 =	sand.u32 $0x1, s1  }
0x4: {  	s18 =	sshll.u32 s0, $0xA;
	s2 =	sadd.s32 s3, s2  }
0x5: {  	s2 =	sadd.s32 s2, s18  }
0x6: {  	[smem:$0x3FC2] =	sst s2  }
0x7: {  	_ = 	snop  }
0x8: {  	s2 =	sld [smem:$0x3FD0];
	(tm) =	ssettm $0x1  }
0x9: {  	s19 =	sld [smem:$0x3FFB];
	_ =	sdelay $0x3  }
0xa: {  	_ =	strace s19  }
0xb: {  	s3 =	sld [smem:$0x3FFC];
	_ =	sdelay $0x3  }
0xc: {  	_ =	strace s3  }
0xd: {  	s3 =	sld [smem:$0x3FFD];
	_ =	sdelay $0x3  }
0xe: {  	_ =	strace s3  }
0xf: {  	_ =	strace $0x8FFFFFFF  }
0x10: {  	s20 =	sld [smem:$0x3FDB];
	_ =	sdelay $0x1  }
0x11: {  	s4 =	simm.s32 $_scs_section_size  }
0x12: {  	s5 =	simm.s32 $_size__tile_overlayer_lowered;
	s6 =	simm.s32 $_tile_overlayer_lowered  }
0x13: {  	s23 =	simm.s32 $0x1BFF;
	s22 =	sshll.u32 s6, $0x1;
	s3 =	sadd.s32 s4, s20  }
0x14: {  	s7 =	simm.s32 $0x0;
	s21 =	sshll.u32 s5, $0x1;
	s5 =	sadd.s32 s22, s3  }
0x15: {  	[timem:s7], [sflag:s23] =	dma.local [hbm:s5], s21  }
0x16: {  	_ =	swait.ge [sflag:s23], s21  }
0x17: {  	s4 =	ssub.s32 $0x0, s21;
	[sflag:s23] =	ssyncset.done $0x0  }
0x18: {  	[sflag:s23] =	ssyncadd.s32 s4;
	_ =	sdelay $0x1  }
0x19: {  	s24 =	simm.s32 $0x1B8B  }
0x1a: {  	_ =	swait.ge [sflag:s24], $0x1  }
0x1b: {  	[sflag:s24] =	ssyncset.done $0x0  }
0x1c: {  	s26 =	simm.s32 $0x1B8E;
	s25 =	sld [smem:$0x3FFE];
	[sflag:s24] =	ssyncadd.s32 $0xFFFFFFFF  }
0x1d: {  	s27 =	simm.s32 $execute0_lowered;
	[smem:$0x3FD2] =	sst s26  }
0x1e: {  	s5 =	sshll.u32 s27, $0x1;
	_ =	strace $0x80000049;
	[dreg:$0x1] =	wrdreg $0xFFFFFFFF  }
0x1f: {  	s28 =	simm.s32 $_size_execute0_lowered;
	s3 =	sadd.s32 s3, s5;
	[dreg:$0x0] =	wrdreg $0x0  }
0x20: {  	s5 =	sshll.u32 s28, $0x1;
	[dreg:$0x2] =	wrdreg s3  }
0x21: {  	[dreg:$0x3] =	wrdreg s5  }
0x22: {  	[dreg:$0x4] =	wrdreg $0xC0  }
0x23: {  	_ =	task [dreg:s7], $0x5FFFF  }
0x24: {  	[dreg:$0x1] =	wrdreg $0xFFFFFFFF  }
0x25: {  	[dreg:$0x0] =	wrdreg $0x60  }
0x26: {  	[dreg:$0x2] =	wrdreg s25  }
0x27: {  	[dreg:$0x3] =	wrdreg s2  }
0x28: {  	[dreg:$0x4] =	wrdreg $0x9  }
0x29: {  	_ =	task.clear_ibuf [dreg:s7], $0x5FFFF;
	_ =	strace $0x90000049  }
0x2a: {  	s29 =	simm.s32 $0x9;
	_ =	strace $0x8000004B  }
0x2b: {  	_ =	swait.ge [sflag:s29], $0x1  }
0x2c: {  	[sflag:s29] =	ssyncadd.s32 $0xFFFFFFFF  }
0x2d: {  	_ =	strace $0x9000004B  }
0x2e: {  	_ =	sfence  }
0x2f: {  	s30 =	sld [smem:$0x0];
	_ =	sdelay $0x2  }
0x30: {  	s31 =	sshll.u32 s1, $0xD;
	s1 =	sshrl.u32 s1, $0x2  }
0x31: {  	s3 =	sand.u32 $0x4000, s31;
	s1 =	sadd.s32 s1, s30  }
0x32: {  	s0 =	sor.u32 s3, s0;
	s1 =	sshll.u32 s1, $0x11  }
0x33: {  	s0 =	sor.u32 s1, s0  }
0x34: {  	s0 =	sadd.s32 $0x8F2B, s0  }
0x35: {  	[sflag:s0] =	ssyncadd.remote.s32 $0x1  }
0x36: {  	_ =	sfence.sel $0xFFFF  }
0x37: {  	[dreg:$0x0] =	wrdreg $0xFFFFFFFF;
	(pc) =	sbr.abs _section_cstart, $3  }
0x38: {  	[dreg:$0x1] =	wrdreg $0xFFFFFFFF  }
0x39: {  	_ =	task.clear_ibuf [dreg:s7], $0x2FFFF;
	_ =	strace $0x9FFFFFFF  }
0x3a: {  	(tm) =	ssettm $0x7FFFFFFF  }
0x3b: {  	_ =	shalt  }
tec
execute0_lowered:
.L_overlay_start_1:
0x0: {  	(tag) =	ssettag $0x1  }
0x1: {  	s0 =	srdreg.scid  }
0x2: {  	s0 =	sshll.u32 s0, $0x4  }
0x3: {  	s1 =	stileid.u32;
	s0 =	sand.u32 $0x10, s0  }
0x4: {  	s0 =	sor.u32 s1, s0  }
0x5: {  	s12 =	sshll.u32 s0, $0x7  }
0x6: {  	s0 =	ssub.s32 $0x4E00, s12  }
0x7: {  	s0 =	sshrl.u32 s0, $0xC  }
0x8: {  	_ =	strace $0x8000004A;
	s29 =	simm.s32 $0x1;
	s0 =	smul.u32 $0x17, s0  }
.Ltmp0:
0x9: {  	s30 =	simm.s32 $0x2;
	s14 =	simm.s32 $0x0;
	(pc) =	sbr.rel .LBB1_1-.Ltmp0, $4  }
0xa: {  	s9 =	simm.s32 $0x0;
	s8 =	simm.s32 $0x0;
	s11 =	simm.s32 $0x0  }
0xb: {  	s10 =	simm.s32 $0x0;
	[dreg:$0x3] =	wrdreg s12;
	s31 =	sadd.s32 $0x17, s0  }
0xc: {  	[sflag:s29] =	ssyncpa.u1 $0x0;
	s7 =	sadd.s32 $0x18, s0;
	[dreg:$0x4] =	wrdreg s31  }
0xd: {  	s13 =	simm.s32 $0x0;
	[sflag:s30] =	ssyncpa.u1 $0x0;
	[dreg:$0x5] =	wrdreg s7  }
.LBB1_12:
0xe: {  	s8 =	rddreg [dreg:$0x6]  }
0xf: {  	s1 =	sshll.u32 s11, $0x3;
	s25 =	sand.u32 $0x7F, s11;
	s5 =	rddreg [dreg:$0xa]  }
0x10: {  	p1 =	sgt.s32 s11, $0x4E00;
	s26 =	rddreg [dreg:$0x9];
	s0 =	sshrl.u32 s8, $0x3  }
0x11: {  	s4 =	smov.u32 s11;
	s30 =	rddreg [dreg:$0x1];
	s0 =	smul.u32 $0x27400, s0  }
0x12: {  	s31 =	simm.s32 $0x27400;
	s1 =	sand.u32 $0xFFFFFC00, s1;
	s2 =	sshll.u32 s8, $0x7  }
0x13: {  	s9 =	rddreg [dreg:$0x7];
	s24 =	sand.u32 $0x380, s2;
	s0 =	sadd.s32 s1, s0  }
0x14: {  	p0 =	sgt.s32 s8, $0xAC8;
	s3 =	smov.u32 s8;
	s0 =	sor.u32 s24, s0  }
0x15: {  	s4 =	simm.s32 @!p1 $0x4E00;
	s1 =	sor.u32 s25, s0;
	s0 =	smulhi.u32 $0x342DA7F3, s0  }
0x16: {  	s3 =	simm.s32 @!p0 $0xAC8;
	s4 =	sadd.s32 s26, s4;
	s2 =	smulhi.u32 $0x342DA7F3, s1  }
0x17: {  	s3 =	sadd.s32 s5, s3;
	s7 =	sadd.s32 $0xFFFFB200, s4;
	s0 =	sshrl.u32 s0, $0xC  }
0x18: {  	s4 =	ssub.s32 $0x4E80, s4;
	s2 =	sshrl.u32 s2, $0xC;
	s27 =	smulhi.u32 $0x16B14A, s0  }
0x19: {  	s6 =	sadd.s32 $0xFFFFF538, s3;
	p1 =	sgt.s32 s7, $0x7F;
	s2 =	smul.u32 $0x4E80, s2  }
0x1a: {  	s3 =	ssub.s32 $0xB48, s3;
	p0 =	sgt.s32 s6, $0x7F;
	s5 =	smul.u32 $0xB48, s27  }
0x1b: {  	s14 =	rddreg [dreg:$0x8];
	s4 =	simm.s32 @p1 $0x0;
	s3 =	simm.s32 @p0 $0x0  }
0x1c: {  	s28 =	smul.u32 s4, s3;
	s1 =	ssub.s32 s1, s2;
	s0 =	ssub.s32 s0, s5  }
0x1d: {  	s29 =	sshrl.u32 s1, $0x3;
	s1 =	sand.u32 $0x7, s1;
	s0 =	smul.u32 $0x9D0, s0  }
0x1e: {  	s7 =	rddreg [dreg:$0x5];
	s3 =	sadd.s32 s30, s29;
	s1 =	sshll.u32 s1, $0x12  }
0x1f: {  	s2 =	sand.u32 $0x3FFFFFFF, s28;
	s1 =	sor.u32 $0x400, s1;
	s0 =	sadd.s32 s0, s3  }
0x20: {  	[hbm4b:s0+s1] =	stream.strided.scatter [tilespmem:s18], [sflag:$0x2], s2, s31, s1, $0x20;
	[tilespmem:$0x10100] =	vst v63  }
.LBB1_13:
0x21: {  	p0 =	slt.u32 s13, $0x2  }
0x22: {  	s1 =	smov.u32 s14;
	s2 =	smov.u32 s9;
	p1 =	sgt.s32 @!p0 s14, $0xAC8  }
0x23: {  	s0 =	sshra.s32 @!p0 s14, $0x1F;
	p2 =	sgt.s32 @!p0 s9, $0x4E00;
	s3 =	sshra.s32 @!p0 s9, $0x1F  }
0x24: {  	p1 =	por !p1, p0;
	s0 =	sand.u32 @!p0 s0, s14;
	p2 =	por !p2, p0  }
0x25: {  	s3 =	sand.u32 @!p0 s3, s9;
	s1 =	simm.s32 @p1 $0xAC8;
	s2 =	simm.s32 @p2 $0x4E00  }
0x26: {  	s0 =	ssub.s32 @!p0 s1, s0;
	s1 =	ssub.s32 @!p0 s2, s3  }
0x27: {  	s2 =	sadd.s32 @!p0 $0xFFFFF538, s0;
	s3 =	sadd.s32 @!p0 $0xFFFFB200, s1  }
0x28: {  	s0 =	ssub.s32 @!p0 $0xB48, s0;
	p1 =	sgt.s32 @!p0 s2, $0x7F;
	p2 =	sgt.s32 @!p0 s3, $0x7F  }
0x29: {  	s1 =	ssub.s32 @!p0 $0x4E80, s1;
	p1 =	por !p1, p0;
	p2 =	por !p2, p0  }
0x2a: {  	s0 =	simm.s32 @!p1 $0x0;
	s1 =	simm.s32 @!p2 $0x0  }
0x2b: {  	s0 =	smul.u32 @!p0 s1, s0  }
0x2c: {  	s4 =	smov.u32 s12;
	s2 =	simm.s32 @!p0 $0x2;
	s1 =	sadd.s32 $0x80, s10  }
0x2d: {  	s3 =	sadd.s32 $0x1000, s12;
	p1 =	sgt.s32 s1, $0xB42;
	s0 =	sand.u32 @!p0 $0x3FFFFFFF, s0  }
0x2e: {  	s4 =	smov.u32 @p1 s3;
	_ =	swait.ge @!p0 [sflag:s2], s0  }
0x2f: {  	s1 =	simm.s32 @p1 $0x0;
	p1 =	sgt.s32 s4, $0x4E1F;
	s3 =	rddreg [dreg:$0x3]  }
0x30: {  	s4 =	smov.u32 @p1 s3;
	p1 =	sne.s32 s13, s7  }
.Ltmp1:
0x31: {  	_ = 	snop;
	(pc) =	sbr.rel @!p1 .LBB1_14-.Ltmp1, $4  }
0x32: {  	s14 =	smov.u32 s8  }
0x33: {  	s9 =	smov.u32 s11;
	s8 =	smov.u32 s10;
	s11 =	smov.u32 s12  }
0x34: {  	s0 =	ssub.s32 @!p0 $0x0, s0;
	s10 =	smov.u32 s1;
	[sflag:s2] =	ssyncset.done @!p0 $0x0  }
0x35: {  	s13 =	sadd.s32 $0x1, s13;
	[sflag:s2] =	ssyncadd.s32 @!p0 s0;
	s12 =	smov.u32 s4  }
.LBB1_1:
0x36: {  	s0 =	rddreg [dreg:$0x4]  }
0x37: {  	s3 =	smov.u32 s12;
	p0 =	sge.u32 s13, s0  }
0x38: {  	s5 =	smov.u32 s10;
	s0 =	sshrl.u32 @!p0 s12, $0x3;
	s1 =	sshll.u32 @!p0 s10, $0x3  }
0x39: {  	s2 =	sshll.u32 @!p0 s12, $0x7;
	p1 =	sgt.s32 @!p0 s12, $0x4DA0;
	s0 =	smul.u32 @!p0 $0x5C00, s0  }
0x3a: {  	s4 =	sshra.s32 @!p0 s12, $0x1F;
	s1 =	sand.u32 @!p0 $0xFFFFFC00, s1;
	p1 =	por !p1, p0  }
0x3b: {  	s3 =	simm.s32 @p1 $0x4DA0;
	s0 =	sadd.s32 @!p0 s0, s1;
	s1 =	sand.u32 @!p0 $0x380, s2  }
0x3c: {  	p1 =	sgt.s32 @!p0 s10, $0xB00;
	s2 =	sand.u32 @!p0 $0x7F, s10;
	s0 =	sor.u32 @!p0 s1, s0  }
0x3d: {  	s6 =	sshra.s32 @!p0 s10, $0x1F;
	p1 =	por !p1, p0;
	s1 =	sor.u32 @!p0 s2, s0  }
0x3e: {  	s6 =	sand.u32 @!p0 s6, s10;
	s5 =	simm.s32 @p1 $0xB00;
	s2 =	smulhi.u32 @!p0 $0xB21642C9, s1  }
0x3f: {  	s4 =	sand.u32 @!p0 s4, s12;
	s0 =	smulhi.u32 @!p0 $0xB21642C9, s0;
	s5 =	ssub.s32 @!p0 s5, s6  }
0x40: {  	s3 =	ssub.s32 @!p0 s3, s4;
	s6 =	sadd.s32 @!p0 $0xFFFFF500, s5;
	s2 =	sshrl.u32 @!p0 s2, $0xB  }
0x41: {  	s0 =	sshrl.u32 @!p0 s0, $0xB;
	p2 =	sgt.s32 @!p0 s6, $0x7F;
	s2 =	smul.u32 @!p0 $0xB80, s2  }
0x42: {  	s5 =	ssub.s32 @!p0 $0xB80, s5;
	s4 =	smulhi.u32 @!p0 $0x1A36E3, s0;
	p2 =	por !p2, p0  }
0x43: {  	s1 =	ssub.s32 @!p0 s1, s2;
	s2 =	sadd.s32 @!p0 $0xFFFFB260, s3;
	s3 =	ssub.s32 @!p0 $0x4E20, s3  }
0x44: {  	p1 =	sgt.s32 @!p0 s2, $0x7F;
	s2 =	sshrl.u32 @!p0 s4, $0x3;
	s4 =	sxor.u32 @!p0 $0xFFFFFFFF, s13  }
0x45: {  	s2 =	smul.u32 @!p0 $0x4E20, s2;
	p1 =	por !p1, p0;
	s4 =	sshll.u32 @!p0 s4, $0xE  }
0x46: {  	s5 =	simm.s32 @!p2 $0x0;
	s3 =	simm.s32 @!p1 $0x0;
	s4 =	sand.u32 @!p0 $0x4000, s4  }
0x47: {  	s0 =	ssub.s32 @!p0 s0, s2;
	s2 =	smul.u32 @!p0 s3, s5;
	s3 =	sshrl.u32 @!p0 s1, $0x3  }
0x48: {  	s1 =	sand.u32 @!p0 $0x7, s1;
	s5 =	rddreg [dreg:$0x0];
	s0 =	smul.u32 @!p0 $0x170, s0  }
0x49: {  	s3 =	sadd.s32 @!p0 s5, s3;
	s1 =	sshll.u32 @!p0 s1, $0x12;
	s2 =	sand.u32 @!p0 $0x3FFFFFFF, s2  }
0x4a: {  	s1 =	sor.u32 @!p0 $0x400, s1;
	s0 =	sadd.s32 @!p0 s0, s3;
	s3 =	simm.s32 @!p0 $0x5C00  }
0x4b: {  	[tilespmem:s4], [sflag:$0x1] =	stream.strided.gather @!p0 [hbm4b:s0+s1], s2, s3, s1, $0x38;
	[tilespmem:$0x10100] =	vst v63  }
0x4c: {  	p0 =	seq.s32 s13, $0x0  }
0x4d: {  	p1 =	sge.u32 @!p0 s13, s7  }
0x4e: {  	p0 =	por p0, p1  }
.Ltmp2:
0x4f: {  	_ = 	snop;
	(pc) =	sbr.rel @p0 .LBB1_13-.Ltmp2, $1  }
0x50: {  	_ =	sdelay $0x3  }
0x51: {  	s0 =	ssub.s32 $0x0, s11;
	s1 =	sshra.s32 s11, $0x1F;
	p0 =	sgt.s32 s11, $0x4DA0  }
0x52: {  	s2 =	smov.u32 s11;
	s25 =	ssub.s32 $0x0, s8;
	s26 =	sshra.s32 s8, $0x1F  }
0x53: {  	s3 =	smov.u32 s8;
	s2 =	simm.s32 @!p0 $0x4DA0;
	p0 =	sgt.s32 s8, $0xB00  }
0x54: {  	s4 =	sand.u32 s0, s1;
	s1 =	sand.u32 s25, s26;
	s3 =	simm.s32 @!p0 $0xB00  }
0x55: {  	s2 =	sadd.s32 s4, s2;
	[dreg:$0xa] =	wrdreg s1;
	s1 =	sadd.s32 s1, s3  }
0x56: {  	s27 =	sadd.s32 $0xFFFFB260, s2;
	s2 =	ssub.s32 $0x4E20, s2;
	s28 =	sadd.s32 $0xFFFFF500, s1  }
0x57: {  	p0 =	sgt.s32 s27, $0x7F;
	s0 =	ssub.s32 $0xB80, s1;
	p1 =	sgt.s32 s28, $0x7F  }
0x58: {  	s2 =	simm.s32 @p0 $0x0;
	s0 =	simm.s32 @p1 $0x0  }
0x59: {  	s29 =	smul.u32 s2, s0;
	s2 =	sadd.s32 $0x80, s11  }
0x5a: {  	p0 =	slt.s32 s2, $0x4E20  }
0x5b: {  	s2 =	simm.s32 @!p0 $0x4E20  }
0x5c: {  	[dreg:$0x8] =	wrdreg s14;
	s19 =	ssub.s32 s2, s11  }
0x5d: {  	[dreg:$0x7] =	wrdreg s9;
	p0 =	slt.s32 s19, $0x1  }
.Ltmp3:
0x5e: {  	[dreg:$0x6] =	wrdreg s8;
	s30 =	simm.s32 $0x1;
	(pc) =	sbr.rel @p0 .LBB1_12-.Ltmp3, $4  }
0x5f: {  	[dreg:$0x9] =	wrdreg s4;
	s0 =	sand.u32 $0x1, s13;
	s1 =	sand.u32 $0x3FFFFFFF, s29  }
0x60: {  	s31 =	smul.u32 $0x4080, s0;
	_ =	swait.ge [sflag:s30], s1  }
0x61: {  	s1 =	ssub.s32 $0x0, s1;
	[sflag:s30] =	ssyncset.done $0x0  }
0x62: {  	s18 =	sor.u32 $0x8000, s31;
	[sflag:s30] =	ssyncadd.s32 s1  }
0x63: {  	s2 =	rddreg [dreg:$0x6]  }
0x64: {  	s1 =	sadd.s32 $0x80, s2  }
0x65: {  	p0 =	slt.s32 s1, $0xB43  }
.Ltmp4:
0x66: {  	s1 =	simm.s32 @!p0 $0xB43;
	(pc) =	sbr.rel .LBB1_4-.Ltmp4, $4  }
0x67: {  	s22 =	sshll.u32 s0, $0xE;
	s1 =	ssub.s32 s1, s2  }
0x68: {  	s24 =	simm.s32 $0x0;
	s25 =	simm.s32 $0x400;
	s1 =	sadd.s32 $0xF, s1  }
0x69: {  	s20 =	sand.u32 $0xFFFFFFF0, s1;
	s21 =	sand.u32 $0xFFFFFF00, s1;
	s31 =	sshll.u32 s1, $0x3  }
0x6a: {  	p0 =	slt.s32 s1, $0x100;
	s23 =	sand.u32 $0xFFFFF800, s31;
	p1 =	sge.s32 s21, s20  }
.LBB1_11:
0x6b: {  	s24 =	sadd.s32 $0x1, s24  }
0x6c: {  	p2 =	sne.s32 s24, s19  }
.Ltmp5:
0x6d: {  	_ = 	snop;
	(pc) =	sbr.rel @!p2 .LBB1_12-.Ltmp5, $2  }
0x6e: {  	_ =	sdelay $0x2  }
0x6f: {  	s25 =	sadd.s32 $0x80, s25  }
.LBB1_4:
.Ltmp6:
0x70: {  	(pc) =	sbr.rel @p0 .LBB1_8-.Ltmp6, $2  }
0x71: {  	_ =	sdelay $0x2  }
0x72: {  	s26 =	sshll.u32 s24, $0x7;
	s27 =	sand.u32 $0x7F, s24  }
0x73: {  	s0 =	sshll.u32 s24, $0x3;
	s5 =	sand.u32 $0x380, s26  }
0x74: {  	s2 =	sshrl.u32 s0, $0x7;
	s3 =	sadd.s32 $0x800, s0;
	s6 =	sadd.s32 $0x1000, s0  }
0x75: {  	s17 =	sadd.s32 s5, s22;
	s16 =	sadd.s32 $0x1800, s0;
	s7 =	sadd.s32 $0x2800, s0  }
0x76: {  	s14 =	sadd.s32 $0x3000, s0;
	s0 =	sadd.s32 $0x3800, s0;
	s1 =	sand.u32 $0x78, s2  }
0x77: {  	s3 =	sshrl.u32 s3, $0x7;
	s15 =	sshrl.u32 s6, $0x7;
	s6 =	sshrl.u32 s16, $0x7  }
0x78: {  	s8 =	sshrl.u32 s7, $0x7;
	s16 =	sshrl.u32 s0, $0x7;
	s7 =	sadd.s32 $0x10, s2  }
0x79: {  	v0 =	vmov s17;
	s17 =	sand.u32 $0x3C00, s25;
	s4 =	smul.u32 $0x204, s1;
	s3 =	sand.u32 $0x78, s3  }
0x7a: {  	s5 =	sand.u32 $0x78, s15;
	s1 =	sxor.u32 $0x40, s1;
	s3 =	smul.u32 $0x204, s3  }
0x7b: {  	s15 =	sshrl.u32 s14, $0x7;
	s14 =	sadd.s32 $0x60, s2;
	s5 =	smul.u32 $0x204, s5  }
0x7c: {  	s1 =	smul.u32 $0x204, s1;
	s14 =	sand.u32 $0x78, s14;
	s4 =	sshrl.u32 s4, $0x2  }
0x7d: {  	s14 =	smul.u32 $0x204, s14;
	s4 =	sadd.s32 s4, s18;
	s3 =	sshrl.u32 s3, $0x2  }
0x7e: {  	s1 =	sshrl.u32 s1, $0x2;
	s3 =	sadd.s32 s3, s18;
	s28 =	sadd.s32 s27, s4  }
0x7f: {  	s4 =	sand.u32 $0x78, s6;
	s6 =	sshrl.u32 s5, $0x2;
	s9 =	sadd.s32 s1, s18  }
0x80: {  	s5 =	sand.u32 $0x78, s7;
	s7 =	sadd.s32 $0x50, s2;
	s29 =	sadd.s32 s27, s3  }
0x81: {  	s3 =	smul.u32 $0x204, s4;
	s4 =	sadd.s32 s6, s18;
	s31 =	sadd.s32 s27, s9  }
0x82: {  	s5 =	smul.u32 $0x204, s5;
	s30 =	sadd.s32 s27, s4;
	s4 =	sand.u32 $0x78, s8  }
0x83: {  	s6 =	sand.u32 $0x78, s16;
	s7 =	sand.u32 $0x78, s7;
	s4 =	smul.u32 $0x204, s4  }
0x84: {  	s16 =	sadd.s32 $0x30, s2;
	s8 =	sadd.s32 $0x20, s2;
	s7 =	smul.u32 $0x204, s7  }
0x85: {  	s2 =	sadd.s32 $0x70, s2;
	s3 =	sshrl.u32 s3, $0x2;
	s4 =	sshrl.u32 s4, $0x2  }
0x86: {  	s5 =	sshrl.u32 s5, $0x2;
	s2 =	sand.u32 $0x78, s2;
	s4 =	sadd.s32 s4, s18  }
0x87: {  	s9 =	sadd.s32 s5, s18;
	s0 =	sadd.s32 s27, s4;
	s4 =	smul.u32 $0x204, s6  }
0x88: {  	s5 =	sand.u32 $0x78, s16;
	s16 =	smul.u32 $0x204, s2;
	s6 =	sand.u32 $0x78, s8  }
0x89: {  	s3 =	sadd.s32 s3, s18;
	s6 =	smul.u32 $0x204, s6;
	s4 =	sshrl.u32 s4, $0x2  }
0x8a: {  	v1 =	vld.idx.msk [tilespmem:v0+s17+$0x0 ss:$0x1], $0xffff;
	s7 =	sshrl.u32 s7, $0x2;
	s1 =	sadd.s32 s27, s3;
	s4 =	sadd.s32 s4, s18  }
0x8b: {  	s3 =	sand.u32 $0x78, s15;
	s6 =	sshrl.u32 s6, $0x2;
	s8 =	sadd.s32 s27, s4  }
0x8c: {  	s15 =	sadd.s32 s6, s18;
	s6 =	sadd.s32 s27, s9;
	s9 =	sshrl.u32 s16, $0x2  }
0x8d: {  	s4 =	sadd.s32 s7, s18;
	s2 =	sadd.s32 s27, s15;
	s15 =	sshrl.u32 s14, $0x2  }
0x8e: {  	s14 =	sadd.s32 s9, s18;
	s7 =	sadd.s32 s15, s18;
	s15 =	sadd.s32 $0xFFFFFC00, s25  }
0x8f: {  	[tilespmem:s28+$0x0 ss:$0x81] =	vst.msk $0xffff, v1;
	v1 =	vld.idx.msk [tilespmem:v0+s17+$0x20 ss:$0x1], $0xffff;
	s16 =	sadd.s32 s27, s14;
	s14 =	sand.u32 $0x3C00, s15  }
0x90: {  	v2 =	vld.idx.msk [tilespmem:v0+s14+$0x70 ss:$0x1], $0xffff  }
0x91: {  	v3 =	vld.idx.msk [tilespmem:v0+s14+$0x0 ss:$0x1], $0xffff  }
0x92: {  	v4 =	vld.idx.msk [tilespmem:v0+s14+$0x10 ss:$0x1], $0xffff  }
0x93: {  	v5 =	vld.idx.msk [tilespmem:v0+s14+$0x20 ss:$0x1], $0xffff  }
0x94: {  	v6 =	vld.idx.msk [tilespmem:v0+s14+$0x30 ss:$0x1], $0xffff  }
0x95: {  	v7 =	vld.idx.msk [tilespmem:v0+s14+$0x40 ss:$0x1], $0xffff;
	[tilespmem:s8+$0x0 ss:$0x81] =	vst.msk $0xffff, v2  }
0x96: {  	s5 =	smul.u32 $0x204, s5;
	v8 =	vld.idx.msk [tilespmem:v0+s14+$0x50 ss:$0x1], $0xffff;
	[tilespmem:s28+$0x0 ss:$0x81] =	vst.msk $0xffff, v3  }
0x97: {  	p2 =	sgt.s32 s21, $0x100;
	s3 =	smul.u32 $0x204, s3;
	v9 =	vld.idx.msk [tilespmem:v0+s14+$0x60 ss:$0x1], $0xffff;
	[tilespmem:s29+$0x0 ss:$0x81] =	vst.msk $0xffff, v4  }
.Ltmp7:
0x98: {  	v4 =	vld.idx.msk [tilespmem:v0+s17+$0x10 ss:$0x1], $0xffff;
	[tilespmem:s30+$0x0 ss:$0x81] =	vst.msk $0xffff, v5;
	(pc) =	sbr.rel @!p2 .LBB1_7-.Ltmp7, $4  }
0x99: {  	s5 =	sshrl.u32 s5, $0x2;
	s3 =	sshrl.u32 s3, $0x2;
	[tilespmem:s1+$0x0 ss:$0x81] =	vst.msk $0xffff, v6;
	v2 =	vld.idx.msk [tilespmem:v0+s17+$0x30 ss:$0x1], $0xffff  }
0x9a: {  	s5 =	sadd.s32 s5, s18;
	s3 =	sadd.s32 s3, s18;
	[tilespmem:s31+$0x0 ss:$0x81] =	vst.msk $0xffff, v7;
	v3 =	vld.idx.msk [tilespmem:v0+s17+$0x40 ss:$0x1], $0xffff  }
0x9b: {  	s5 =	sadd.s32 s27, s5;
	s3 =	sadd.s32 s27, s3;
	s4 =	sadd.s32 s27, s4;
	[tilespmem:s0+$0x0 ss:$0x81] =	vst.msk $0xffff, v8;
	v5 =	vld.idx.msk [tilespmem:v0+s17+$0x50 ss:$0x1], $0xffff  }
0x9c: {  	s7 =	sadd.s32 s27, s7;
	s15 =	sadd.s32 $0x800, s25;
	s14 =	simm.s32 $0x100;
	[tilespmem:s3+$0x0 ss:$0x81] =	vst.msk $0xffff, v9;
	v6 =	vld.idx.msk [tilespmem:v0+s17+$0x60 ss:$0x1], $0xffff  }
.LBB1_6:
0x9d: {  	s9 =	sadd.s32 $0xFFFFFC00, s15;
	s14 =	sadd.s32 $0x100, s14;
	[tilespmem:s6+$0x0 ss:$0x81] =	vst.msk $0xffff, v4;
	v4 =	vld.idx.msk [tilespmem:v0+s17+$0x70 ss:$0x1], $0xffff;
	s17 =	sand.u32 $0x3C00, s15  }
0x9e: {  	s9 =	sand.u32 $0x3C00, s9;
	v7 =	vld.idx.msk [tilespmem:v0+s17+$0x0 ss:$0x1], $0xffff;
	p2 =	slt.s32 s14, s21;
	[tilespmem:s2+$0x0 ss:$0x81] =	vst.msk $0xffff, v1  }
0x9f: {  	v1 =	vld.idx.msk [tilespmem:v0+s9+$0x70 ss:$0x1], $0xffff;
	[tilespmem:s5+$0x0 ss:$0x81] =	vst.msk $0xffff, v2  }
0xa0: {  	v2 =	vld.idx.msk [tilespmem:v0+s9+$0x0 ss:$0x1], $0xffff;
	[tilespmem:s31+$0x0 ss:$0x81] =	vst.msk $0xffff, v3  }
0xa1: {  	v3 =	vld.idx.msk [tilespmem:v0+s9+$0x10 ss:$0x1], $0xffff;
	[tilespmem:s4+$0x0 ss:$0x81] =	vst.msk $0xffff, v5  }
0xa2: {  	v5 =	vld.idx.msk [tilespmem:v0+s9+$0x20 ss:$0x1], $0xffff;
	[tilespmem:s7+$0x0 ss:$0x81] =	vst.msk $0xffff, v6  }
0xa3: {  	v6 =	vld.idx.msk [tilespmem:v0+s9+$0x30 ss:$0x1], $0xffff;
	[tilespmem:s16+$0x0 ss:$0x81] =	vst.msk $0xffff, v4  }
0xa4: {  	v8 =	vld.idx.msk [tilespmem:v0+s9+$0x40 ss:$0x1], $0xffff;
	[tilespmem:s28+$0x0 ss:$0x81] =	vst.msk $0xffff, v7  }
0xa5: {  	v7 =	vld.idx.msk [tilespmem:v0+s9+$0x50 ss:$0x1], $0xffff;
	[tilespmem:s8+$0x0 ss:$0x81] =	vst.msk $0xffff, v1  }
0xa6: {  	[tilespmem:s28+$0x0 ss:$0x81] =	vst.msk $0xffff, v2;
	v9 =	vld.idx.msk [tilespmem:v0+s9+$0x60 ss:$0x1], $0xffff  }
0xa7: {  	[tilespmem:s29+$0x0 ss:$0x81] =	vst.msk $0xffff, v3;
	v4 =	vld.idx.msk [tilespmem:v0+s17+$0x10 ss:$0x1], $0xffff  }
.Ltmp8:
0xa8: {  	[tilespmem:s30+$0x0 ss:$0x81] =	vst.msk $0xffff, v5;
	v1 =	vld.idx.msk [tilespmem:v0+s17+$0x20 ss:$0x1], $0xffff;
	(pc) =	sbr.rel @p2 .LBB1_6-.Ltmp8, $4  }
0xa9: {  	[tilespmem:s1+$0x0 ss:$0x81] =	vst.msk $0xffff, v6;
	v2 =	vld.idx.msk [tilespmem:v0+s17+$0x30 ss:$0x1], $0xffff  }
0xaa: {  	[tilespmem:s31+$0x0 ss:$0x81] =	vst.msk $0xffff, v8;
	v3 =	vld.idx.msk [tilespmem:v0+s17+$0x40 ss:$0x1], $0xffff  }
0xab: {  	[tilespmem:s0+$0x0 ss:$0x81] =	vst.msk $0xffff, v7;
	v5 =	vld.idx.msk [tilespmem:v0+s17+$0x50 ss:$0x1], $0xffff  }
0xac: {  	s15 =	sadd.s32 $0x800, s15;
	[tilespmem:s3+$0x0 ss:$0x81] =	vst.msk $0xffff, v9;
	v6 =	vld.idx.msk [tilespmem:v0+s17+$0x60 ss:$0x1], $0xffff  }
.LBB1_7:
0xad: {  	_ =	sdelay $0x2  }
0xae: {  	[tilespmem:s6+$0x0 ss:$0x81] =	vst.msk $0xffff, v4  }
0xaf: {  	v0 =	vld.idx.msk [tilespmem:v0+s17+$0x70 ss:$0x1], $0xffff;
	[tilespmem:s2+$0x0 ss:$0x81] =	vst.msk $0xffff, v1  }
0xb0: {  	[tilespmem:s5+$0x0 ss:$0x81] =	vst.msk $0xffff, v2  }
0xb1: {  	[tilespmem:s31+$0x0 ss:$0x81] =	vst.msk $0xffff, v3  }
0xb2: {  	[tilespmem:s4+$0x0 ss:$0x81] =	vst.msk $0xffff, v5  }
0xb3: {  	[tilespmem:s7+$0x0 ss:$0x81] =	vst.msk $0xffff, v6  }
0xb4: {  	[tilespmem:s16+$0x0 ss:$0x81] =	vst.msk $0xffff, v0  }
.LBB1_8:
.Ltmp9:
0xb5: {  	(pc) =	sbr.rel @p1 .LBB1_11-.Ltmp9, $1  }
0xb6: {  	_ =	sdelay $0x3  }
0xb7: {  	s1 =	sand.u32 $0x380, s26;
	s0 =	sshrl.u32 s24, $0x4;
	s2 =	sadd.s32 s27, s18  }
0xb8: {  	s3 =	smov.u32 s23;
	s4 =	smov.u32 s21;
	s1 =	sadd.s32 s1, s22  }
.LBB1_10:
0xb9: {  	s5 =	sand.u32 $0x3C00, s3  }
0xba: {  	s5 =	sadd.s32 s26, s5  }
0xbb: {  	s5 =	sand.u32 $0x3C00, s5  }
0xbc: {  	s6 =	sand.u32 $0x70, s4;
	s30 =	sadd.s32 s4, s0;
	s5 =	sadd.s32 s5, s1  }
0xbd: {  	s4 =	sadd.s32 $0x10, s4;
	s31 =	sand.u32 $0x78, s30;
	s5 =	sadd.s32 s6, s5  }
0xbe: {  	p2 =	slt.s32 s4, s20;
	v0 =	vld [tilespmem:s5+$0x0];
	s5 =	smul.u32 $0x204, s31  }
.Ltmp10:
0xbf: {  	_ = 	snop;
	(pc) =	sbr.rel @p2 .LBB1_10-.Ltmp10, $4  }
0xc0: {  	_ = 	snop  }
0xc1: {  	s5 =	sshrl.u32 s5, $0x2  }
0xc2: {  	s5 =	sadd.s32 s5, s2  }
0xc3: {  	s3 =	sadd.s32 $0x80, s3;
	[tilespmem:s5+$0x0 ss:$0x81] =	vst.msk $0xffff, v0  }
.Ltmp11:
0xc4: {  	_ = 	snop;
	(pc) =	sbr.rel .LBB1_11-.Ltmp11, $1  }
0xc5: {  	_ =	sdelay $0x3  }
.LBB1_14:
0xc6: {  	_ =	sfence.sel $0x180000  }
0xc7: {  	s0 =	simm.s32 $0x1;
	[bflag:$0x0] =	sbarrier.arrive $0xFFFF  }
0xc8: {  	s30 =	simm.s32 $0x2;
	[sflag:s0] =	ssyncpa.u1 $0x1  }
0xc9: {  	[sflag:s30] =	ssyncpa.u1 $0x1  }
0xca: {  	_ =	strace $0x9000004A  }
0xcb: {  	s31 =	stileid.u32;
	[bflag:$0x2] =	sbarrier.arrive $0xFFFF  }
0xcc: {  	p0 =	sne.s32 s31, $0x0;
	s0 =	rddreg [dreg:$0x2]  }
0xcd: {  	s0 =	sadd.s32 @!p0 $0x100000, s0  }
0xce: {  	[sflag:s0] =	ssyncadd.tile.s32 @!p0 $0x1;
	_ =	shalt  }
.Lfunc_end1:
_tile_overlayer_lowered:
.L_overlay_start_2:
0xcf: {  	(tag) =	ssettag $0x2  }
0xd0: {  	s0 =	rddreg [dreg:$0x0];
	s2 =	stileid.u32  }
0xd1: {  	s1 =	rddreg [dreg:$0x1];
	p0 =	sne.s32 s2, $0x0  }
0xd2: {  	s3 =	rddreg [dreg:$0x2];
	[bflag:$0x3] =	sbarrier.arrive $0xFFFF;
	s2 =	simm.s32 @!p0 $0x1C01  }
0xd3: {  	[timem:s3], [sflag:s2] =	dma.local @!p0 [hbm:s0], s1  }
0xd4: {  	s0 =	simm.s32 @!p0 $0x1  }
0xd5: {  	_ =	swait.ge @!p0 [sflag:s0], s1  }
0xd6: {  	s1 =	ssub.s32 @!p0 $0x0, s1;
	[sflag:s0] =	ssyncset.done @!p0 $0x0  }
0xd7: {  	[sflag:s0] =	ssyncadd.s32 @!p0 s1  }
0xd8: {  	[bflag:$0x3] =	sbarrier.arrive $0xFFFF  }
0xd9: {  	_ =	shalt  }

</sc_bundles>
